<compile_context>
chip_gen: v7x
topology: tpu7x:2x2x1
jax: 0.10.2.dev20260603
libtpu: 0.0.44.dev20260713+nightly
codegen_flags: <defaults>
</compile_context>

<pallas_src>
import functools

import jax
import jax.numpy as jnp
from jax import lax
from jax.experimental import pallas as pl
from jax.experimental.pallas import tpu as pltpu
from jax.experimental.pallas import tpu_sc as plsc

_BATCH = 4096
_SEQ = 200
_EMB = 64
_D1 = 16
_VOC = 1000000
_NC = 2
_NS = 16
_NW = _NC * _NS
_RPW = _BATCH // _NW
_C0 = 104
_C1 = _SEQ - _C0
_W = 2 * _EMB

_LANES = 16
_NCH = _EMB // _LANES

_SLAB = 256
_SPW = 126
_NFULL = _VOC // _SLAB
_TAIL = _VOC - _NFULL * _SLAB


def _tr_body(tt_hbm, tail_hbm, out_hbm, slab_a, slab_b, obuf_a, obuf_b,
             tail_v, sem_a, sem_b, osem_a, osem_b):
    wid = lax.axis_index("s") * _NC + lax.axis_index("c")
    slabs = (slab_a, slab_b)
    obufs = (obuf_a, obuf_b)
    sems = (sem_a, sem_b)
    osems = (osem_a, osem_b)
    s0 = wid * _SPW
    nfull = jnp.where(wid < _NW - 1, _SPW, _NFULL - (_NW - 1) * _SPW)

    def stage(s, buf, sem):
        col = pl.multiple_of(s * _SLAB, 128)
        pltpu.async_copy(tt_hbm.at[:, pl.ds(col, _SLAB)], buf, sem)

    def stage_wait(buf, sem):
        pltpu.make_async_copy(tt_hbm.at[:, pl.ds(0, _SLAB)], buf,
                              sem).wait()

    lanes = lax.iota(jnp.int32, _LANES)
    evs = tuple(lanes + c * _LANES for c in range(_NCH))
    zero16 = jnp.zeros((_LANES,), jnp.int32)

    def transpose(s, slab, obuf, osem, n_out):
        @plsc.parallel_loop(0, n_out, unroll=8)
        def row_body(kl):
            for half in range(2):
                jv = zero16 + (kl * 2 + half)
                for c in range(_NCH):
                    vals = plsc.load_gather(slab, [evs[c], jv])
                    obuf[kl,
                         pl.ds(half * _EMB + c * _LANES, _LANES)] = vals

        row0 = pl.multiple_of(s * (_SLAB // 2), 8)
        pltpu.async_copy(obuf.at[pl.ds(0, n_out), :],
                         out_hbm.at[pl.ds(row0, n_out), :], osem)

    def owait(obuf, osem, n_out):
        pltpu.make_async_copy(obuf.at[pl.ds(0, n_out), :],
                              out_hbm.at[pl.ds(0, n_out), :], osem).wait()

    @pl.when(nfull > 0)
    def _():
        stage(s0, slabs[0], sems[0])

    def pair(p, carry):
        for par in (0, 1):
            sl = p * 2 + par
            s = s0 + sl

            @pl.when(sl + 1 < nfull)
            def _():
                stage(s + 1, slabs[1 - par], sems[1 - par])

            @pl.when(sl < nfull)
            def _():
                stage_wait(slabs[par], sems[par])
                @pl.when(sl >= 2)
                def _():
                    owait(obufs[par], osems[par], _SLAB // 2)
                transpose(s, slabs[par], obufs[par], osems[par],
                          _SLAB // 2)
        return carry

    lax.fori_loop(0, (_SPW + 1) // 2, pair, 0)

    @pl.when(nfull >= 2)
    def _():
        owait(obufs[0], osems[0], _SLAB // 2)

    @pl.when(nfull >= 1)
    def _():
        owait(obufs[1], osems[1], _SLAB // 2)

    @pl.when(wid == _NW - 1)
    def _():
        pltpu.sync_copy(tail_hbm, tail_v)

        def tail_row(kl, carry):
            for half in range(2):
                for c in range(_NCH):
                    obuf_a[kl, pl.ds(half * _EMB + c * _LANES, _LANES)] = \
                        tail_v[kl * 2 + half, pl.ds(c * _LANES, _LANES)]
            return carry

        lax.fori_loop(0, _TAIL // 2, tail_row, 0)
        row0 = _NFULL * (_SLAB // 2)
        pltpu.async_copy(obuf_a.at[pl.ds(0, _TAIL // 2), :],
                         out_hbm.at[pl.ds(row0, _TAIL // 2), :], osem_a)
        owait(obuf_a, osem_a, _TAIL // 2)


def _transpose_table(table_t, table_tail):
    mesh = plsc.VectorSubcoreMesh(core_axis_name="c", subcore_axis_name="s")
    f = pl.kernel(
        _tr_body,
        out_type=jax.ShapeDtypeStruct((_VOC // 2, _W), jnp.float32),
        mesh=mesh,
        scratch_types=[
            pltpu.VMEM((_EMB, _SLAB), jnp.float32),
            pltpu.VMEM((_EMB, _SLAB), jnp.float32),
            pltpu.VMEM((_SLAB // 2, _W), jnp.float32),
            pltpu.VMEM((_SLAB // 2, _W), jnp.float32),
            pltpu.VMEM((_TAIL, _EMB), jnp.float32),
            pltpu.SemaphoreType.DMA,
            pltpu.SemaphoreType.DMA,
            pltpu.SemaphoreType.DMA,
            pltpu.SemaphoreType.DMA,
        ],
        compiler_params=pltpu.CompilerParams(needs_layout_passes=False),
    )
    return f(table_t, table_tail)


def _pool_body(idx_hbm, po_hbm, table_hbm, out_hbm, idx_v, po_v,
               rows_a, rows_b, out_v, sem_a, sem_b):
    wid = lax.axis_index("s") * _NC + lax.axis_index("c")
    base = wid * _RPW
    pltpu.sync_copy(idx_hbm.at[pl.ds(wid * (_RPW * _SEQ), _RPW * _SEQ)],
                    idx_v)
    pltpu.sync_copy(po_hbm.at[pl.ds(wid * (_RPW * _SEQ), _RPW * _SEQ)],
                    po_v.at[pl.ds(0, _RPW * _SEQ)])

    bufs = (rows_a, rows_b)
    sems = (sem_a, sem_b)

    def issue(r, buf, sem):
        off = pl.multiple_of(r * _SEQ, 8)
        pltpu.async_copy(
            table_hbm.at[idx_v.at[pl.ds(off, _C0)]],
            buf.at[pl.ds(0, _C0), :], sem)
        pltpu.async_copy(
            table_hbm.at[idx_v.at[pl.ds(off + _C0, _C1)]],
            buf.at[pl.ds(_C0, _C1), :], sem)

    def drain(r, buf, sem):
        off = pl.multiple_of(r * _SEQ, 8)
        pltpu.make_async_copy(
            table_hbm.at[idx_v.at[pl.ds(off, _C0)]],
            buf.at[pl.ds(0, _C0), :], sem).wait()
        pltpu.make_async_copy(
            table_hbm.at[idx_v.at[pl.ds(off + _C0, _C1)]],
            buf.at[pl.ds(_C0, _C1), :], sem).wait()

    def consume(r, buf):
        off = r * _SEQ

        def acc_body(g, carry):
            a, b = carry
            j = g * 8
            po16 = po_v[pl.ds(pl.multiple_of(off + j, 8), _LANES)]
            for k in range(8):
                p = pl.multiple_of(po16[k], 8)
                src = tuple(
                    buf[j + k, pl.ds(p + c * _LANES, _LANES)]
                    for c in range(_NCH))
                if k % 2 == 0:
                    a = tuple(a[c] + src[c] for c in range(_NCH))
                else:
                    b = tuple(b[c] + src[c] for c in range(_NCH))
            return a, b

        zeros = tuple(jnp.zeros((_LANES,), jnp.float32)
                      for _ in range(_NCH))
        a, b = lax.fori_loop(0, _SEQ // 8, acc_body, (zeros, zeros))
        for c in range(_NCH):
            out_v[r, pl.ds(c * _LANES, _LANES)] = \
                (a[c] + b[c]) * (1.0 / _SEQ)

    issue(0, bufs[0], sems[0])

    def pair(p, carry):
        for par in (0, 1):
            r = p * 2 + par
            nxt = r + 1

            @pl.when(nxt < _RPW)
            def _():
                issue(nxt, bufs[1 - par], sems[1 - par])

            drain(r, bufs[par], sems[par])
            consume(r, bufs[par])
        return carry

    lax.fori_loop(0, _RPW // 2, pair, 0)
    pltpu.sync_copy(out_v, out_hbm.at[pl.ds(base, _RPW), :])


def _pool(idx_half, par_off, table2):
    mesh = plsc.VectorSubcoreMesh(core_axis_name="c", subcore_axis_name="s")
    f = pl.kernel(
        _pool_body,
        out_type=jax.ShapeDtypeStruct((_BATCH, _EMB), jnp.float32),
        mesh=mesh,
        scratch_types=[
            pltpu.VMEM((_RPW * _SEQ,), jnp.int32),
            pltpu.VMEM((_RPW * _SEQ + _LANES,), jnp.int32),
            pltpu.VMEM((_SEQ, _W), jnp.float32),
            pltpu.VMEM((_SEQ, _W), jnp.float32),
            pltpu.VMEM((_RPW, _EMB), jnp.float32),
            pltpu.SemaphoreType.DMA,
            pltpu.SemaphoreType.DMA,
        ],
    )
    return f(idx_half, par_off, table2)


def _mlp_body(pooled_ref, w1_ref, b1_ref, w2_ref, b2_ref, out_ref):
    h = jnp.dot(pooled_ref[...], w1_ref[...],
                preferred_element_type=jnp.float32) + b1_ref[...]
    h = jnp.maximum(h, 0.0)
    z = jnp.dot(h, w2_ref[...], preferred_element_type=jnp.float32)
    z = z + b2_ref[...]
    out_ref[...] = 1.0 / (1.0 + jnp.exp(-z))


def kernel(inputs, emb_table, W1, b1, W2, b2):
    idx = inputs.astype(jnp.int32).reshape(-1)
    idx_half = idx // 2
    par_off = (idx & 1) * _EMB
    table2 = _transpose_table(emb_table.T,
                              emb_table[_NFULL * _SLAB:, :])
    pooled = _pool(idx_half, par_off, table2)
    out = pl.pallas_call(
        _mlp_body,
        out_shape=jax.ShapeDtypeStruct((_BATCH, 1), jnp.float32),
    )(pooled, W1, b1.reshape(1, _D1), W2, b2.reshape(1, 1))
    return out

# --- scband reference (transcript-rebuilt; emitter-appended) ---
"""Pipeline reference for scband-basic-embedding-53034256171760 (READ-ONLY COPY).

The authoritative reference and input builder live on the scoring server;
editing this copy changes nothing except your own understanding.
"""

import jax, jax.numpy as jnp
import numpy as np

VOCAB = 1000000
EMB_DIM = 64
BATCH = 4096
SEQ = 200
D1 = 16
D2 = 1

def setup_inputs(seed: int = 0) -> dict:
    key = jax.random.key(seed)
    k_idx, k_tab, k_w1, k_b1, k_w2, k_b2 = jax.random.split(key, 6)
    inputs = jax.random.randint(k_idx, (BATCH, SEQ), 0, VOCAB, dtype=jnp.int64 if jax.config.jax_enable_x64 else jnp.int32)
    emb_table = jax.random.normal(k_tab, (VOCAB, EMB_DIM), dtype=jnp.float32) * 0.05
    W1 = jax.random.normal(k_w1, (EMB_DIM, D1), dtype=jnp.float32) * (1.0 / np.sqrt(EMB_DIM))
    b1 = jnp.zeros((D1,), dtype=jnp.float32)
    W2 = jax.random.normal(k_w2, (D1, D2), dtype=jnp.float32) * (1.0 / np.sqrt(D1))
    b2 = jnp.zeros((D2,), dtype=jnp.float32)
    return {"inputs": inputs, "emb_table": emb_table, "W1": W1, "b1": b1, "W2": W2, "b2": b2}

def reference(inputs, emb_table, W1, b1, W2, b2):
    # Embedding lookup: [B, S] -> [B, S, E]
    e = jnp.take(emb_table, inputs, axis=0)
    # GlobalAveragePooling1D over the sequence axis (no mask, mask_zero=False)
    pooled = jnp.mean(e, axis=1)
    # Dense(16, relu)
    h = jax.nn.relu(pooled @ W1 + b1)
    # Dropout is identity at inference
    # Dense(1, sigmoid)
    out = jax.nn.sigmoid(h @ W2 + b2)
    return out

if __name__ == "__main__":
    import jax
    _d = setup_inputs()
    print(jax.jit(kernel)(*tuple(_d.values())))

</pallas_src>

<mosaic_0001>
#map = affine_map<(d0, d1) -> (0, 0)>
module attributes {stable_mosaic.version = 14 : i64} {
  func.func @_tr_body(%arg0: i32, %arg1: i32, %arg2: memref<64x1000000xf32, #tpu.memory_space<hbm>>, %arg3: memref<64x64xf32, #tpu.memory_space<hbm>>, %arg4: memref<500000x128xf32, #tpu.memory_space<hbm>>, %arg5: memref<64x256xf32, #tpu.memory_space<vmem>>, %arg6: memref<64x256xf32, #tpu.memory_space<vmem>>, %arg7: memref<128x128xf32, #tpu.memory_space<vmem>>, %arg8: memref<128x128xf32, #tpu.memory_space<vmem>>, %arg9: memref<64x64xf32, #tpu.memory_space<vmem>>, %arg10: memref<!tpu.dma_semaphore, #tpu.memory_space<semaphore_mem>>, %arg11: memref<!tpu.dma_semaphore, #tpu.memory_space<semaphore_mem>>, %arg12: memref<!tpu.dma_semaphore, #tpu.memory_space<semaphore_mem>>, %arg13: memref<!tpu.dma_semaphore, #tpu.memory_space<semaphore_mem>>) attributes {dimension_semantics = [#tpu.dimension_semantics<core_parallel>, #tpu.dimension_semantics<subcore_parallel>], iteration_bounds = array<i64: 2, 16>, scalar_prefetch = 0 : i64, scratch_operands = 9 : i64, tpu.core_type = #tpu.core_type<sc_vector_subcore>, window_params = [{transform_indices = #map}, {transform_indices = #map}, {transform_indices = #map}]} {
    %mul3A = arith.constant 2 : i32
    %mul3A_0 = arith.muli %arg1, %mul3A : i32
    %add3A = arith.addi %mul3A_0, %arg0 : i32
    %mul3A_1 = arith.constant 126 : i32
    %mul3A_2 = arith.muli %add3A, %mul3A_1 : i32
    %lt3A = arith.constant 31 : i32
    %lt3A_3 = arith.cmpi slt, %add3A, %lt3A : i32
    %jit3A = arith.constant 126 : i32
    %jit3A_4 = arith.constant 0 : i32
    %select_n3A = arith.select %lt3A_3, %jit3A, %jit3A_4 : i32
    %iota3A = tpu.iota {dimensions = array<i32: 0>} : vector<16xi32>
    %add3A_5 = arith.constant 0 : i32
    %add3A_6 = vector.broadcast %add3A_5 : i32 to vector<16xi32>
    %add3A_7 = arith.addi %iota3A, %add3A_6 : vector<16xi32>
    %add3A_8 = arith.constant 16 : i32
    %add3A_9 = vector.broadcast %add3A_8 : i32 to vector<16xi32>
    %add3A_10 = arith.addi %iota3A, %add3A_9 : vector<16xi32>
    %add3A_11 = arith.constant 32 : i32
    %add3A_12 = vector.broadcast %add3A_11 : i32 to vector<16xi32>
    %add3A_13 = arith.addi %iota3A, %add3A_12 : vector<16xi32>
    %add3A_14 = arith.constant 48 : i32
    %add3A_15 = vector.broadcast %add3A_14 : i32 to vector<16xi32>
    %add3A_16 = arith.addi %iota3A, %add3A_15 : vector<16xi32>
    %broadcast_in_dim3A = arith.constant 0 : i32
    %broadcast_in_dim3A_17 = vector.broadcast %broadcast_in_dim3A : i32 to vector<16xi32>
    %gt3A = arith.constant 0 : i32
    %gt3A_18 = arith.cmpi sgt, %select_n3A, %gt3A : i32
    %convert_element_type3A = arith.extui %gt3A_18 : i1 to i32
    %cond3A = arith.constant 0 : i32
    %cond3A_19 = arith.cmpi ne, %convert_element_type3A, %cond3A : i32
    scf.if %cond3A_19 {
      %mul3A_38 = arith.constant 256 : i32
      %mul3A_39 = arith.muli %mul3A_2, %mul3A_38 : i32
      %multiple_of3A = tpu.assume_multiple %mul3A_39, 128 : i32
      %dma_start3A = arith.constant 0 : i32
      %dma_start3A_40 = tpu.memref_slice %arg2[%dma_start3A, %multiple_of3A] : memref<64x1000000xf32, #tpu.memory_space<hbm>> -> memref<64x256xf32, #tpu.memory_space<hbm>>
      %dma_start3A_41 = arith.constant 0 : i32
      %dma_start3A_42 = tpu.memref_slice %arg2[%dma_start3A_41, %multiple_of3A] : memref<64x1000000xf32, #tpu.memory_space<hbm>> -> memref<64x256xf32, #tpu.memory_space<hbm>>
      tpu.enqueue_dma source(%dma_start3A_42 : memref<64x256xf32, #tpu.memory_space<hbm>>) target(%arg5 : memref<64x256xf32, #tpu.memory_space<vmem>>) target_semaphore(%arg10 : memref<!tpu.dma_semaphore, #tpu.memory_space<semaphore_mem>>)
    } else {
    }
    %scan3A = arith.constant 0 : i32
    %scan3A_20 = arith.constant 0 : i32
    %scan3A_21 = arith.constant 63 : i32
    %scan3A_22 = arith.addi %scan3A_20, %scan3A_21 : i32
    %scan3A_23 = arith.constant 1 : i32
    scf.for %scan3A_38 = %scan3A_20 to %scan3A_22 step %scan3A_23  : i32 {
      %mul3A_39 = arith.constant 2 : i32
      %mul3A_40 = arith.muli %scan3A_38, %mul3A_39 : i32
      %add3A_41 = arith.constant 0 : i32
      %add3A_42 = arith.addi %mul3A_40, %add3A_41 : i32
      %add3A_43 = arith.addi %mul3A_2, %add3A_42 : i32
      %add3A_44 = arith.constant 1 : i32
      %add3A_45 = arith.addi %add3A_42, %add3A_44 : i32
      %lt3A_46 = arith.cmpi slt, %add3A_45, %select_n3A : i32
      %convert_element_type3A_47 = arith.extui %lt3A_46 : i1 to i32
      %cond3A_48 = arith.constant 0 : i32
      %cond3A_49 = arith.cmpi ne, %convert_element_type3A_47, %cond3A_48 : i32
      scf.if %cond3A_49 {
        %add3A_69 = arith.constant 1 : i32
        %add3A_70 = arith.addi %add3A_43, %add3A_69 : i32
        %mul3A_71 = arith.constant 256 : i32
        %mul3A_72 = arith.muli %add3A_70, %mul3A_71 : i32
        %multiple_of3A = tpu.assume_multiple %mul3A_72, 128 : i32
        %dma_start3A = arith.constant 0 : i32
        %dma_start3A_73 = tpu.memref_slice %arg2[%dma_start3A, %multiple_of3A] : memref<64x1000000xf32, #tpu.memory_space<hbm>> -> memref<64x256xf32, #tpu.memory_space<hbm>>
        %dma_start3A_74 = arith.constant 0 : i32
        %dma_start3A_75 = tpu.memref_slice %arg2[%dma_start3A_74, %multiple_of3A] : memref<64x1000000xf32, #tpu.memory_space<hbm>> -> memref<64x256xf32, #tpu.memory_space<hbm>>
        tpu.enqueue_dma source(%dma_start3A_75 : memref<64x256xf32, #tpu.memory_space<hbm>>) target(%arg6 : memref<64x256xf32, #tpu.memory_space<vmem>>) target_semaphore(%arg11 : memref<!tpu.dma_semaphore, #tpu.memory_space<semaphore_mem>>)
      } else {
      }
      %lt3A_50 = arith.cmpi slt, %add3A_42, %select_n3A : i32
      %convert_element_type3A_51 = arith.extui %lt3A_50 : i1 to i32
      %cond3A_52 = arith.constant 0 : i32
      %cond3A_53 = arith.cmpi ne, %convert_element_type3A_51, %cond3A_52 : i32
      scf.if %cond3A_53 {
        %dma_wait3A = arith.constant 0 : i32
        %dma_wait3A_69 = arith.constant 0 : i32
        %dma_wait3A_70 = tpu.memref_slice %arg2[%dma_wait3A, %dma_wait3A_69] : memref<64x1000000xf32, #tpu.memory_space<hbm>> -> memref<64x256xf32, #tpu.memory_space<hbm>>
        %dma_wait3A_71 = arith.constant 0 : i32
        %dma_wait3A_72 = arith.constant 0 : i32
        %dma_wait3A_73 = tpu.memref_slice %arg2[%dma_wait3A_71, %dma_wait3A_72] : memref<64x1000000xf32, #tpu.memory_space<hbm>> -> memref<64x256xf32, #tpu.memory_space<hbm>>
        tpu.wait_dma2 semaphore(%arg10 : memref<!tpu.dma_semaphore, #tpu.memory_space<semaphore_mem>>) src(%dma_wait3A_73 : memref<64x256xf32, #tpu.memory_space<hbm>>) dst(%arg5 : memref<64x256xf32, #tpu.memory_space<vmem>>)
        %ge3A_74 = arith.constant 2 : i32
        %ge3A_75 = arith.cmpi sge, %add3A_42, %ge3A_74 : i32
        %convert_element_type3A_76 = arith.extui %ge3A_75 : i1 to i32
        %cond3A_77 = arith.constant 0 : i32
        %cond3A_78 = arith.cmpi ne, %convert_element_type3A_76, %cond3A_77 : i32
        scf.if %cond3A_78 {
          %dma_wait3A_92 = arith.constant 0 : i32
          %dma_wait3A_93 = arith.constant 0 : i32
          %dma_wait3A_94 = tpu.memref_slice %arg7[%dma_wait3A_92, %dma_wait3A_93] : memref<128x128xf32, #tpu.memory_space<vmem>> -> memref<128x128xf32, #tpu.memory_space<vmem>>
          %dma_wait3A_95 = arith.constant 0 : i32
          %dma_wait3A_96 = arith.constant 0 : i32
          %dma_wait3A_97 = tpu.memref_slice %arg4[%dma_wait3A_95, %dma_wait3A_96] : memref<500000x128xf32, #tpu.memory_space<hbm>> -> memref<128x128xf32, #tpu.memory_space<hbm>>
          %dma_wait3A_98 = arith.constant 0 : i32
          %dma_wait3A_99 = arith.constant 0 : i32
          %dma_wait3A_100 = tpu.memref_slice %arg4[%dma_wait3A_98, %dma_wait3A_99] : memref<500000x128xf32, #tpu.memory_space<hbm>> -> memref<128x128xf32, #tpu.memory_space<hbm>>
          %dma_wait3A_101 = arith.constant 0 : i32
          %dma_wait3A_102 = arith.constant 0 : i32
          %dma_wait3A_103 = tpu.memref_slice %arg7[%dma_wait3A_101, %dma_wait3A_102] : memref<128x128xf32, #tpu.memory_space<vmem>> -> memref<128x128xf32, #tpu.memory_space<vmem>>
          tpu.wait_dma2 semaphore(%arg12 : memref<!tpu.dma_semaphore, #tpu.memory_space<semaphore_mem>>) src(%dma_wait3A_103 : memref<128x128xf32, #tpu.memory_space<vmem>>) dst(%dma_wait3A_100 : memref<128x128xf32, #tpu.memory_space<hbm>>)
        } else {
        }
        %parallel_loop3A = arith.constant 0 : i32
        %parallel_loop3A_79 = arith.constant 128 : i32
        %parallel_loop3A_80 = arith.constant 1 : i32
        scf.for %parallel_loop3A_92 = %parallel_loop3A to %parallel_loop3A_79 step %parallel_loop3A_80  : i32 {
          %parallel_loop3A_93 = arith.constant 2 : i32
          %parallel_loop3A_94 = arith.muli %parallel_loop3A_92, %parallel_loop3A_93 : i32
          %parallel_loop3A_95 = arith.constant 0 : i32
          %parallel_loop3A_96 = arith.addi %parallel_loop3A_94, %parallel_loop3A_95 : i32
          %parallel_loop3A_97 = vector.broadcast %parallel_loop3A_96 : i32 to vector<16xi32>
          %parallel_loop3A_98 = arith.addi %broadcast_in_dim3A_17, %parallel_loop3A_97 : vector<16xi32>
          %parallel_loop3A_99 = tpu.vector_load_idx %arg5[%add3A_7, %parallel_loop3A_98] : memref<64x256xf32, #tpu.memory_space<vmem>>[vector<16xi32>, vector<16xi32>], vector<16xf32>,
          %parallel_loop3A_100 = arith.index_cast %parallel_loop3A_92 : i32 to index
          %parallel_loop3A_101 = arith.constant 0 : index
          %parallel_loop3A_102 = tpu.vector_load %arg7[%parallel_loop3A_100, %parallel_loop3A_101] {strides = array<i32>} : memref<128x128xf32, #tpu.memory_space<vmem>>, vector<16xf32>,
          tpu.vector_store %arg7[%parallel_loop3A_100, %parallel_loop3A_101], %parallel_loop3A_99 {strides = array<i32>} : memref<128x128xf32, #tpu.memory_space<vmem>>, vector<16xf32>,
          %parallel_loop3A_103 = tpu.vector_load_idx %arg5[%add3A_10, %parallel_loop3A_98] : memref<64x256xf32, #tpu.memory_space<vmem>>[vector<16xi32>, vector<16xi32>], vector<16xf32>,
          %parallel_loop3A_104 = arith.index_cast %parallel_loop3A_92 : i32 to index
          %parallel_loop3A_105 = arith.constant 16 : index
          %parallel_loop3A_106 = tpu.vector_load %arg7[%parallel_loop3A_104, %parallel_loop3A_105] {strides = array<i32>} : memref<128x128xf32, #tpu.memory_space<vmem>>, vector<16xf32>,
          tpu.vector_store %arg7[%parallel_loop3A_104, %parallel_loop3A_105], %parallel_loop3A_103 {strides = array<i32>} : memref<128x128xf32, #tpu.memory_space<vmem>>, vector<16xf32>,
          %parallel_loop3A_107 = tpu.vector_load_idx %arg5[%add3A_13, %parallel_loop3A_98] : memref<64x256xf32, #tpu.memory_space<vmem>>[vector<16xi32>, vector<16xi32>], vector<16xf32>,
          %parallel_loop3A_108 = arith.index_cast %parallel_loop3A_92 : i32 to index
          %parallel_loop3A_109 = arith.constant 32 : index
          %parallel_loop3A_110 = tpu.vector_load %arg7[%parallel_loop3A_108, %parallel_loop3A_109] {strides = array<i32>} : memref<128x128xf32, #tpu.memory_space<vmem>>, vector<16xf32>,
          tpu.vector_store %arg7[%parallel_loop3A_108, %parallel_loop3A_109], %parallel_loop3A_107 {strides = array<i32>} : memref<128x128xf32, #tpu.memory_space<vmem>>, vector<16xf32>,
          %parallel_loop3A_111 = tpu.vector_load_idx %arg5[%add3A_16, %parallel_loop3A_98] : memref<64x256xf32, #tpu.memory_space<vmem>>[vector<16xi32>, vector<16xi32>], vector<16xf32>,
          %parallel_loop3A_112 = arith.index_cast %parallel_loop3A_92 : i32 to index
          %parallel_loop3A_113 = arith.constant 48 : index
          %parallel_loop3A_114 = tpu.vector_load %arg7[%parallel_loop3A_112, %parallel_loop3A_113] {strides = array<i32>} : memref<128x128xf32, #tpu.memory_space<vmem>>, vector<16xf32>,
          tpu.vector_store %arg7[%parallel_loop3A_112, %parallel_loop3A_113], %parallel_loop3A_111 {strides = array<i32>} : memref<128x128xf32, #tpu.memory_space<vmem>>, vector<16xf32>,
          %parallel_loop3A_115 = arith.constant 2 : i32
          %parallel_loop3A_116 = arith.muli %parallel_loop3A_92, %parallel_loop3A_115 : i32
          %parallel_loop3A_117 = arith.constant 1 : i32
          %parallel_loop3A_118 = arith.addi %parallel_loop3A_116, %parallel_loop3A_117 : i32
          %parallel_loop3A_119 = vector.broadcast %parallel_loop3A_118 : i32 to vector<16xi32>
          %parallel_loop3A_120 = arith.addi %broadcast_in_dim3A_17, %parallel_loop3A_119 : vector<16xi32>
          %parallel_loop3A_121 = tpu.vector_load_idx %arg5[%add3A_7, %parallel_loop3A_120] : memref<64x256xf32, #tpu.memory_space<vmem>>[vector<16xi32>, vector<16xi32>], vector<16xf32>,
          %parallel_loop3A_122 = arith.index_cast %parallel_loop3A_92 : i32 to index
          %parallel_loop3A_123 = arith.constant 64 : index
          %parallel_loop3A_124 = tpu.vector_load %arg7[%parallel_loop3A_122, %parallel_loop3A_123] {strides = array<i32>} : memref<128x128xf32, #tpu.memory_space<vmem>>, vector<16xf32>,
          tpu.vector_store %arg7[%parallel_loop3A_122, %parallel_loop3A_123], %parallel_loop3A_121 {strides = array<i32>} : memref<128x128xf32, #tpu.memory_space<vmem>>, vector<16xf32>,
          %parallel_loop3A_125 = tpu.vector_load_idx %arg5[%add3A_10, %parallel_loop3A_120] : memref<64x256xf32, #tpu.memory_space<vmem>>[vector<16xi32>, vector<16xi32>], vector<16xf32>,
          %parallel_loop3A_126 = arith.index_cast %parallel_loop3A_92 : i32 to index
          %parallel_loop3A_127 = arith.constant 80 : index
          %parallel_loop3A_128 = tpu.vector_load %arg7[%parallel_loop3A_126, %parallel_loop3A_127] {strides = array<i32>} : memref<128x128xf32, #tpu.memory_space<vmem>>, vector<16xf32>,
          tpu.vector_store %arg7[%parallel_loop3A_126, %parallel_loop3A_127], %parallel_loop3A_125 {strides = array<i32>} : memref<128x128xf32, #tpu.memory_space<vmem>>, vector<16xf32>,
          %parallel_loop3A_129 = tpu.vector_load_idx %arg5[%add3A_13, %parallel_loop3A_120] : memref<64x256xf32, #tpu.memory_space<vmem>>[vector<16xi32>, vector<16xi32>], vector<16xf32>,
          %parallel_loop3A_130 = arith.index_cast %parallel_loop3A_92 : i32 to index
          %parallel_loop3A_131 = arith.constant 96 : index
          %parallel_loop3A_132 = tpu.vector_load %arg7[%parallel_loop3A_130, %parallel_loop3A_131] {strides = array<i32>} : memref<128x128xf32, #tpu.memory_space<vmem>>, vector<16xf32>,
          tpu.vector_store %arg7[%parallel_loop3A_130, %parallel_loop3A_131], %parallel_loop3A_129 {strides = array<i32>} : memref<128x128xf32, #tpu.memory_space<vmem>>, vector<16xf32>,
          %parallel_loop3A_133 = tpu.vector_load_idx %arg5[%add3A_16, %parallel_loop3A_120] : memref<64x256xf32, #tpu.memory_space<vmem>>[vector<16xi32>, vector<16xi32>], vector<16xf32>,
          %parallel_loop3A_134 = arith.index_cast %parallel_loop3A_92 : i32 to index
          %parallel_loop3A_135 = arith.constant 112 : index
          %parallel_loop3A_136 = tpu.vector_load %arg7[%parallel_loop3A_134, %parallel_loop3A_135] {strides = array<i32>} : memref<128x128xf32, #tpu.memory_space<vmem>>, vector<16xf32>,
          tpu.vector_store %arg7[%parallel_loop3A_134, %parallel_loop3A_135], %parallel_loop3A_133 {strides = array<i32>} : memref<128x128xf32, #tpu.memory_space<vmem>>, vector<16xf32>,
        } {sc.loop_unroll_factor = 8 : i64, sc.parallel_access}
        %mul3A_81 = arith.constant 128 : i32
        %mul3A_82 = arith.muli %add3A_43, %mul3A_81 : i32
        %multiple_of3A = tpu.assume_multiple %mul3A_82, 8 : i32
        %dma_start3A = arith.constant 0 : i32
        %dma_start3A_83 = arith.constant 0 : i32
        %dma_start3A_84 = tpu.memref_slice %arg7[%dma_start3A, %dma_start3A_83] : memref<128x128xf32, #tpu.memory_space<vmem>> -> memref<128x128xf32, #tpu.memory_space<vmem>>
        %dma_start3A_85 = arith.constant 0 : i32
        %dma_start3A_86 = tpu.memref_slice %arg4[%multiple_of3A, %dma_start3A_85] : memref<500000x128xf32, #tpu.memory_space<hbm>> -> memref<128x128xf32, #tpu.memory_space<hbm>>
        %dma_start3A_87 = arith.constant 0 : i32
        %dma_start3A_88 = tpu.memref_slice %arg4[%multiple_of3A, %dma_start3A_87] : memref<500000x128xf32, #tpu.memory_space<hbm>> -> memref<128x128xf32, #tpu.memory_space<hbm>>
        %dma_start3A_89 = arith.constant 0 : i32
        %dma_start3A_90 = arith.constant 0 : i32
        %dma_start3A_91 = tpu.memref_slice %arg7[%dma_start3A_89, %dma_start3A_90] : memref<128x128xf32, #tpu.memory_space<vmem>> -> memref<128x128xf32, #tpu.memory_space<vmem>>
        tpu.enqueue_dma source(%dma_start3A_91 : memref<128x128xf32, #tpu.memory_space<vmem>>) target(%dma_start3A_88 : memref<128x128xf32, #tpu.memory_space<hbm>>) target_semaphore(%arg12 : memref<!tpu.dma_semaphore, #tpu.memory_space<semaphore_mem>>)
      } else {
      }
      %mul3A_54 = arith.constant 2 : i32
      %mul3A_55 = arith.muli %scan3A_38, %mul3A_54 : i32
      %add3A_56 = arith.constant 1 : i32
      %add3A_57 = arith.addi %mul3A_55, %add3A_56 : i32
      %add3A_58 = arith.addi %mul3A_2, %add3A_57 : i32
      %add3A_59 = arith.constant 1 : i32
      %add3A_60 = arith.addi %add3A_57, %add3A_59 : i32
      %lt3A_61 = arith.cmpi slt, %add3A_60, %select_n3A : i32
      %convert_element_type3A_62 = arith.extui %lt3A_61 : i1 to i32
      %cond3A_63 = arith.constant 0 : i32
      %cond3A_64 = arith.cmpi ne, %convert_element_type3A_62, %cond3A_63 : i32
      scf.if %cond3A_64 {
        %add3A_69 = arith.constant 1 : i32
        %add3A_70 = arith.addi %add3A_58, %add3A_69 : i32
        %mul3A_71 = arith.constant 256 : i32
        %mul3A_72 = arith.muli %add3A_70, %mul3A_71 : i32
        %multiple_of3A = tpu.assume_multiple %mul3A_72, 128 : i32
        %dma_start3A = arith.constant 0 : i32
        %dma_start3A_73 = tpu.memref_slice %arg2[%dma_start3A, %multiple_of3A] : memref<64x1000000xf32, #tpu.memory_space<hbm>> -> memref<64x256xf32, #tpu.memory_space<hbm>>
        %dma_start3A_74 = arith.constant 0 : i32
        %dma_start3A_75 = tpu.memref_slice %arg2[%dma_start3A_74, %multiple_of3A] : memref<64x1000000xf32, #tpu.memory_space<hbm>> -> memref<64x256xf32, #tpu.memory_space<hbm>>
        tpu.enqueue_dma source(%dma_start3A_75 : memref<64x256xf32, #tpu.memory_space<hbm>>) target(%arg5 : memref<64x256xf32, #tpu.memory_space<vmem>>) target_semaphore(%arg10 : memref<!tpu.dma_semaphore, #tpu.memory_space<semaphore_mem>>)
      } else {
      }
      %lt3A_65 = arith.cmpi slt, %add3A_57, %select_n3A : i32
      %convert_element_type3A_66 = arith.extui %lt3A_65 : i1 to i32
      %cond3A_67 = arith.constant 0 : i32
      %cond3A_68 = arith.cmpi ne, %convert_element_type3A_66, %cond3A_67 : i32
      scf.if %cond3A_68 {
        %dma_wait3A = arith.constant 0 : i32
        %dma_wait3A_69 = arith.constant 0 : i32
        %dma_wait3A_70 = tpu.memref_slice %arg2[%dma_wait3A, %dma_wait3A_69] : memref<64x1000000xf32, #tpu.memory_space<hbm>> -> memref<64x256xf32, #tpu.memory_space<hbm>>
        %dma_wait3A_71 = arith.constant 0 : i32
        %dma_wait3A_72 = arith.constant 0 : i32
        %dma_wait3A_73 = tpu.memref_slice %arg2[%dma_wait3A_71, %dma_wait3A_72] : memref<64x1000000xf32, #tpu.memory_space<hbm>> -> memref<64x256xf32, #tpu.memory_space<hbm>>
        tpu.wait_dma2 semaphore(%arg11 : memref<!tpu.dma_semaphore, #tpu.memory_space<semaphore_mem>>) src(%dma_wait3A_73 : memref<64x256xf32, #tpu.memory_space<hbm>>) dst(%arg6 : memref<64x256xf32, #tpu.memory_space<vmem>>)
        %ge3A_74 = arith.constant 2 : i32
        %ge3A_75 = arith.cmpi sge, %add3A_57, %ge3A_74 : i32
        %convert_element_type3A_76 = arith.extui %ge3A_75 : i1 to i32
        %cond3A_77 = arith.constant 0 : i32
        %cond3A_78 = arith.cmpi ne, %convert_element_type3A_76, %cond3A_77 : i32
        scf.if %cond3A_78 {
          %dma_wait3A_92 = arith.constant 0 : i32
          %dma_wait3A_93 = arith.constant 0 : i32
          %dma_wait3A_94 = tpu.memref_slice %arg8[%dma_wait3A_92, %dma_wait3A_93] : memref<128x128xf32, #tpu.memory_space<vmem>> -> memref<128x128xf32, #tpu.memory_space<vmem>>
          %dma_wait3A_95 = arith.constant 0 : i32
          %dma_wait3A_96 = arith.constant 0 : i32
          %dma_wait3A_97 = tpu.memref_slice %arg4[%dma_wait3A_95, %dma_wait3A_96] : memref<500000x128xf32, #tpu.memory_space<hbm>> -> memref<128x128xf32, #tpu.memory_space<hbm>>
          %dma_wait3A_98 = arith.constant 0 : i32
          %dma_wait3A_99 = arith.constant 0 : i32
          %dma_wait3A_100 = tpu.memref_slice %arg4[%dma_wait3A_98, %dma_wait3A_99] : memref<500000x128xf32, #tpu.memory_space<hbm>> -> memref<128x128xf32, #tpu.memory_space<hbm>>
          %dma_wait3A_101 = arith.constant 0 : i32
          %dma_wait3A_102 = arith.constant 0 : i32
          %dma_wait3A_103 = tpu.memref_slice %arg8[%dma_wait3A_101, %dma_wait3A_102] : memref<128x128xf32, #tpu.memory_space<vmem>> -> memref<128x128xf32, #tpu.memory_space<vmem>>
          tpu.wait_dma2 semaphore(%arg13 : memref<!tpu.dma_semaphore, #tpu.memory_space<semaphore_mem>>) src(%dma_wait3A_103 : memref<128x128xf32, #tpu.memory_space<vmem>>) dst(%dma_wait3A_100 : memref<128x128xf32, #tpu.memory_space<hbm>>)
        } else {
        }
        %parallel_loop3A = arith.constant 0 : i32
        %parallel_loop3A_79 = arith.constant 128 : i32
        %parallel_loop3A_80 = arith.constant 1 : i32
        scf.for %parallel_loop3A_92 = %parallel_loop3A to %parallel_loop3A_79 step %parallel_loop3A_80  : i32 {
          %parallel_loop3A_93 = arith.constant 2 : i32
          %parallel_loop3A_94 = arith.muli %parallel_loop3A_92, %parallel_loop3A_93 : i32
          %parallel_loop3A_95 = arith.constant 0 : i32
          %parallel_loop3A_96 = arith.addi %parallel_loop3A_94, %parallel_loop3A_95 : i32
          %parallel_loop3A_97 = vector.broadcast %parallel_loop3A_96 : i32 to vector<16xi32>
          %parallel_loop3A_98 = arith.addi %broadcast_in_dim3A_17, %parallel_loop3A_97 : vector<16xi32>
          %parallel_loop3A_99 = tpu.vector_load_idx %arg6[%add3A_7, %parallel_loop3A_98] : memref<64x256xf32, #tpu.memory_space<vmem>>[vector<16xi32>, vector<16xi32>], vector<16xf32>,
          %parallel_loop3A_100 = arith.index_cast %parallel_loop3A_92 : i32 to index
          %parallel_loop3A_101 = arith.constant 0 : index
          %parallel_loop3A_102 = tpu.vector_load %arg8[%parallel_loop3A_100, %parallel_loop3A_101] {strides = array<i32>} : memref<128x128xf32, #tpu.memory_space<vmem>>, vector<16xf32>,
          tpu.vector_store %arg8[%parallel_loop3A_100, %parallel_loop3A_101], %parallel_loop3A_99 {strides = array<i32>} : memref<128x128xf32, #tpu.memory_space<vmem>>, vector<16xf32>,
          %parallel_loop3A_103 = tpu.vector_load_idx %arg6[%add3A_10, %parallel_loop3A_98] : memref<64x256xf32, #tpu.memory_space<vmem>>[vector<16xi32>, vector<16xi32>], vector<16xf32>,
          %parallel_loop3A_104 = arith.index_cast %parallel_loop3A_92 : i32 to index
          %parallel_loop3A_105 = arith.constant 16 : index
          %parallel_loop3A_106 = tpu.vector_load %arg8[%parallel_loop3A_104, %parallel_loop3A_105] {strides = array<i32>} : memref<128x128xf32, #tpu.memory_space<vmem>>, vector<16xf32>,
          tpu.vector_store %arg8[%parallel_loop3A_104, %parallel_loop3A_105], %parallel_loop3A_103 {strides = array<i32>} : memref<128x128xf32, #tpu.memory_space<vmem>>, vector<16xf32>,
          %parallel_loop3A_107 = tpu.vector_load_idx %arg6[%add3A_13, %parallel_loop3A_98] : memref<64x256xf32, #tpu.memory_space<vmem>>[vector<16xi32>, vector<16xi32>], vector<16xf32>,
          %parallel_loop3A_108 = arith.index_cast %parallel_loop3A_92 : i32 to index
          %parallel_loop3A_109 = arith.constant 32 : index
          %parallel_loop3A_110 = tpu.vector_load %arg8[%parallel_loop3A_108, %parallel_loop3A_109] {strides = array<i32>} : memref<128x128xf32, #tpu.memory_space<vmem>>, vector<16xf32>,
          tpu.vector_store %arg8[%parallel_loop3A_108, %parallel_loop3A_109], %parallel_loop3A_107 {strides = array<i32>} : memref<128x128xf32, #tpu.memory_space<vmem>>, vector<16xf32>,
          %parallel_loop3A_111 = tpu.vector_load_idx %arg6[%add3A_16, %parallel_loop3A_98] : memref<64x256xf32, #tpu.memory_space<vmem>>[vector<16xi32>, vector<16xi32>], vector<16xf32>,
          %parallel_loop3A_112 = arith.index_cast %parallel_loop3A_92 : i32 to index
          %parallel_loop3A_113 = arith.constant 48 : index
          %parallel_loop3A_114 = tpu.vector_load %arg8[%parallel_loop3A_112, %parallel_loop3A_113] {strides = array<i32>} : memref<128x128xf32, #tpu.memory_space<vmem>>, vector<16xf32>,
          tpu.vector_store %arg8[%parallel_loop3A_112, %parallel_loop3A_113], %parallel_loop3A_111 {strides = array<i32>} : memref<128x128xf32, #tpu.memory_space<vmem>>, vector<16xf32>,
          %parallel_loop3A_115 = arith.constant 2 : i32
          %parallel_loop3A_116 = arith.muli %parallel_loop3A_92, %parallel_loop3A_115 : i32
          %parallel_loop3A_117 = arith.constant 1 : i32
          %parallel_loop3A_118 = arith.addi %parallel_loop3A_116, %parallel_loop3A_117 : i32
          %parallel_loop3A_119 = vector.broadcast %parallel_loop3A_118 : i32 to vector<16xi32>
          %parallel_loop3A_120 = arith.addi %broadcast_in_dim3A_17, %parallel_loop3A_119 : vector<16xi32>
          %parallel_loop3A_121 = tpu.vector_load_idx %arg6[%add3A_7, %parallel_loop3A_120] : memref<64x256xf32, #tpu.memory_space<vmem>>[vector<16xi32>, vector<16xi32>], vector<16xf32>,
          %parallel_loop3A_122 = arith.index_cast %parallel_loop3A_92 : i32 to index
          %parallel_loop3A_123 = arith.constant 64 : index
          %parallel_loop3A_124 = tpu.vector_load %arg8[%parallel_loop3A_122, %parallel_loop3A_123] {strides = array<i32>} : memref<128x128xf32, #tpu.memory_space<vmem>>, vector<16xf32>,
          tpu.vector_store %arg8[%parallel_loop3A_122, %parallel_loop3A_123], %parallel_loop3A_121 {strides = array<i32>} : memref<128x128xf32, #tpu.memory_space<vmem>>, vector<16xf32>,
          %parallel_loop3A_125 = tpu.vector_load_idx %arg6[%add3A_10, %parallel_loop3A_120] : memref<64x256xf32, #tpu.memory_space<vmem>>[vector<16xi32>, vector<16xi32>], vector<16xf32>,
          %parallel_loop3A_126 = arith.index_cast %parallel_loop3A_92 : i32 to index
          %parallel_loop3A_127 = arith.constant 80 : index
          %parallel_loop3A_128 = tpu.vector_load %arg8[%parallel_loop3A_126, %parallel_loop3A_127] {strides = array<i32>} : memref<128x128xf32, #tpu.memory_space<vmem>>, vector<16xf32>,
          tpu.vector_store %arg8[%parallel_loop3A_126, %parallel_loop3A_127], %parallel_loop3A_125 {strides = array<i32>} : memref<128x128xf32, #tpu.memory_space<vmem>>, vector<16xf32>,
          %parallel_loop3A_129 = tpu.vector_load_idx %arg6[%add3A_13, %parallel_loop3A_120] : memref<64x256xf32, #tpu.memory_space<vmem>>[vector<16xi32>, vector<16xi32>], vector<16xf32>,
          %parallel_loop3A_130 = arith.index_cast %parallel_loop3A_92 : i32 to index
          %parallel_loop3A_131 = arith.constant 96 : index
          %parallel_loop3A_132 = tpu.vector_load %arg8[%parallel_loop3A_130, %parallel_loop3A_131] {strides = array<i32>} : memref<128x128xf32, #tpu.memory_space<vmem>>, vector<16xf32>,
          tpu.vector_store %arg8[%parallel_loop3A_130, %parallel_loop3A_131], %parallel_loop3A_129 {strides = array<i32>} : memref<128x128xf32, #tpu.memory_space<vmem>>, vector<16xf32>,
          %parallel_loop3A_133 = tpu.vector_load_idx %arg6[%add3A_16, %parallel_loop3A_120] : memref<64x256xf32, #tpu.memory_space<vmem>>[vector<16xi32>, vector<16xi32>], vector<16xf32>,
          %parallel_loop3A_134 = arith.index_cast %parallel_loop3A_92 : i32 to index
          %parallel_loop3A_135 = arith.constant 112 : index
          %parallel_loop3A_136 = tpu.vector_load %arg8[%parallel_loop3A_134, %parallel_loop3A_135] {strides = array<i32>} : memref<128x128xf32, #tpu.memory_space<vmem>>, vector<16xf32>,
          tpu.vector_store %arg8[%parallel_loop3A_134, %parallel_loop3A_135], %parallel_loop3A_133 {strides = array<i32>} : memref<128x128xf32, #tpu.memory_space<vmem>>, vector<16xf32>,
        } {sc.loop_unroll_factor = 8 : i64, sc.parallel_access}
        %mul3A_81 = arith.constant 128 : i32
        %mul3A_82 = arith.muli %add3A_58, %mul3A_81 : i32
        %multiple_of3A = tpu.assume_multiple %mul3A_82, 8 : i32
        %dma_start3A = arith.constant 0 : i32
        %dma_start3A_83 = arith.constant 0 : i32
        %dma_start3A_84 = tpu.memref_slice %arg8[%dma_start3A, %dma_start3A_83] : memref<128x128xf32, #tpu.memory_space<vmem>> -> memref<128x128xf32, #tpu.memory_space<vmem>>
        %dma_start3A_85 = arith.constant 0 : i32
        %dma_start3A_86 = tpu.memref_slice %arg4[%multiple_of3A, %dma_start3A_85] : memref<500000x128xf32, #tpu.memory_space<hbm>> -> memref<128x128xf32, #tpu.memory_space<hbm>>
        %dma_start3A_87 = arith.constant 0 : i32
        %dma_start3A_88 = tpu.memref_slice %arg4[%multiple_of3A, %dma_start3A_87] : memref<500000x128xf32, #tpu.memory_space<hbm>> -> memref<128x128xf32, #tpu.memory_space<hbm>>
        %dma_start3A_89 = arith.constant 0 : i32
        %dma_start3A_90 = arith.constant 0 : i32
        %dma_start3A_91 = tpu.memref_slice %arg8[%dma_start3A_89, %dma_start3A_90] : memref<128x128xf32, #tpu.memory_space<vmem>> -> memref<128x128xf32, #tpu.memory_space<vmem>>
        tpu.enqueue_dma source(%dma_start3A_91 : memref<128x128xf32, #tpu.memory_space<vmem>>) target(%dma_start3A_88 : memref<128x128xf32, #tpu.memory_space<hbm>>) target_semaphore(%arg13 : memref<!tpu.dma_semaphore, #tpu.memory_space<semaphore_mem>>)
      } else {
      }
    }
    %scan3A_24 = arith.constant 63 : i32
    %ge3A = arith.constant 2 : i32
    %ge3A_25 = arith.cmpi sge, %select_n3A, %ge3A : i32
    %convert_element_type3A_26 = arith.extui %ge3A_25 : i1 to i32
    %cond3A_27 = arith.constant 0 : i32
    %cond3A_28 = arith.cmpi ne, %convert_element_type3A_26, %cond3A_27 : i32
    scf.if %cond3A_28 {
      %dma_wait3A = arith.constant 0 : i32
      %dma_wait3A_38 = arith.constant 0 : i32
      %dma_wait3A_39 = tpu.memref_slice %arg7[%dma_wait3A, %dma_wait3A_38] : memref<128x128xf32, #tpu.memory_space<vmem>> -> memref<128x128xf32, #tpu.memory_space<vmem>>
      %dma_wait3A_40 = arith.constant 0 : i32
      %dma_wait3A_41 = arith.constant 0 : i32
      %dma_wait3A_42 = tpu.memref_slice %arg4[%dma_wait3A_40, %dma_wait3A_41] : memref<500000x128xf32, #tpu.memory_space<hbm>> -> memref<128x128xf32, #tpu.memory_space<hbm>>
      %dma_wait3A_43 = arith.constant 0 : i32
      %dma_wait3A_44 = arith.constant 0 : i32
      %dma_wait3A_45 = tpu.memref_slice %arg4[%dma_wait3A_43, %dma_wait3A_44] : memref<500000x128xf32, #tpu.memory_space<hbm>> -> memref<128x128xf32, #tpu.memory_space<hbm>>
      %dma_wait3A_46 = arith.constant 0 : i32
      %dma_wait3A_47 = arith.constant 0 : i32
      %dma_wait3A_48 = tpu.memref_slice %arg7[%dma_wait3A_46, %dma_wait3A_47] : memref<128x128xf32, #tpu.memory_space<vmem>> -> memref<128x128xf32, #tpu.memory_space<vmem>>
      tpu.wait_dma2 semaphore(%arg12 : memref<!tpu.dma_semaphore, #tpu.memory_space<semaphore_mem>>) src(%dma_wait3A_48 : memref<128x128xf32, #tpu.memory_space<vmem>>) dst(%dma_wait3A_45 : memref<128x128xf32, #tpu.memory_space<hbm>>)
    } else {
    }
    %ge3A_29 = arith.constant 1 : i32
    %ge3A_30 = arith.cmpi sge, %select_n3A, %ge3A_29 : i32
    %convert_element_type3A_31 = arith.extui %ge3A_30 : i1 to i32
    %cond3A_32 = arith.constant 0 : i32
    %cond3A_33 = arith.cmpi ne, %convert_element_type3A_31, %cond3A_32 : i32
    scf.if %cond3A_33 {
      %dma_wait3A = arith.constant 0 : i32
      %dma_wait3A_38 = arith.constant 0 : i32
      %dma_wait3A_39 = tpu.memref_slice %arg8[%dma_wait3A, %dma_wait3A_38] : memref<128x128xf32, #tpu.memory_space<vmem>> -> memref<128x128xf32, #tpu.memory_space<vmem>>
      %dma_wait3A_40 = arith.constant 0 : i32
      %dma_wait3A_41 = arith.constant 0 : i32
      %dma_wait3A_42 = tpu.memref_slice %arg4[%dma_wait3A_40, %dma_wait3A_41] : memref<500000x128xf32, #tpu.memory_space<hbm>> -> memref<128x128xf32, #tpu.memory_space<hbm>>
      %dma_wait3A_43 = arith.constant 0 : i32
      %dma_wait3A_44 = arith.constant 0 : i32
      %dma_wait3A_45 = tpu.memref_slice %arg4[%dma_wait3A_43, %dma_wait3A_44] : memref<500000x128xf32, #tpu.memory_space<hbm>> -> memref<128x128xf32, #tpu.memory_space<hbm>>
      %dma_wait3A_46 = arith.constant 0 : i32
      %dma_wait3A_47 = arith.constant 0 : i32
      %dma_wait3A_48 = tpu.memref_slice %arg8[%dma_wait3A_46, %dma_wait3A_47] : memref<128x128xf32, #tpu.memory_space<vmem>> -> memref<128x128xf32, #tpu.memory_space<vmem>>
      tpu.wait_dma2 semaphore(%arg13 : memref<!tpu.dma_semaphore, #tpu.memory_space<semaphore_mem>>) src(%dma_wait3A_48 : memref<128x128xf32, #tpu.memory_space<vmem>>) dst(%dma_wait3A_45 : memref<128x128xf32, #tpu.memory_space<hbm>>)
    } else {
    }
    %eq3A = arith.constant 31 : i32
    %eq3A_34 = arith.cmpi eq, %add3A, %eq3A : i32
    %convert_element_type3A_35 = arith.extui %eq3A_34 : i1 to i32
    %cond3A_36 = arith.constant 0 : i32
    %cond3A_37 = arith.cmpi ne, %convert_element_type3A_35, %cond3A_36 : i32
    scf.if %cond3A_37 {
      "tpu.region"() ({
        %run_scoped3A = tpu.sem_alloc : memref<!tpu.dma_semaphore, #tpu.memory_space<semaphore_mem>>
        tpu.enqueue_dma source(%arg3 : memref<64x64xf32, #tpu.memory_space<hbm>>) target(%arg9 : memref<64x64xf32, #tpu.memory_space<vmem>>) target_semaphore(%run_scoped3A : memref<!tpu.dma_semaphore, #tpu.memory_space<semaphore_mem>>)
        tpu.wait_dma2 semaphore(%run_scoped3A : memref<!tpu.dma_semaphore, #tpu.memory_space<semaphore_mem>>) src(%arg3 : memref<64x64xf32, #tpu.memory_space<hbm>>) dst(%arg9 : memref<64x64xf32, #tpu.memory_space<vmem>>)
        tpu.yield
      }) : () -> ()
      %scan3A_38 = arith.constant 0 : i32
      %scan3A_39 = arith.constant 0 : i32
      %scan3A_40 = arith.constant 32 : i32
      %scan3A_41 = arith.addi %scan3A_39, %scan3A_40 : i32
      %scan3A_42 = arith.constant 1 : i32
      scf.for %scan3A_66 = %scan3A_39 to %scan3A_41 step %scan3A_42  : i32 {
        %mul3A_67 = arith.constant 2 : i32
        %mul3A_68 = arith.muli %scan3A_66, %mul3A_67 : i32
        %add3A_69 = arith.constant 0 : i32
        %add3A_70 = arith.addi %mul3A_68, %add3A_69 : i32
        %get3A = arith.index_cast %add3A_70 : i32 to index
        %get3A_71 = arith.constant 0 : index
        %get3A_72 = tpu.vector_load %arg9[%get3A, %get3A_71] {strides = array<i32>} : memref<64x64xf32, #tpu.memory_space<vmem>>, vector<16xf32>,
        %swap3A = arith.index_cast %scan3A_66 : i32 to index
        %swap3A_73 = arith.constant 0 : index
        %swap3A_74 = tpu.vector_load %arg7[%swap3A, %swap3A_73] {strides = array<i32>} : memref<128x128xf32, #tpu.memory_space<vmem>>, vector<16xf32>,
        tpu.vector_store %arg7[%swap3A, %swap3A_73], %get3A_72 {strides = array<i32>} : memref<128x128xf32, #tpu.memory_space<vmem>>, vector<16xf32>,
        %mul3A_75 = arith.constant 2 : i32
        %mul3A_76 = arith.muli %scan3A_66, %mul3A_75 : i32
        %add3A_77 = arith.constant 0 : i32
        %add3A_78 = arith.addi %mul3A_76, %add3A_77 : i32
        %get3A_79 = arith.index_cast %add3A_78 : i32 to index
        %get3A_80 = arith.constant 16 : index
        %get3A_81 = tpu.vector_load %arg9[%get3A_79, %get3A_80] {strides = array<i32>} : memref<64x64xf32, #tpu.memory_space<vmem>>, vector<16xf32>,
        %swap3A_82 = arith.index_cast %scan3A_66 : i32 to index
        %swap3A_83 = arith.constant 16 : index
        %swap3A_84 = tpu.vector_load %arg7[%swap3A_82, %swap3A_83] {strides = array<i32>} : memref<128x128xf32, #tpu.memory_space<vmem>>, vector<16xf32>,
        tpu.vector_store %arg7[%swap3A_82, %swap3A_83], %get3A_81 {strides = array<i32>} : memref<128x128xf32, #tpu.memory_space<vmem>>, vector<16xf32>,
        %mul3A_85 = arith.constant 2 : i32
        %mul3A_86 = arith.muli %scan3A_66, %mul3A_85 : i32
        %add3A_87 = arith.constant 0 : i32
        %add3A_88 = arith.addi %mul3A_86, %add3A_87 : i32
        %get3A_89 = arith.index_cast %add3A_88 : i32 to index
        %get3A_90 = arith.constant 32 : index
        %get3A_91 = tpu.vector_load %arg9[%get3A_89, %get3A_90] {strides = array<i32>} : memref<64x64xf32, #tpu.memory_space<vmem>>, vector<16xf32>,
        %swap3A_92 = arith.index_cast %scan3A_66 : i32 to index
        %swap3A_93 = arith.constant 32 : index
        %swap3A_94 = tpu.vector_load %arg7[%swap3A_92, %swap3A_93] {strides = array<i32>} : memref<128x128xf32, #tpu.memory_space<vmem>>, vector<16xf32>,
        tpu.vector_store %arg7[%swap3A_92, %swap3A_93], %get3A_91 {strides = array<i32>} : memref<128x128xf32, #tpu.memory_space<vmem>>, vector<16xf32>,
        %mul3A_95 = arith.constant 2 : i32
        %mul3A_96 = arith.muli %scan3A_66, %mul3A_95 : i32
        %add3A_97 = arith.constant 0 : i32
        %add3A_98 = arith.addi %mul3A_96, %add3A_97 : i32
        %get3A_99 = arith.index_cast %add3A_98 : i32 to index
        %get3A_100 = arith.constant 48 : index
        %get3A_101 = tpu.vector_load %arg9[%get3A_99, %get3A_100] {strides = array<i32>} : memref<64x64xf32, #tpu.memory_space<vmem>>, vector<16xf32>,
        %swap3A_102 = arith.index_cast %scan3A_66 : i32 to index
        %swap3A_103 = arith.constant 48 : index
        %swap3A_104 = tpu.vector_load %arg7[%swap3A_102, %swap3A_103] {strides = array<i32>} : memref<128x128xf32, #tpu.memory_space<vmem>>, vector<16xf32>,
        tpu.vector_store %arg7[%swap3A_102, %swap3A_103], %get3A_101 {strides = array<i32>} : memref<128x128xf32, #tpu.memory_space<vmem>>, vector<16xf32>,
        %mul3A_105 = arith.constant 2 : i32
        %mul3A_106 = arith.muli %scan3A_66, %mul3A_105 : i32
        %add3A_107 = arith.constant 1 : i32
        %add3A_108 = arith.addi %mul3A_106, %add3A_107 : i32
        %get3A_109 = arith.index_cast %add3A_108 : i32 to index
        %get3A_110 = arith.constant 0 : index
        %get3A_111 = tpu.vector_load %arg9[%get3A_109, %get3A_110] {strides = array<i32>} : memref<64x64xf32, #tpu.memory_space<vmem>>, vector<16xf32>,
        %swap3A_112 = arith.index_cast %scan3A_66 : i32 to index
        %swap3A_113 = arith.constant 64 : index
        %swap3A_114 = tpu.vector_load %arg7[%swap3A_112, %swap3A_113] {strides = array<i32>} : memref<128x128xf32, #tpu.memory_space<vmem>>, vector<16xf32>,
        tpu.vector_store %arg7[%swap3A_112, %swap3A_113], %get3A_111 {strides = array<i32>} : memref<128x128xf32, #tpu.memory_space<vmem>>, vector<16xf32>,
        %mul3A_115 = arith.constant 2 : i32
        %mul3A_116 = arith.muli %scan3A_66, %mul3A_115 : i32
        %add3A_117 = arith.constant 1 : i32
        %add3A_118 = arith.addi %mul3A_116, %add3A_117 : i32
        %get3A_119 = arith.index_cast %add3A_118 : i32 to index
        %get3A_120 = arith.constant 16 : index
        %get3A_121 = tpu.vector_load %arg9[%get3A_119, %get3A_120] {strides = array<i32>} : memref<64x64xf32, #tpu.memory_space<vmem>>, vector<16xf32>,
        %swap3A_122 = arith.index_cast %scan3A_66 : i32 to index
        %swap3A_123 = arith.constant 80 : index
        %swap3A_124 = tpu.vector_load %arg7[%swap3A_122, %swap3A_123] {strides = array<i32>} : memref<128x128xf32, #tpu.memory_space<vmem>>, vector<16xf32>,
        tpu.vector_store %arg7[%swap3A_122, %swap3A_123], %get3A_121 {strides = array<i32>} : memref<128x128xf32, #tpu.memory_space<vmem>>, vector<16xf32>,
        %mul3A_125 = arith.constant 2 : i32
        %mul3A_126 = arith.muli %scan3A_66, %mul3A_125 : i32
        %add3A_127 = arith.constant 1 : i32
        %add3A_128 = arith.addi %mul3A_126, %add3A_127 : i32
        %get3A_129 = arith.index_cast %add3A_128 : i32 to index
        %get3A_130 = arith.constant 32 : index
        %get3A_131 = tpu.vector_load %arg9[%get3A_129, %get3A_130] {strides = array<i32>} : memref<64x64xf32, #tpu.memory_space<vmem>>, vector<16xf32>,
        %swap3A_132 = arith.index_cast %scan3A_66 : i32 to index
        %swap3A_133 = arith.constant 96 : index
        %swap3A_134 = tpu.vector_load %arg7[%swap3A_132, %swap3A_133] {strides = array<i32>} : memref<128x128xf32, #tpu.memory_space<vmem>>, vector<16xf32>,
        tpu.vector_store %arg7[%swap3A_132, %swap3A_133], %get3A_131 {strides = array<i32>} : memref<128x128xf32, #tpu.memory_space<vmem>>, vector<16xf32>,
        %mul3A_135 = arith.constant 2 : i32
        %mul3A_136 = arith.muli %scan3A_66, %mul3A_135 : i32
        %add3A_137 = arith.constant 1 : i32
        %add3A_138 = arith.addi %mul3A_136, %add3A_137 : i32
        %get3A_139 = arith.index_cast %add3A_138 : i32 to index
        %get3A_140 = arith.constant 48 : index
        %get3A_141 = tpu.vector_load %arg9[%get3A_139, %get3A_140] {strides = array<i32>} : memref<64x64xf32, #tpu.memory_space<vmem>>, vector<16xf32>,
        %swap3A_142 = arith.index_cast %scan3A_66 : i32 to index
        %swap3A_143 = arith.constant 112 : index
        %swap3A_144 = tpu.vector_load %arg7[%swap3A_142, %swap3A_143] {strides = array<i32>} : memref<128x128xf32, #tpu.memory_space<vmem>>, vector<16xf32>,
        tpu.vector_store %arg7[%swap3A_142, %swap3A_143], %get3A_141 {strides = array<i32>} : memref<128x128xf32, #tpu.memory_space<vmem>>, vector<16xf32>,
      }
      %scan3A_43 = arith.constant 32 : i32
      %dma_start3A = arith.constant 0 : i32
      %dma_start3A_44 = arith.constant 0 : i32
      %dma_start3A_45 = tpu.memref_slice %arg7[%dma_start3A, %dma_start3A_44] : memref<128x128xf32, #tpu.memory_space<vmem>> -> memref<32x128xf32, #tpu.memory_space<vmem>>
      %dma_start3A_46 = arith.constant 499968 : i32
      %dma_start3A_47 = arith.constant 0 : i32
      %dma_start3A_48 = tpu.memref_slice %arg4[%dma_start3A_46, %dma_start3A_47] : memref<500000x128xf32, #tpu.memory_space<hbm>> -> memref<32x128xf32, #tpu.memory_space<hbm>>
      %dma_start3A_49 = arith.constant 499968 : i32
      %dma_start3A_50 = arith.constant 0 : i32
      %dma_start3A_51 = tpu.memref_slice %arg4[%dma_start3A_49, %dma_start3A_50] : memref<500000x128xf32, #tpu.memory_space<hbm>> -> memref<32x128xf32, #tpu.memory_space<hbm>>
      %dma_start3A_52 = arith.constant 0 : i32
      %dma_start3A_53 = arith.constant 0 : i32
      %dma_start3A_54 = tpu.memref_slice %arg7[%dma_start3A_52, %dma_start3A_53] : memref<128x128xf32, #tpu.memory_space<vmem>> -> memref<32x128xf32, #tpu.memory_space<vmem>>
      tpu.enqueue_dma source(%dma_start3A_54 : memref<32x128xf32, #tpu.memory_space<vmem>>) target(%dma_start3A_51 : memref<32x128xf32, #tpu.memory_space<hbm>>) target_semaphore(%arg12 : memref<!tpu.dma_semaphore, #tpu.memory_space<semaphore_mem>>)
      %dma_wait3A = arith.constant 0 : i32
      %dma_wait3A_55 = arith.constant 0 : i32
      %dma_wait3A_56 = tpu.memref_slice %arg7[%dma_wait3A, %dma_wait3A_55] : memref<128x128xf32, #tpu.memory_space<vmem>> -> memref<32x128xf32, #tpu.memory_space<vmem>>
      %dma_wait3A_57 = arith.constant 0 : i32
      %dma_wait3A_58 = arith.constant 0 : i32
      %dma_wait3A_59 = tpu.memref_slice %arg4[%dma_wait3A_57, %dma_wait3A_58] : memref<500000x128xf32, #tpu.memory_space<hbm>> -> memref<32x128xf32, #tpu.memory_space<hbm>>
      %dma_wait3A_60 = arith.constant 0 : i32
      %dma_wait3A_61 = arith.constant 0 : i32
      %dma_wait3A_62 = tpu.memref_slice %arg4[%dma_wait3A_60, %dma_wait3A_61] : memref<500000x128xf32, #tpu.memory_space<hbm>> -> memref<32x128xf32, #tpu.memory_space<hbm>>
      %dma_wait3A_63 = arith.constant 0 : i32
      %dma_wait3A_64 = arith.constant 0 : i32
      %dma_wait3A_65 = tpu.memref_slice %arg7[%dma_wait3A_63, %dma_wait3A_64] : memref<128x128xf32, #tpu.memory_space<vmem>> -> memref<32x128xf32, #tpu.memory_space<vmem>>
      tpu.wait_dma2 semaphore(%arg12 : memref<!tpu.dma_semaphore, #tpu.memory_space<semaphore_mem>>) src(%dma_wait3A_65 : memref<32x128xf32, #tpu.memory_space<vmem>>) dst(%dma_wait3A_62 : memref<32x128xf32, #tpu.memory_space<hbm>>)
    } else {
    }
    return
  }
}

#map = affine_map<(d0, d1) -> (0)>
#map1 = affine_map<(d0, d1) -> (0, 0)>
module attributes {stable_mosaic.version = 14 : i64} {
  func.func @_pool_body(%arg0: i32, %arg1: i32, %arg2: memref<819200xi32, #tpu.memory_space<hbm>>, %arg3: memref<819200xi32, #tpu.memory_space<hbm>>, %arg4: memref<500000x128xf32, #tpu.memory_space<hbm>>, %arg5: memref<4096x64xf32, #tpu.memory_space<hbm>>, %arg6: memref<25600xi32, #tpu.memory_space<vmem>>, %arg7: memref<25616xi32, #tpu.memory_space<vmem>>, %arg8: memref<200x128xf32, #tpu.memory_space<vmem>>, %arg9: memref<200x128xf32, #tpu.memory_space<vmem>>, %arg10: memref<128x64xf32, #tpu.memory_space<vmem>>, %arg11: memref<!tpu.dma_semaphore, #tpu.memory_space<semaphore_mem>>, %arg12: memref<!tpu.dma_semaphore, #tpu.memory_space<semaphore_mem>>) attributes {dimension_semantics = [#tpu.dimension_semantics<core_parallel>, #tpu.dimension_semantics<subcore_parallel>], iteration_bounds = array<i64: 2, 16>, scalar_prefetch = 0 : i64, scratch_operands = 7 : i64, tpu.core_type = #tpu.core_type<sc_vector_subcore>, window_params = [{transform_indices = #map}, {transform_indices = #map}, {transform_indices = #map1}, {transform_indices = #map1}]} {
    %mul3A = arith.constant 2 : i32
    %mul3A_0 = arith.muli %arg1, %mul3A : i32
    %add3A = arith.addi %mul3A_0, %arg0 : i32
    %mul3A_1 = arith.constant 128 : i32
    %mul3A_2 = arith.muli %add3A, %mul3A_1 : i32
    %mul3A_3 = arith.constant 25600 : i32
    %mul3A_4 = arith.muli %add3A, %mul3A_3 : i32
    "tpu.region"() ({
      %run_scoped3A = tpu.sem_alloc : memref<!tpu.dma_semaphore, #tpu.memory_space<semaphore_mem>>
      %dma_start3A_28 = tpu.memref_slice %arg2[%mul3A_4] : memref<819200xi32, #tpu.memory_space<hbm>> -> memref<25600xi32, #tpu.memory_space<hbm>>
      %dma_start3A_29 = tpu.memref_slice %arg2[%mul3A_4] : memref<819200xi32, #tpu.memory_space<hbm>> -> memref<25600xi32, #tpu.memory_space<hbm>>
      tpu.enqueue_dma source(%dma_start3A_29 : memref<25600xi32, #tpu.memory_space<hbm>>) target(%arg6 : memref<25600xi32, #tpu.memory_space<vmem>>) target_semaphore(%run_scoped3A : memref<!tpu.dma_semaphore, #tpu.memory_space<semaphore_mem>>)
      %dma_wait3A = tpu.memref_slice %arg2[%mul3A_4] : memref<819200xi32, #tpu.memory_space<hbm>> -> memref<25600xi32, #tpu.memory_space<hbm>>
      %dma_wait3A_30 = tpu.memref_slice %arg2[%mul3A_4] : memref<819200xi32, #tpu.memory_space<hbm>> -> memref<25600xi32, #tpu.memory_space<hbm>>
      tpu.wait_dma2 semaphore(%run_scoped3A : memref<!tpu.dma_semaphore, #tpu.memory_space<semaphore_mem>>) src(%dma_wait3A_30 : memref<25600xi32, #tpu.memory_space<hbm>>) dst(%arg6 : memref<25600xi32, #tpu.memory_space<vmem>>)
      tpu.yield
    }) : () -> ()
    %mul3A_5 = arith.constant 25600 : i32
    %mul3A_6 = arith.muli %add3A, %mul3A_5 : i32
    "tpu.region"() ({
      %run_scoped3A = tpu.sem_alloc : memref<!tpu.dma_semaphore, #tpu.memory_space<semaphore_mem>>
      %dma_start3A_28 = arith.constant 0 : i32
      %dma_start3A_29 = tpu.memref_slice %arg7[%dma_start3A_28] : memref<25616xi32, #tpu.memory_space<vmem>> -> memref<25600xi32, #tpu.memory_space<vmem>>
      %dma_start3A_30 = tpu.memref_slice %arg3[%mul3A_6] : memref<819200xi32, #tpu.memory_space<hbm>> -> memref<25600xi32, #tpu.memory_space<hbm>>
      %dma_start3A_31 = arith.constant 0 : i32
      %dma_start3A_32 = tpu.memref_slice %arg7[%dma_start3A_31] : memref<25616xi32, #tpu.memory_space<vmem>> -> memref<25600xi32, #tpu.memory_space<vmem>>
      %dma_start3A_33 = tpu.memref_slice %arg3[%mul3A_6] : memref<819200xi32, #tpu.memory_space<hbm>> -> memref<25600xi32, #tpu.memory_space<hbm>>
      tpu.enqueue_dma source(%dma_start3A_33 : memref<25600xi32, #tpu.memory_space<hbm>>) target(%dma_start3A_32 : memref<25600xi32, #tpu.memory_space<vmem>>) target_semaphore(%run_scoped3A : memref<!tpu.dma_semaphore, #tpu.memory_space<semaphore_mem>>)
      %dma_wait3A = arith.constant 0 : i32
      %dma_wait3A_34 = tpu.memref_slice %arg7[%dma_wait3A] : memref<25616xi32, #tpu.memory_space<vmem>> -> memref<25600xi32, #tpu.memory_space<vmem>>
      %dma_wait3A_35 = tpu.memref_slice %arg3[%mul3A_6] : memref<819200xi32, #tpu.memory_space<hbm>> -> memref<25600xi32, #tpu.memory_space<hbm>>
      %dma_wait3A_36 = arith.constant 0 : i32
      %dma_wait3A_37 = tpu.memref_slice %arg7[%dma_wait3A_36] : memref<25616xi32, #tpu.memory_space<vmem>> -> memref<25600xi32, #tpu.memory_space<vmem>>
      %dma_wait3A_38 = tpu.memref_slice %arg3[%mul3A_6] : memref<819200xi32, #tpu.memory_space<hbm>> -> memref<25600xi32, #tpu.memory_space<hbm>>
      tpu.wait_dma2 semaphore(%run_scoped3A : memref<!tpu.dma_semaphore, #tpu.memory_space<semaphore_mem>>) src(%dma_wait3A_38 : memref<25600xi32, #tpu.memory_space<hbm>>) dst(%dma_wait3A_37 : memref<25600xi32, #tpu.memory_space<vmem>>)
      tpu.yield
    }) : () -> ()
    %multiple_of3A = arith.constant 0 : i32
    %multiple_of3A_7 = tpu.assume_multiple %multiple_of3A, 8 : i32
    %dma_start3A = arith.constant 0 : i32
    %dma_start3A_8 = arith.constant 0 : i32
    %dma_start3A_9 = tpu.memref_slice %arg8[%dma_start3A, %dma_start3A_8] : memref<200x128xf32, #tpu.memory_space<vmem>> -> memref<104x128xf32, #tpu.memory_space<vmem>>
    %dma_start3A_10 = tpu.memref_slice %arg6[%multiple_of3A_7] : memref<25600xi32, #tpu.memory_space<vmem>> -> memref<104xi32, #tpu.memory_space<vmem>>
    %dma_start3A_11 = arith.constant 0 : i32
    %dma_start3A_12 = arith.constant 0 : i32
    %dma_start3A_13 = tpu.memref_slice %arg4[%dma_start3A_11, %dma_start3A_12] : memref<500000x128xf32, #tpu.memory_space<hbm>> -> memref<500000x128xf32, #tpu.memory_space<hbm>>
    tpu.enqueue_indirect_dma source(%dma_start3A_13 : memref<500000x128xf32, #tpu.memory_space<hbm>>) target(%dma_start3A_9 : memref<104x128xf32, #tpu.memory_space<vmem>>) offsets(%dma_start3A_10 : memref<104xi32, #tpu.memory_space<vmem>>) semaphore(%arg11 : memref<!tpu.dma_semaphore, #tpu.memory_space<semaphore_mem>>)
    %add3A_14 = arith.constant 104 : i32
    %add3A_15 = arith.addi %multiple_of3A_7, %add3A_14 : i32
    %dma_start3A_16 = arith.constant 104 : i32
    %dma_start3A_17 = arith.constant 0 : i32
    %dma_start3A_18 = tpu.memref_slice %arg8[%dma_start3A_16, %dma_start3A_17] : memref<200x128xf32, #tpu.memory_space<vmem>> -> memref<96x128xf32, #tpu.memory_space<vmem>>
    %dma_start3A_19 = tpu.memref_slice %arg6[%add3A_15] : memref<25600xi32, #tpu.memory_space<vmem>> -> memref<96xi32, #tpu.memory_space<vmem>>
    %dma_start3A_20 = arith.constant 0 : i32
    %dma_start3A_21 = arith.constant 0 : i32
    %dma_start3A_22 = tpu.memref_slice %arg4[%dma_start3A_20, %dma_start3A_21] : memref<500000x128xf32, #tpu.memory_space<hbm>> -> memref<500000x128xf32, #tpu.memory_space<hbm>>
    tpu.enqueue_indirect_dma source(%dma_start3A_22 : memref<500000x128xf32, #tpu.memory_space<hbm>>) target(%dma_start3A_18 : memref<96x128xf32, #tpu.memory_space<vmem>>) offsets(%dma_start3A_19 : memref<96xi32, #tpu.memory_space<vmem>>) semaphore(%arg11 : memref<!tpu.dma_semaphore, #tpu.memory_space<semaphore_mem>>)
    %scan3A = arith.constant 0 : i32
    %scan3A_23 = arith.constant 0 : i32
    %scan3A_24 = arith.constant 64 : i32
    %scan3A_25 = arith.addi %scan3A_23, %scan3A_24 : i32
    %scan3A_26 = arith.constant 1 : i32
    scf.for %scan3A_28 = %scan3A_23 to %scan3A_25 step %scan3A_26  : i32 {
      %mul3A_29 = arith.constant 2 : i32
      %mul3A_30 = arith.muli %scan3A_28, %mul3A_29 : i32
      %add3A_31 = arith.constant 0 : i32
      %add3A_32 = arith.addi %mul3A_30, %add3A_31 : i32
      %add3A_33 = arith.constant 1 : i32
      %add3A_34 = arith.addi %add3A_32, %add3A_33 : i32
      %lt3A = arith.constant 128 : i32
      %lt3A_35 = arith.cmpi slt, %add3A_34, %lt3A : i32
      %convert_element_type3A = arith.extui %lt3A_35 : i1 to i32
      %cond3A = arith.constant 0 : i32
      %cond3A_36 = arith.cmpi ne, %convert_element_type3A, %cond3A : i32
      scf.if %cond3A_36 {
        %mul3A_187 = arith.constant 200 : i32
        %mul3A_188 = arith.muli %add3A_34, %mul3A_187 : i32
        %multiple_of3A_189 = tpu.assume_multiple %mul3A_188, 8 : i32
        %dma_start3A_190 = arith.constant 0 : i32
        %dma_start3A_191 = arith.constant 0 : i32
        %dma_start3A_192 = tpu.memref_slice %arg9[%dma_start3A_190, %dma_start3A_191] : memref<200x128xf32, #tpu.memory_space<vmem>> -> memref<104x128xf32, #tpu.memory_space<vmem>>
        %dma_start3A_193 = tpu.memref_slice %arg6[%multiple_of3A_189] : memref<25600xi32, #tpu.memory_space<vmem>> -> memref<104xi32, #tpu.memory_space<vmem>>
        %dma_start3A_194 = arith.constant 0 : i32
        %dma_start3A_195 = arith.constant 0 : i32
        %dma_start3A_196 = tpu.memref_slice %arg4[%dma_start3A_194, %dma_start3A_195] : memref<500000x128xf32, #tpu.memory_space<hbm>> -> memref<500000x128xf32, #tpu.memory_space<hbm>>
        tpu.enqueue_indirect_dma source(%dma_start3A_196 : memref<500000x128xf32, #tpu.memory_space<hbm>>) target(%dma_start3A_192 : memref<104x128xf32, #tpu.memory_space<vmem>>) offsets(%dma_start3A_193 : memref<104xi32, #tpu.memory_space<vmem>>) semaphore(%arg12 : memref<!tpu.dma_semaphore, #tpu.memory_space<semaphore_mem>>)
        %add3A_197 = arith.constant 104 : i32
        %add3A_198 = arith.addi %multiple_of3A_189, %add3A_197 : i32
        %dma_start3A_199 = arith.constant 104 : i32
        %dma_start3A_200 = arith.constant 0 : i32
        %dma_start3A_201 = tpu.memref_slice %arg9[%dma_start3A_199, %dma_start3A_200] : memref<200x128xf32, #tpu.memory_space<vmem>> -> memref<96x128xf32, #tpu.memory_space<vmem>>
        %dma_start3A_202 = tpu.memref_slice %arg6[%add3A_198] : memref<25600xi32, #tpu.memory_space<vmem>> -> memref<96xi32, #tpu.memory_space<vmem>>
        %dma_start3A_203 = arith.constant 0 : i32
        %dma_start3A_204 = arith.constant 0 : i32
        %dma_start3A_205 = tpu.memref_slice %arg4[%dma_start3A_203, %dma_start3A_204] : memref<500000x128xf32, #tpu.memory_space<hbm>> -> memref<500000x128xf32, #tpu.memory_space<hbm>>
        tpu.enqueue_indirect_dma source(%dma_start3A_205 : memref<500000x128xf32, #tpu.memory_space<hbm>>) target(%dma_start3A_201 : memref<96x128xf32, #tpu.memory_space<vmem>>) offsets(%dma_start3A_202 : memref<96xi32, #tpu.memory_space<vmem>>) semaphore(%arg12 : memref<!tpu.dma_semaphore, #tpu.memory_space<semaphore_mem>>)
      } else {
      }
      %mul3A_37 = arith.constant 200 : i32
      %mul3A_38 = arith.muli %add3A_32, %mul3A_37 : i32
      %multiple_of3A_39 = tpu.assume_multiple %mul3A_38, 8 : i32
      %dma_wait3A = arith.constant 0 : i32
      %dma_wait3A_40 = arith.constant 0 : i32
      %dma_wait3A_41 = tpu.memref_slice %arg8[%dma_wait3A, %dma_wait3A_40] : memref<200x128xf32, #tpu.memory_space<vmem>> -> memref<104x128xf32, #tpu.memory_space<vmem>>
      %dma_wait3A_42 = tpu.memref_slice %arg6[%multiple_of3A_39] : memref<25600xi32, #tpu.memory_space<vmem>> -> memref<104xi32, #tpu.memory_space<vmem>>
      %dma_wait3A_43 = arith.constant 0 : i32
      %dma_wait3A_44 = arith.constant 0 : i32
      %dma_wait3A_45 = tpu.memref_slice %arg4[%dma_wait3A_43, %dma_wait3A_44] : memref<500000x128xf32, #tpu.memory_space<hbm>> -> memref<500000x128xf32, #tpu.memory_space<hbm>>
      tpu.wait_indirect_dma semaphore(%arg11 : memref<!tpu.dma_semaphore, #tpu.memory_space<semaphore_mem>>) src(%dma_wait3A_45 : memref<500000x128xf32, #tpu.memory_space<hbm>>) dst(%dma_wait3A_41 : memref<104x128xf32, #tpu.memory_space<vmem>>)
      %add3A_46 = arith.constant 104 : i32
      %add3A_47 = arith.addi %multiple_of3A_39, %add3A_46 : i32
      %dma_wait3A_48 = arith.constant 104 : i32
      %dma_wait3A_49 = arith.constant 0 : i32
      %dma_wait3A_50 = tpu.memref_slice %arg8[%dma_wait3A_48, %dma_wait3A_49] : memref<200x128xf32, #tpu.memory_space<vmem>> -> memref<96x128xf32, #tpu.memory_space<vmem>>
      %dma_wait3A_51 = tpu.memref_slice %arg6[%add3A_47] : memref<25600xi32, #tpu.memory_space<vmem>> -> memref<96xi32, #tpu.memory_space<vmem>>
      %dma_wait3A_52 = arith.constant 0 : i32
      %dma_wait3A_53 = arith.constant 0 : i32
      %dma_wait3A_54 = tpu.memref_slice %arg4[%dma_wait3A_52, %dma_wait3A_53] : memref<500000x128xf32, #tpu.memory_space<hbm>> -> memref<500000x128xf32, #tpu.memory_space<hbm>>
      tpu.wait_indirect_dma semaphore(%arg11 : memref<!tpu.dma_semaphore, #tpu.memory_space<semaphore_mem>>) src(%dma_wait3A_54 : memref<500000x128xf32, #tpu.memory_space<hbm>>) dst(%dma_wait3A_50 : memref<96x128xf32, #tpu.memory_space<vmem>>)
      %mul3A_55 = arith.constant 200 : i32
      %mul3A_56 = arith.muli %add3A_32, %mul3A_55 : i32
      %broadcast_in_dim3A = arith.constant 0.000000e+00 : f32
      %broadcast_in_dim3A_57 = vector.broadcast %broadcast_in_dim3A : f32 to vector<16xf32>
      %broadcast_in_dim3A_58 = arith.constant 0.000000e+00 : f32
      %broadcast_in_dim3A_59 = vector.broadcast %broadcast_in_dim3A_58 : f32 to vector<16xf32>
      %broadcast_in_dim3A_60 = arith.constant 0.000000e+00 : f32
      %broadcast_in_dim3A_61 = vector.broadcast %broadcast_in_dim3A_60 : f32 to vector<16xf32>
      %broadcast_in_dim3A_62 = arith.constant 0.000000e+00 : f32
      %broadcast_in_dim3A_63 = vector.broadcast %broadcast_in_dim3A_62 : f32 to vector<16xf32>
      %scan3A_64 = arith.constant 0 : i32
      %scan3A_65 = arith.constant 25 : i32
      %scan3A_66 = arith.addi %scan3A_64, %scan3A_65 : i32
      %scan3A_67 = arith.constant 1 : i32
      %scan3A_68:8 = scf.for %scan3A_187 = %scan3A_64 to %scan3A_66 step %scan3A_67 iter_args(%scan3A_188 = %broadcast_in_dim3A_57, %scan3A_189 = %broadcast_in_dim3A_59, %scan3A_190 = %broadcast_in_dim3A_61, %scan3A_191 = %broadcast_in_dim3A_63, %scan3A_192 = %broadcast_in_dim3A_57, %scan3A_193 = %broadcast_in_dim3A_59, %scan3A_194 = %broadcast_in_dim3A_61, %scan3A_195 = %broadcast_in_dim3A_63) -> (vector<16xf32>, vector<16xf32>, vector<16xf32>, vector<16xf32>, vector<16xf32>, vector<16xf32>, vector<16xf32>, vector<16xf32>)  : i32 {
        %mul3A_196 = arith.constant 8 : i32
        %mul3A_197 = arith.muli %scan3A_187, %mul3A_196 : i32
        %add3A_198 = arith.addi %mul3A_56, %mul3A_197 : i32
        %multiple_of3A_199 = tpu.assume_multiple %add3A_198, 8 : i32
        %get3A = arith.index_cast %multiple_of3A_199 : i32 to index
        %get3A_200 = tpu.vector_load %arg7[%get3A] {strides = array<i32>} : memref<25616xi32, #tpu.memory_space<vmem>>, vector<16xi32>,
        %get3A_201 = vector.shape_cast %get3A_200 : vector<16xi32> to vector<16xi32>
        %slice3A = vector.extract_strided_slice %get3A_201 {offsets = [0], sizes = [1], strides = [1]} : vector<16xi32> to vector<1xi32>
        %squeeze3A = vector.extract %slice3A[0] : i32 from vector<1xi32>
        %multiple_of3A_202 = tpu.assume_multiple %squeeze3A, 8 : i32
        %add3A_203 = arith.constant 0 : i32
        %add3A_204 = arith.addi %mul3A_197, %add3A_203 : i32
        %add3A_205 = arith.constant 0 : i32
        %add3A_206 = arith.addi %multiple_of3A_202, %add3A_205 : i32
        %get3A_207 = arith.index_cast %add3A_204 : i32 to index
        %get3A_208 = arith.index_cast %add3A_206 : i32 to index
        %get3A_209 = tpu.vector_load %arg8[%get3A_207, %get3A_208] {strides = array<i32>} : memref<200x128xf32, #tpu.memory_space<vmem>>, vector<1x16xf32>,
        %get3A_210 = vector.shape_cast %get3A_209 : vector<1x16xf32> to vector<16xf32>
        %add3A_211 = arith.constant 0 : i32
        %add3A_212 = arith.addi %mul3A_197, %add3A_211 : i32
        %add3A_213 = arith.constant 16 : i32
        %add3A_214 = arith.addi %multiple_of3A_202, %add3A_213 : i32
        %get3A_215 = arith.index_cast %add3A_212 : i32 to index
        %get3A_216 = arith.index_cast %add3A_214 : i32 to index
        %get3A_217 = tpu.vector_load %arg8[%get3A_215, %get3A_216] {strides = array<i32>} : memref<200x128xf32, #tpu.memory_space<vmem>>, vector<1x16xf32>,
        %get3A_218 = vector.shape_cast %get3A_217 : vector<1x16xf32> to vector<16xf32>
        %add3A_219 = arith.constant 0 : i32
        %add3A_220 = arith.addi %mul3A_197, %add3A_219 : i32
        %add3A_221 = arith.constant 32 : i32
        %add3A_222 = arith.addi %multiple_of3A_202, %add3A_221 : i32
        %get3A_223 = arith.index_cast %add3A_220 : i32 to index
        %get3A_224 = arith.index_cast %add3A_222 : i32 to index
        %get3A_225 = tpu.vector_load %arg8[%get3A_223, %get3A_224] {strides = array<i32>} : memref<200x128xf32, #tpu.memory_space<vmem>>, vector<1x16xf32>,
        %get3A_226 = vector.shape_cast %get3A_225 : vector<1x16xf32> to vector<16xf32>
        %add3A_227 = arith.constant 0 : i32
        %add3A_228 = arith.addi %mul3A_197, %add3A_227 : i32
        %add3A_229 = arith.constant 48 : i32
        %add3A_230 = arith.addi %multiple_of3A_202, %add3A_229 : i32
        %get3A_231 = arith.index_cast %add3A_228 : i32 to index
        %get3A_232 = arith.index_cast %add3A_230 : i32 to index
        %get3A_233 = tpu.vector_load %arg8[%get3A_231, %get3A_232] {strides = array<i32>} : memref<200x128xf32, #tpu.memory_space<vmem>>, vector<1x16xf32>,
        %get3A_234 = vector.shape_cast %get3A_233 : vector<1x16xf32> to vector<16xf32>
        %add3A_235 = arith.addf %scan3A_188, %get3A_210 : vector<16xf32>
        %add3A_236 = arith.addf %scan3A_189, %get3A_218 : vector<16xf32>
        %add3A_237 = arith.addf %scan3A_190, %get3A_226 : vector<16xf32>
        %add3A_238 = arith.addf %scan3A_191, %get3A_234 : vector<16xf32>
        %slice3A_239 = vector.extract_strided_slice %get3A_201 {offsets = [1], sizes = [1], strides = [1]} : vector<16xi32> to vector<1xi32>
        %squeeze3A_240 = vector.extract %slice3A_239[0] : i32 from vector<1xi32>
        %multiple_of3A_241 = tpu.assume_multiple %squeeze3A_240, 8 : i32
        %add3A_242 = arith.constant 1 : i32
        %add3A_243 = arith.addi %mul3A_197, %add3A_242 : i32
        %add3A_244 = arith.constant 0 : i32
        %add3A_245 = arith.addi %multiple_of3A_241, %add3A_244 : i32
        %get3A_246 = arith.index_cast %add3A_243 : i32 to index
        %get3A_247 = arith.index_cast %add3A_245 : i32 to index
        %get3A_248 = tpu.vector_load %arg8[%get3A_246, %get3A_247] {strides = array<i32>} : memref<200x128xf32, #tpu.memory_space<vmem>>, vector<1x16xf32>,
        %get3A_249 = vector.shape_cast %get3A_248 : vector<1x16xf32> to vector<16xf32>
        %add3A_250 = arith.constant 1 : i32
        %add3A_251 = arith.addi %mul3A_197, %add3A_250 : i32
        %add3A_252 = arith.constant 16 : i32
        %add3A_253 = arith.addi %multiple_of3A_241, %add3A_252 : i32
        %get3A_254 = arith.index_cast %add3A_251 : i32 to index
        %get3A_255 = arith.index_cast %add3A_253 : i32 to index
        %get3A_256 = tpu.vector_load %arg8[%get3A_254, %get3A_255] {strides = array<i32>} : memref<200x128xf32, #tpu.memory_space<vmem>>, vector<1x16xf32>,
        %get3A_257 = vector.shape_cast %get3A_256 : vector<1x16xf32> to vector<16xf32>
        %add3A_258 = arith.constant 1 : i32
        %add3A_259 = arith.addi %mul3A_197, %add3A_258 : i32
        %add3A_260 = arith.constant 32 : i32
        %add3A_261 = arith.addi %multiple_of3A_241, %add3A_260 : i32
        %get3A_262 = arith.index_cast %add3A_259 : i32 to index
        %get3A_263 = arith.index_cast %add3A_261 : i32 to index
        %get3A_264 = tpu.vector_load %arg8[%get3A_262, %get3A_263] {strides = array<i32>} : memref<200x128xf32, #tpu.memory_space<vmem>>, vector<1x16xf32>,
        %get3A_265 = vector.shape_cast %get3A_264 : vector<1x16xf32> to vector<16xf32>
        %add3A_266 = arith.constant 1 : i32
        %add3A_267 = arith.addi %mul3A_197, %add3A_266 : i32
        %add3A_268 = arith.constant 48 : i32
        %add3A_269 = arith.addi %multiple_of3A_241, %add3A_268 : i32
        %get3A_270 = arith.index_cast %add3A_267 : i32 to index
        %get3A_271 = arith.index_cast %add3A_269 : i32 to index
        %get3A_272 = tpu.vector_load %arg8[%get3A_270, %get3A_271] {strides = array<i32>} : memref<200x128xf32, #tpu.memory_space<vmem>>, vector<1x16xf32>,
        %get3A_273 = vector.shape_cast %get3A_272 : vector<1x16xf32> to vector<16xf32>
        %add3A_274 = arith.addf %scan3A_192, %get3A_249 : vector<16xf32>
        %add3A_275 = arith.addf %scan3A_193, %get3A_257 : vector<16xf32>
        %add3A_276 = arith.addf %scan3A_194, %get3A_265 : vector<16xf32>
        %add3A_277 = arith.addf %scan3A_195, %get3A_273 : vector<16xf32>
        %slice3A_278 = vector.extract_strided_slice %get3A_201 {offsets = [2], sizes = [1], strides = [1]} : vector<16xi32> to vector<1xi32>
        %squeeze3A_279 = vector.extract %slice3A_278[0] : i32 from vector<1xi32>
        %multiple_of3A_280 = tpu.assume_multiple %squeeze3A_279, 8 : i32
        %add3A_281 = arith.constant 2 : i32
        %add3A_282 = arith.addi %mul3A_197, %add3A_281 : i32
        %add3A_283 = arith.constant 0 : i32
        %add3A_284 = arith.addi %multiple_of3A_280, %add3A_283 : i32
        %get3A_285 = arith.index_cast %add3A_282 : i32 to index
        %get3A_286 = arith.index_cast %add3A_284 : i32 to index
        %get3A_287 = tpu.vector_load %arg8[%get3A_285, %get3A_286] {strides = array<i32>} : memref<200x128xf32, #tpu.memory_space<vmem>>, vector<1x16xf32>,
        %get3A_288 = vector.shape_cast %get3A_287 : vector<1x16xf32> to vector<16xf32>
        %add3A_289 = arith.constant 2 : i32
        %add3A_290 = arith.addi %mul3A_197, %add3A_289 : i32
        %add3A_291 = arith.constant 16 : i32
        %add3A_292 = arith.addi %multiple_of3A_280, %add3A_291 : i32
        %get3A_293 = arith.index_cast %add3A_290 : i32 to index
        %get3A_294 = arith.index_cast %add3A_292 : i32 to index
        %get3A_295 = tpu.vector_load %arg8[%get3A_293, %get3A_294] {strides = array<i32>} : memref<200x128xf32, #tpu.memory_space<vmem>>, vector<1x16xf32>,
        %get3A_296 = vector.shape_cast %get3A_295 : vector<1x16xf32> to vector<16xf32>
        %add3A_297 = arith.constant 2 : i32
        %add3A_298 = arith.addi %mul3A_197, %add3A_297 : i32
        %add3A_299 = arith.constant 32 : i32
        %add3A_300 = arith.addi %multiple_of3A_280, %add3A_299 : i32
        %get3A_301 = arith.index_cast %add3A_298 : i32 to index
        %get3A_302 = arith.index_cast %add3A_300 : i32 to index
        %get3A_303 = tpu.vector_load %arg8[%get3A_301, %get3A_302] {strides = array<i32>} : memref<200x128xf32, #tpu.memory_space<vmem>>, vector<1x16xf32>,
        %get3A_304 = vector.shape_cast %get3A_303 : vector<1x16xf32> to vector<16xf32>
        %add3A_305 = arith.constant 2 : i32
        %add3A_306 = arith.addi %mul3A_197, %add3A_305 : i32
        %add3A_307 = arith.constant 48 : i32
        %add3A_308 = arith.addi %multiple_of3A_280, %add3A_307 : i32
        %get3A_309 = arith.index_cast %add3A_306 : i32 to index
        %get3A_310 = arith.index_cast %add3A_308 : i32 to index
        %get3A_311 = tpu.vector_load %arg8[%get3A_309, %get3A_310] {strides = array<i32>} : memref<200x128xf32, #tpu.memory_space<vmem>>, vector<1x16xf32>,
        %get3A_312 = vector.shape_cast %get3A_311 : vector<1x16xf32> to vector<16xf32>
        %add3A_313 = arith.addf %add3A_235, %get3A_288 : vector<16xf32>
        %add3A_314 = arith.addf %add3A_236, %get3A_296 : vector<16xf32>
        %add3A_315 = arith.addf %add3A_237, %get3A_304 : vector<16xf32>
        %add3A_316 = arith.addf %add3A_238, %get3A_312 : vector<16xf32>
        %slice3A_317 = vector.extract_strided_slice %get3A_201 {offsets = [3], sizes = [1], strides = [1]} : vector<16xi32> to vector<1xi32>
        %squeeze3A_318 = vector.extract %slice3A_317[0] : i32 from vector<1xi32>
        %multiple_of3A_319 = tpu.assume_multiple %squeeze3A_318, 8 : i32
        %add3A_320 = arith.constant 3 : i32
        %add3A_321 = arith.addi %mul3A_197, %add3A_320 : i32
        %add3A_322 = arith.constant 0 : i32
        %add3A_323 = arith.addi %multiple_of3A_319, %add3A_322 : i32
        %get3A_324 = arith.index_cast %add3A_321 : i32 to index
        %get3A_325 = arith.index_cast %add3A_323 : i32 to index
        %get3A_326 = tpu.vector_load %arg8[%get3A_324, %get3A_325] {strides = array<i32>} : memref<200x128xf32, #tpu.memory_space<vmem>>, vector<1x16xf32>,
        %get3A_327 = vector.shape_cast %get3A_326 : vector<1x16xf32> to vector<16xf32>
        %add3A_328 = arith.constant 3 : i32
        %add3A_329 = arith.addi %mul3A_197, %add3A_328 : i32
        %add3A_330 = arith.constant 16 : i32
        %add3A_331 = arith.addi %multiple_of3A_319, %add3A_330 : i32
        %get3A_332 = arith.index_cast %add3A_329 : i32 to index
        %get3A_333 = arith.index_cast %add3A_331 : i32 to index
        %get3A_334 = tpu.vector_load %arg8[%get3A_332, %get3A_333] {strides = array<i32>} : memref<200x128xf32, #tpu.memory_space<vmem>>, vector<1x16xf32>,
        %get3A_335 = vector.shape_cast %get3A_334 : vector<1x16xf32> to vector<16xf32>
        %add3A_336 = arith.constant 3 : i32
        %add3A_337 = arith.addi %mul3A_197, %add3A_336 : i32
        %add3A_338 = arith.constant 32 : i32
        %add3A_339 = arith.addi %multiple_of3A_319, %add3A_338 : i32
        %get3A_340 = arith.index_cast %add3A_337 : i32 to index
        %get3A_341 = arith.index_cast %add3A_339 : i32 to index
        %get3A_342 = tpu.vector_load %arg8[%get3A_340, %get3A_341] {strides = array<i32>} : memref<200x128xf32, #tpu.memory_space<vmem>>, vector<1x16xf32>,
        %get3A_343 = vector.shape_cast %get3A_342 : vector<1x16xf32> to vector<16xf32>
        %add3A_344 = arith.constant 3 : i32
        %add3A_345 = arith.addi %mul3A_197, %add3A_344 : i32
        %add3A_346 = arith.constant 48 : i32
        %add3A_347 = arith.addi %multiple_of3A_319, %add3A_346 : i32
        %get3A_348 = arith.index_cast %add3A_345 : i32 to index
        %get3A_349 = arith.index_cast %add3A_347 : i32 to index
        %get3A_350 = tpu.vector_load %arg8[%get3A_348, %get3A_349] {strides = array<i32>} : memref<200x128xf32, #tpu.memory_space<vmem>>, vector<1x16xf32>,
        %get3A_351 = vector.shape_cast %get3A_350 : vector<1x16xf32> to vector<16xf32>
        %add3A_352 = arith.addf %add3A_274, %get3A_327 : vector<16xf32>
        %add3A_353 = arith.addf %add3A_275, %get3A_335 : vector<16xf32>
        %add3A_354 = arith.addf %add3A_276, %get3A_343 : vector<16xf32>
        %add3A_355 = arith.addf %add3A_277, %get3A_351 : vector<16xf32>
        %slice3A_356 = vector.extract_strided_slice %get3A_201 {offsets = [4], sizes = [1], strides = [1]} : vector<16xi32> to vector<1xi32>
        %squeeze3A_357 = vector.extract %slice3A_356[0] : i32 from vector<1xi32>
        %multiple_of3A_358 = tpu.assume_multiple %squeeze3A_357, 8 : i32
        %add3A_359 = arith.constant 4 : i32
        %add3A_360 = arith.addi %mul3A_197, %add3A_359 : i32
        %add3A_361 = arith.constant 0 : i32
        %add3A_362 = arith.addi %multiple_of3A_358, %add3A_361 : i32
        %get3A_363 = arith.index_cast %add3A_360 : i32 to index
        %get3A_364 = arith.index_cast %add3A_362 : i32 to index
        %get3A_365 = tpu.vector_load %arg8[%get3A_363, %get3A_364] {strides = array<i32>} : memref<200x128xf32, #tpu.memory_space<vmem>>, vector<1x16xf32>,
        %get3A_366 = vector.shape_cast %get3A_365 : vector<1x16xf32> to vector<16xf32>
        %add3A_367 = arith.constant 4 : i32
        %add3A_368 = arith.addi %mul3A_197, %add3A_367 : i32
        %add3A_369 = arith.constant 16 : i32
        %add3A_370 = arith.addi %multiple_of3A_358, %add3A_369 : i32
        %get3A_371 = arith.index_cast %add3A_368 : i32 to index
        %get3A_372 = arith.index_cast %add3A_370 : i32 to index
        %get3A_373 = tpu.vector_load %arg8[%get3A_371, %get3A_372] {strides = array<i32>} : memref<200x128xf32, #tpu.memory_space<vmem>>, vector<1x16xf32>,
        %get3A_374 = vector.shape_cast %get3A_373 : vector<1x16xf32> to vector<16xf32>
        %add3A_375 = arith.constant 4 : i32
        %add3A_376 = arith.addi %mul3A_197, %add3A_375 : i32
        %add3A_377 = arith.constant 32 : i32
        %add3A_378 = arith.addi %multiple_of3A_358, %add3A_377 : i32
        %get3A_379 = arith.index_cast %add3A_376 : i32 to index
        %get3A_380 = arith.index_cast %add3A_378 : i32 to index
        %get3A_381 = tpu.vector_load %arg8[%get3A_379, %get3A_380] {strides = array<i32>} : memref<200x128xf32, #tpu.memory_space<vmem>>, vector<1x16xf32>,
        %get3A_382 = vector.shape_cast %get3A_381 : vector<1x16xf32> to vector<16xf32>
        %add3A_383 = arith.constant 4 : i32
        %add3A_384 = arith.addi %mul3A_197, %add3A_383 : i32
        %add3A_385 = arith.constant 48 : i32
        %add3A_386 = arith.addi %multiple_of3A_358, %add3A_385 : i32
        %get3A_387 = arith.index_cast %add3A_384 : i32 to index
        %get3A_388 = arith.index_cast %add3A_386 : i32 to index
        %get3A_389 = tpu.vector_load %arg8[%get3A_387, %get3A_388] {strides = array<i32>} : memref<200x128xf32, #tpu.memory_space<vmem>>, vector<1x16xf32>,
        %get3A_390 = vector.shape_cast %get3A_389 : vector<1x16xf32> to vector<16xf32>
        %add3A_391 = arith.addf %add3A_313, %get3A_366 : vector<16xf32>
        %add3A_392 = arith.addf %add3A_314, %get3A_374 : vector<16xf32>
        %add3A_393 = arith.addf %add3A_315, %get3A_382 : vector<16xf32>
        %add3A_394 = arith.addf %add3A_316, %get3A_390 : vector<16xf32>
        %slice3A_395 = vector.extract_strided_slice %get3A_201 {offsets = [5], sizes = [1], strides = [1]} : vector<16xi32> to vector<1xi32>
        %squeeze3A_396 = vector.extract %slice3A_395[0] : i32 from vector<1xi32>
        %multiple_of3A_397 = tpu.assume_multiple %squeeze3A_396, 8 : i32
        %add3A_398 = arith.constant 5 : i32
        %add3A_399 = arith.addi %mul3A_197, %add3A_398 : i32
        %add3A_400 = arith.constant 0 : i32
        %add3A_401 = arith.addi %multiple_of3A_397, %add3A_400 : i32
        %get3A_402 = arith.index_cast %add3A_399 : i32 to index
        %get3A_403 = arith.index_cast %add3A_401 : i32 to index
        %get3A_404 = tpu.vector_load %arg8[%get3A_402, %get3A_403] {strides = array<i32>} : memref<200x128xf32, #tpu.memory_space<vmem>>, vector<1x16xf32>,
        %get3A_405 = vector.shape_cast %get3A_404 : vector<1x16xf32> to vector<16xf32>
        %add3A_406 = arith.constant 5 : i32
        %add3A_407 = arith.addi %mul3A_197, %add3A_406 : i32
        %add3A_408 = arith.constant 16 : i32
        %add3A_409 = arith.addi %multiple_of3A_397, %add3A_408 : i32
        %get3A_410 = arith.index_cast %add3A_407 : i32 to index
        %get3A_411 = arith.index_cast %add3A_409 : i32 to index
        %get3A_412 = tpu.vector_load %arg8[%get3A_410, %get3A_411] {strides = array<i32>} : memref<200x128xf32, #tpu.memory_space<vmem>>, vector<1x16xf32>,
        %get3A_413 = vector.shape_cast %get3A_412 : vector<1x16xf32> to vector<16xf32>
        %add3A_414 = arith.constant 5 : i32
        %add3A_415 = arith.addi %mul3A_197, %add3A_414 : i32
        %add3A_416 = arith.constant 32 : i32
        %add3A_417 = arith.addi %multiple_of3A_397, %add3A_416 : i32
        %get3A_418 = arith.index_cast %add3A_415 : i32 to index
        %get3A_419 = arith.index_cast %add3A_417 : i32 to index
        %get3A_420 = tpu.vector_load %arg8[%get3A_418, %get3A_419] {strides = array<i32>} : memref<200x128xf32, #tpu.memory_space<vmem>>, vector<1x16xf32>,
        %get3A_421 = vector.shape_cast %get3A_420 : vector<1x16xf32> to vector<16xf32>
        %add3A_422 = arith.constant 5 : i32
        %add3A_423 = arith.addi %mul3A_197, %add3A_422 : i32
        %add3A_424 = arith.constant 48 : i32
        %add3A_425 = arith.addi %multiple_of3A_397, %add3A_424 : i32
        %get3A_426 = arith.index_cast %add3A_423 : i32 to index
        %get3A_427 = arith.index_cast %add3A_425 : i32 to index
        %get3A_428 = tpu.vector_load %arg8[%get3A_426, %get3A_427] {strides = array<i32>} : memref<200x128xf32, #tpu.memory_space<vmem>>, vector<1x16xf32>,
        %get3A_429 = vector.shape_cast %get3A_428 : vector<1x16xf32> to vector<16xf32>
        %add3A_430 = arith.addf %add3A_352, %get3A_405 : vector<16xf32>
        %add3A_431 = arith.addf %add3A_353, %get3A_413 : vector<16xf32>
        %add3A_432 = arith.addf %add3A_354, %get3A_421 : vector<16xf32>
        %add3A_433 = arith.addf %add3A_355, %get3A_429 : vector<16xf32>
        %slice3A_434 = vector.extract_strided_slice %get3A_201 {offsets = [6], sizes = [1], strides = [1]} : vector<16xi32> to vector<1xi32>
        %squeeze3A_435 = vector.extract %slice3A_434[0] : i32 from vector<1xi32>
        %multiple_of3A_436 = tpu.assume_multiple %squeeze3A_435, 8 : i32
        %add3A_437 = arith.constant 6 : i32
        %add3A_438 = arith.addi %mul3A_197, %add3A_437 : i32
        %add3A_439 = arith.constant 0 : i32
        %add3A_440 = arith.addi %multiple_of3A_436, %add3A_439 : i32
        %get3A_441 = arith.index_cast %add3A_438 : i32 to index
        %get3A_442 = arith.index_cast %add3A_440 : i32 to index
        %get3A_443 = tpu.vector_load %arg8[%get3A_441, %get3A_442] {strides = array<i32>} : memref<200x128xf32, #tpu.memory_space<vmem>>, vector<1x16xf32>,
        %get3A_444 = vector.shape_cast %get3A_443 : vector<1x16xf32> to vector<16xf32>
        %add3A_445 = arith.constant 6 : i32
        %add3A_446 = arith.addi %mul3A_197, %add3A_445 : i32
        %add3A_447 = arith.constant 16 : i32
        %add3A_448 = arith.addi %multiple_of3A_436, %add3A_447 : i32
        %get3A_449 = arith.index_cast %add3A_446 : i32 to index
        %get3A_450 = arith.index_cast %add3A_448 : i32 to index
        %get3A_451 = tpu.vector_load %arg8[%get3A_449, %get3A_450] {strides = array<i32>} : memref<200x128xf32, #tpu.memory_space<vmem>>, vector<1x16xf32>,
        %get3A_452 = vector.shape_cast %get3A_451 : vector<1x16xf32> to vector<16xf32>
        %add3A_453 = arith.constant 6 : i32
        %add3A_454 = arith.addi %mul3A_197, %add3A_453 : i32
        %add3A_455 = arith.constant 32 : i32
        %add3A_456 = arith.addi %multiple_of3A_436, %add3A_455 : i32
        %get3A_457 = arith.index_cast %add3A_454 : i32 to index
        %get3A_458 = arith.index_cast %add3A_456 : i32 to index
        %get3A_459 = tpu.vector_load %arg8[%get3A_457, %get3A_458] {strides = array<i32>} : memref<200x128xf32, #tpu.memory_space<vmem>>, vector<1x16xf32>,
        %get3A_460 = vector.shape_cast %get3A_459 : vector<1x16xf32> to vector<16xf32>
        %add3A_461 = arith.constant 6 : i32
        %add3A_462 = arith.addi %mul3A_197, %add3A_461 : i32
        %add3A_463 = arith.constant 48 : i32
        %add3A_464 = arith.addi %multiple_of3A_436, %add3A_463 : i32
        %get3A_465 = arith.index_cast %add3A_462 : i32 to index
        %get3A_466 = arith.index_cast %add3A_464 : i32 to index
        %get3A_467 = tpu.vector_load %arg8[%get3A_465, %get3A_466] {strides = array<i32>} : memref<200x128xf32, #tpu.memory_space<vmem>>, vector<1x16xf32>,
        %get3A_468 = vector.shape_cast %get3A_467 : vector<1x16xf32> to vector<16xf32>
        %add3A_469 = arith.addf %add3A_391, %get3A_444 : vector<16xf32>
        %add3A_470 = arith.addf %add3A_392, %get3A_452 : vector<16xf32>
        %add3A_471 = arith.addf %add3A_393, %get3A_460 : vector<16xf32>
        %add3A_472 = arith.addf %add3A_394, %get3A_468 : vector<16xf32>
        %slice3A_473 = vector.extract_strided_slice %get3A_201 {offsets = [7], sizes = [1], strides = [1]} : vector<16xi32> to vector<1xi32>
        %squeeze3A_474 = vector.extract %slice3A_473[0] : i32 from vector<1xi32>
        %multiple_of3A_475 = tpu.assume_multiple %squeeze3A_474, 8 : i32
        %add3A_476 = arith.constant 7 : i32
        %add3A_477 = arith.addi %mul3A_197, %add3A_476 : i32
        %add3A_478 = arith.constant 0 : i32
        %add3A_479 = arith.addi %multiple_of3A_475, %add3A_478 : i32
        %get3A_480 = arith.index_cast %add3A_477 : i32 to index
        %get3A_481 = arith.index_cast %add3A_479 : i32 to index
        %get3A_482 = tpu.vector_load %arg8[%get3A_480, %get3A_481] {strides = array<i32>} : memref<200x128xf32, #tpu.memory_space<vmem>>, vector<1x16xf32>,
        %get3A_483 = vector.shape_cast %get3A_482 : vector<1x16xf32> to vector<16xf32>
        %add3A_484 = arith.constant 7 : i32
        %add3A_485 = arith.addi %mul3A_197, %add3A_484 : i32
        %add3A_486 = arith.constant 16 : i32
        %add3A_487 = arith.addi %multiple_of3A_475, %add3A_486 : i32
        %get3A_488 = arith.index_cast %add3A_485 : i32 to index
        %get3A_489 = arith.index_cast %add3A_487 : i32 to index
        %get3A_490 = tpu.vector_load %arg8[%get3A_488, %get3A_489] {strides = array<i32>} : memref<200x128xf32, #tpu.memory_space<vmem>>, vector<1x16xf32>,
        %get3A_491 = vector.shape_cast %get3A_490 : vector<1x16xf32> to vector<16xf32>
        %add3A_492 = arith.constant 7 : i32
        %add3A_493 = arith.addi %mul3A_197, %add3A_492 : i32
        %add3A_494 = arith.constant 32 : i32
        %add3A_495 = arith.addi %multiple_of3A_475, %add3A_494 : i32
        %get3A_496 = arith.index_cast %add3A_493 : i32 to index
        %get3A_497 = arith.index_cast %add3A_495 : i32 to index
        %get3A_498 = tpu.vector_load %arg8[%get3A_496, %get3A_497] {strides = array<i32>} : memref<200x128xf32, #tpu.memory_space<vmem>>, vector<1x16xf32>,
        %get3A_499 = vector.shape_cast %get3A_498 : vector<1x16xf32> to vector<16xf32>
        %add3A_500 = arith.constant 7 : i32
        %add3A_501 = arith.addi %mul3A_197, %add3A_500 : i32
        %add3A_502 = arith.constant 48 : i32
        %add3A_503 = arith.addi %multiple_of3A_475, %add3A_502 : i32
        %get3A_504 = arith.index_cast %add3A_501 : i32 to index
        %get3A_505 = arith.index_cast %add3A_503 : i32 to index
        %get3A_506 = tpu.vector_load %arg8[%get3A_504, %get3A_505] {strides = array<i32>} : memref<200x128xf32, #tpu.memory_space<vmem>>, vector<1x16xf32>,
        %get3A_507 = vector.shape_cast %get3A_506 : vector<1x16xf32> to vector<16xf32>
        %add3A_508 = arith.addf %add3A_430, %get3A_483 : vector<16xf32>
        %add3A_509 = arith.addf %add3A_431, %get3A_491 : vector<16xf32>
        %add3A_510 = arith.addf %add3A_432, %get3A_499 : vector<16xf32>
        %add3A_511 = arith.addf %add3A_433, %get3A_507 : vector<16xf32>
        scf.yield %add3A_469, %add3A_470, %add3A_471, %add3A_472, %add3A_508, %add3A_509, %add3A_510, %add3A_511 : vector<16xf32>, vector<16xf32>, vector<16xf32>, vector<16xf32>, vector<16xf32>, vector<16xf32>, vector<16xf32>, vector<16xf32>
      }
      %scan3A_69 = arith.constant 25 : i32
      %add3A_70 = arith.addf %scan3A_68#0, %scan3A_68#4 : vector<16xf32>
      %mul3A_71 = arith.constant 5.000000e-03 : f32
      %mul3A_72 = vector.broadcast %mul3A_71 : f32 to vector<16xf32>
      %mul3A_73 = arith.mulf %add3A_70, %mul3A_72 : vector<16xf32>
      %swap3A = arith.index_cast %add3A_32 : i32 to index
      %swap3A_74 = arith.constant 0 : index
      %swap3A_75 = tpu.vector_load %arg10[%swap3A, %swap3A_74] {strides = array<i32>} : memref<128x64xf32, #tpu.memory_space<vmem>>, vector<1x16xf32>,
      %swap3A_76 = vector.shape_cast %swap3A_75 : vector<1x16xf32> to vector<16xf32>
      %swap3A_77 = vector.shape_cast %mul3A_73 : vector<16xf32> to vector<1x16xf32>
      tpu.vector_store %arg10[%swap3A, %swap3A_74], %swap3A_77 {strides = array<i32>} : memref<128x64xf32, #tpu.memory_space<vmem>>, vector<1x16xf32>,
      %add3A_78 = arith.addf %scan3A_68#1, %scan3A_68#5 : vector<16xf32>
      %mul3A_79 = arith.constant 5.000000e-03 : f32
      %mul3A_80 = vector.broadcast %mul3A_79 : f32 to vector<16xf32>
      %mul3A_81 = arith.mulf %add3A_78, %mul3A_80 : vector<16xf32>
      %swap3A_82 = arith.index_cast %add3A_32 : i32 to index
      %swap3A_83 = arith.constant 16 : index
      %swap3A_84 = tpu.vector_load %arg10[%swap3A_82, %swap3A_83] {strides = array<i32>} : memref<128x64xf32, #tpu.memory_space<vmem>>, vector<1x16xf32>,
      %swap3A_85 = vector.shape_cast %swap3A_84 : vector<1x16xf32> to vector<16xf32>
      %swap3A_86 = vector.shape_cast %mul3A_81 : vector<16xf32> to vector<1x16xf32>
      tpu.vector_store %arg10[%swap3A_82, %swap3A_83], %swap3A_86 {strides = array<i32>} : memref<128x64xf32, #tpu.memory_space<vmem>>, vector<1x16xf32>,
      %add3A_87 = arith.addf %scan3A_68#2, %scan3A_68#6 : vector<16xf32>
      %mul3A_88 = arith.constant 5.000000e-03 : f32
      %mul3A_89 = vector.broadcast %mul3A_88 : f32 to vector<16xf32>
      %mul3A_90 = arith.mulf %add3A_87, %mul3A_89 : vector<16xf32>
      %swap3A_91 = arith.index_cast %add3A_32 : i32 to index
      %swap3A_92 = arith.constant 32 : index
      %swap3A_93 = tpu.vector_load %arg10[%swap3A_91, %swap3A_92] {strides = array<i32>} : memref<128x64xf32, #tpu.memory_space<vmem>>, vector<1x16xf32>,
      %swap3A_94 = vector.shape_cast %swap3A_93 : vector<1x16xf32> to vector<16xf32>
      %swap3A_95 = vector.shape_cast %mul3A_90 : vector<16xf32> to vector<1x16xf32>
      tpu.vector_store %arg10[%swap3A_91, %swap3A_92], %swap3A_95 {strides = array<i32>} : memref<128x64xf32, #tpu.memory_space<vmem>>, vector<1x16xf32>,
      %add3A_96 = arith.addf %scan3A_68#3, %scan3A_68#7 : vector<16xf32>
      %mul3A_97 = arith.constant 5.000000e-03 : f32
      %mul3A_98 = vector.broadcast %mul3A_97 : f32 to vector<16xf32>
      %mul3A_99 = arith.mulf %add3A_96, %mul3A_98 : vector<16xf32>
      %swap3A_100 = arith.index_cast %add3A_32 : i32 to index
      %swap3A_101 = arith.constant 48 : index
      %swap3A_102 = tpu.vector_load %arg10[%swap3A_100, %swap3A_101] {strides = array<i32>} : memref<128x64xf32, #tpu.memory_space<vmem>>, vector<1x16xf32>,
      %swap3A_103 = vector.shape_cast %swap3A_102 : vector<1x16xf32> to vector<16xf32>
      %swap3A_104 = vector.shape_cast %mul3A_99 : vector<16xf32> to vector<1x16xf32>
      tpu.vector_store %arg10[%swap3A_100, %swap3A_101], %swap3A_104 {strides = array<i32>} : memref<128x64xf32, #tpu.memory_space<vmem>>, vector<1x16xf32>,
      %mul3A_105 = arith.constant 2 : i32
      %mul3A_106 = arith.muli %scan3A_28, %mul3A_105 : i32
      %add3A_107 = arith.constant 1 : i32
      %add3A_108 = arith.addi %mul3A_106, %add3A_107 : i32
      %add3A_109 = arith.constant 1 : i32
      %add3A_110 = arith.addi %add3A_108, %add3A_109 : i32
      %lt3A_111 = arith.constant 128 : i32
      %lt3A_112 = arith.cmpi slt, %add3A_110, %lt3A_111 : i32
      %convert_element_type3A_113 = arith.extui %lt3A_112 : i1 to i32
      %cond3A_114 = arith.constant 0 : i32
      %cond3A_115 = arith.cmpi ne, %convert_element_type3A_113, %cond3A_114 : i32
      scf.if %cond3A_115 {
        %mul3A_187 = arith.constant 200 : i32
        %mul3A_188 = arith.muli %add3A_110, %mul3A_187 : i32
        %multiple_of3A_189 = tpu.assume_multiple %mul3A_188, 8 : i32
        %dma_start3A_190 = arith.constant 0 : i32
        %dma_start3A_191 = arith.constant 0 : i32
        %dma_start3A_192 = tpu.memref_slice %arg8[%dma_start3A_190, %dma_start3A_191] : memref<200x128xf32, #tpu.memory_space<vmem>> -> memref<104x128xf32, #tpu.memory_space<vmem>>
        %dma_start3A_193 = tpu.memref_slice %arg6[%multiple_of3A_189] : memref<25600xi32, #tpu.memory_space<vmem>> -> memref<104xi32, #tpu.memory_space<vmem>>
        %dma_start3A_194 = arith.constant 0 : i32
        %dma_start3A_195 = arith.constant 0 : i32
        %dma_start3A_196 = tpu.memref_slice %arg4[%dma_start3A_194, %dma_start3A_195] : memref<500000x128xf32, #tpu.memory_space<hbm>> -> memref<500000x128xf32, #tpu.memory_space<hbm>>
        tpu.enqueue_indirect_dma source(%dma_start3A_196 : memref<500000x128xf32, #tpu.memory_space<hbm>>) target(%dma_start3A_192 : memref<104x128xf32, #tpu.memory_space<vmem>>) offsets(%dma_start3A_193 : memref<104xi32, #tpu.memory_space<vmem>>) semaphore(%arg11 : memref<!tpu.dma_semaphore, #tpu.memory_space<semaphore_mem>>)
        %add3A_197 = arith.constant 104 : i32
        %add3A_198 = arith.addi %multiple_of3A_189, %add3A_197 : i32
        %dma_start3A_199 = arith.constant 104 : i32
        %dma_start3A_200 = arith.constant 0 : i32
        %dma_start3A_201 = tpu.memref_slice %arg8[%dma_start3A_199, %dma_start3A_200] : memref<200x128xf32, #tpu.memory_space<vmem>> -> memref<96x128xf32, #tpu.memory_space<vmem>>
        %dma_start3A_202 = tpu.memref_slice %arg6[%add3A_198] : memref<25600xi32, #tpu.memory_space<vmem>> -> memref<96xi32, #tpu.memory_space<vmem>>
        %dma_start3A_203 = arith.constant 0 : i32
        %dma_start3A_204 = arith.constant 0 : i32
        %dma_start3A_205 = tpu.memref_slice %arg4[%dma_start3A_203, %dma_start3A_204] : memref<500000x128xf32, #tpu.memory_space<hbm>> -> memref<500000x128xf32, #tpu.memory_space<hbm>>
        tpu.enqueue_indirect_dma source(%dma_start3A_205 : memref<500000x128xf32, #tpu.memory_space<hbm>>) target(%dma_start3A_201 : memref<96x128xf32, #tpu.memory_space<vmem>>) offsets(%dma_start3A_202 : memref<96xi32, #tpu.memory_space<vmem>>) semaphore(%arg11 : memref<!tpu.dma_semaphore, #tpu.memory_space<semaphore_mem>>)
      } else {
      }
      %mul3A_116 = arith.constant 200 : i32
      %mul3A_117 = arith.muli %add3A_108, %mul3A_116 : i32
      %multiple_of3A_118 = tpu.assume_multiple %mul3A_117, 8 : i32
      %dma_wait3A_119 = arith.constant 0 : i32
      %dma_wait3A_120 = arith.constant 0 : i32
      %dma_wait3A_121 = tpu.memref_slice %arg9[%dma_wait3A_119, %dma_wait3A_120] : memref<200x128xf32, #tpu.memory_space<vmem>> -> memref<104x128xf32, #tpu.memory_space<vmem>>
      %dma_wait3A_122 = tpu.memref_slice %arg6[%multiple_of3A_118] : memref<25600xi32, #tpu.memory_space<vmem>> -> memref<104xi32, #tpu.memory_space<vmem>>
      %dma_wait3A_123 = arith.constant 0 : i32
      %dma_wait3A_124 = arith.constant 0 : i32
      %dma_wait3A_125 = tpu.memref_slice %arg4[%dma_wait3A_123, %dma_wait3A_124] : memref<500000x128xf32, #tpu.memory_space<hbm>> -> memref<500000x128xf32, #tpu.memory_space<hbm>>
      tpu.wait_indirect_dma semaphore(%arg12 : memref<!tpu.dma_semaphore, #tpu.memory_space<semaphore_mem>>) src(%dma_wait3A_125 : memref<500000x128xf32, #tpu.memory_space<hbm>>) dst(%dma_wait3A_121 : memref<104x128xf32, #tpu.memory_space<vmem>>)
      %add3A_126 = arith.constant 104 : i32
      %add3A_127 = arith.addi %multiple_of3A_118, %add3A_126 : i32
      %dma_wait3A_128 = arith.constant 104 : i32
      %dma_wait3A_129 = arith.constant 0 : i32
      %dma_wait3A_130 = tpu.memref_slice %arg9[%dma_wait3A_128, %dma_wait3A_129] : memref<200x128xf32, #tpu.memory_space<vmem>> -> memref<96x128xf32, #tpu.memory_space<vmem>>
      %dma_wait3A_131 = tpu.memref_slice %arg6[%add3A_127] : memref<25600xi32, #tpu.memory_space<vmem>> -> memref<96xi32, #tpu.memory_space<vmem>>
      %dma_wait3A_132 = arith.constant 0 : i32
      %dma_wait3A_133 = arith.constant 0 : i32
      %dma_wait3A_134 = tpu.memref_slice %arg4[%dma_wait3A_132, %dma_wait3A_133] : memref<500000x128xf32, #tpu.memory_space<hbm>> -> memref<500000x128xf32, #tpu.memory_space<hbm>>
      tpu.wait_indirect_dma semaphore(%arg12 : memref<!tpu.dma_semaphore, #tpu.memory_space<semaphore_mem>>) src(%dma_wait3A_134 : memref<500000x128xf32, #tpu.memory_space<hbm>>) dst(%dma_wait3A_130 : memref<96x128xf32, #tpu.memory_space<vmem>>)
      %mul3A_135 = arith.constant 200 : i32
      %mul3A_136 = arith.muli %add3A_108, %mul3A_135 : i32
      %broadcast_in_dim3A_137 = arith.constant 0.000000e+00 : f32
      %broadcast_in_dim3A_138 = vector.broadcast %broadcast_in_dim3A_137 : f32 to vector<16xf32>
      %broadcast_in_dim3A_139 = arith.constant 0.000000e+00 : f32
      %broadcast_in_dim3A_140 = vector.broadcast %broadcast_in_dim3A_139 : f32 to vector<16xf32>
      %broadcast_in_dim3A_141 = arith.constant 0.000000e+00 : f32
      %broadcast_in_dim3A_142 = vector.broadcast %broadcast_in_dim3A_141 : f32 to vector<16xf32>
      %broadcast_in_dim3A_143 = arith.constant 0.000000e+00 : f32
      %broadcast_in_dim3A_144 = vector.broadcast %broadcast_in_dim3A_143 : f32 to vector<16xf32>
      %scan3A_145 = arith.constant 0 : i32
      %scan3A_146 = arith.constant 25 : i32
      %scan3A_147 = arith.addi %scan3A_145, %scan3A_146 : i32
      %scan3A_148 = arith.constant 1 : i32
      %scan3A_149:8 = scf.for %scan3A_187 = %scan3A_145 to %scan3A_147 step %scan3A_148 iter_args(%scan3A_188 = %broadcast_in_dim3A_138, %scan3A_189 = %broadcast_in_dim3A_140, %scan3A_190 = %broadcast_in_dim3A_142, %scan3A_191 = %broadcast_in_dim3A_144, %scan3A_192 = %broadcast_in_dim3A_138, %scan3A_193 = %broadcast_in_dim3A_140, %scan3A_194 = %broadcast_in_dim3A_142, %scan3A_195 = %broadcast_in_dim3A_144) -> (vector<16xf32>, vector<16xf32>, vector<16xf32>, vector<16xf32>, vector<16xf32>, vector<16xf32>, vector<16xf32>, vector<16xf32>)  : i32 {
        %mul3A_196 = arith.constant 8 : i32
        %mul3A_197 = arith.muli %scan3A_187, %mul3A_196 : i32
        %add3A_198 = arith.addi %mul3A_136, %mul3A_197 : i32
        %multiple_of3A_199 = tpu.assume_multiple %add3A_198, 8 : i32
        %get3A = arith.index_cast %multiple_of3A_199 : i32 to index
        %get3A_200 = tpu.vector_load %arg7[%get3A] {strides = array<i32>} : memref<25616xi32, #tpu.memory_space<vmem>>, vector<16xi32>,
        %get3A_201 = vector.shape_cast %get3A_200 : vector<16xi32> to vector<16xi32>
        %slice3A = vector.extract_strided_slice %get3A_201 {offsets = [0], sizes = [1], strides = [1]} : vector<16xi32> to vector<1xi32>
        %squeeze3A = vector.extract %slice3A[0] : i32 from vector<1xi32>
        %multiple_of3A_202 = tpu.assume_multiple %squeeze3A, 8 : i32
        %add3A_203 = arith.constant 0 : i32
        %add3A_204 = arith.addi %mul3A_197, %add3A_203 : i32
        %add3A_205 = arith.constant 0 : i32
        %add3A_206 = arith.addi %multiple_of3A_202, %add3A_205 : i32
        %get3A_207 = arith.index_cast %add3A_204 : i32 to index
        %get3A_208 = arith.index_cast %add3A_206 : i32 to index
        %get3A_209 = tpu.vector_load %arg9[%get3A_207, %get3A_208] {strides = array<i32>} : memref<200x128xf32, #tpu.memory_space<vmem>>, vector<1x16xf32>,
        %get3A_210 = vector.shape_cast %get3A_209 : vector<1x16xf32> to vector<16xf32>
        %add3A_211 = arith.constant 0 : i32
        %add3A_212 = arith.addi %mul3A_197, %add3A_211 : i32
        %add3A_213 = arith.constant 16 : i32
        %add3A_214 = arith.addi %multiple_of3A_202, %add3A_213 : i32
        %get3A_215 = arith.index_cast %add3A_212 : i32 to index
        %get3A_216 = arith.index_cast %add3A_214 : i32 to index
        %get3A_217 = tpu.vector_load %arg9[%get3A_215, %get3A_216] {strides = array<i32>} : memref<200x128xf32, #tpu.memory_space<vmem>>, vector<1x16xf32>,
        %get3A_218 = vector.shape_cast %get3A_217 : vector<1x16xf32> to vector<16xf32>
        %add3A_219 = arith.constant 0 : i32
        %add3A_220 = arith.addi %mul3A_197, %add3A_219 : i32
        %add3A_221 = arith.constant 32 : i32
        %add3A_222 = arith.addi %multiple_of3A_202, %add3A_221 : i32
        %get3A_223 = arith.index_cast %add3A_220 : i32 to index
        %get3A_224 = arith.index_cast %add3A_222 : i32 to index
        %get3A_225 = tpu.vector_load %arg9[%get3A_223, %get3A_224] {strides = array<i32>} : memref<200x128xf32, #tpu.memory_space<vmem>>, vector<1x16xf32>,
        %get3A_226 = vector.shape_cast %get3A_225 : vector<1x16xf32> to vector<16xf32>
        %add3A_227 = arith.constant 0 : i32
        %add3A_228 = arith.addi %mul3A_197, %add3A_227 : i32
        %add3A_229 = arith.constant 48 : i32
        %add3A_230 = arith.addi %multiple_of3A_202, %add3A_229 : i32
        %get3A_231 = arith.index_cast %add3A_228 : i32 to index
        %get3A_232 = arith.index_cast %add3A_230 : i32 to index
        %get3A_233 = tpu.vector_load %arg9[%get3A_231, %get3A_232] {strides = array<i32>} : memref<200x128xf32, #tpu.memory_space<vmem>>, vector<1x16xf32>,
        %get3A_234 = vector.shape_cast %get3A_233 : vector<1x16xf32> to vector<16xf32>
        %add3A_235 = arith.addf %scan3A_188, %get3A_210 : vector<16xf32>
        %add3A_236 = arith.addf %scan3A_189, %get3A_218 : vector<16xf32>
        %add3A_237 = arith.addf %scan3A_190, %get3A_226 : vector<16xf32>
        %add3A_238 = arith.addf %scan3A_191, %get3A_234 : vector<16xf32>
        %slice3A_239 = vector.extract_strided_slice %get3A_201 {offsets = [1], sizes = [1], strides = [1]} : vector<16xi32> to vector<1xi32>
        %squeeze3A_240 = vector.extract %slice3A_239[0] : i32 from vector<1xi32>
        %multiple_of3A_241 = tpu.assume_multiple %squeeze3A_240, 8 : i32
        %add3A_242 = arith.constant 1 : i32
        %add3A_243 = arith.addi %mul3A_197, %add3A_242 : i32
        %add3A_244 = arith.constant 0 : i32
        %add3A_245 = arith.addi %multiple_of3A_241, %add3A_244 : i32
        %get3A_246 = arith.index_cast %add3A_243 : i32 to index
        %get3A_247 = arith.index_cast %add3A_245 : i32 to index
        %get3A_248 = tpu.vector_load %arg9[%get3A_246, %get3A_247] {strides = array<i32>} : memref<200x128xf32, #tpu.memory_space<vmem>>, vector<1x16xf32>,
        %get3A_249 = vector.shape_cast %get3A_248 : vector<1x16xf32> to vector<16xf32>
        %add3A_250 = arith.constant 1 : i32
        %add3A_251 = arith.addi %mul3A_197, %add3A_250 : i32
        %add3A_252 = arith.constant 16 : i32
        %add3A_253 = arith.addi %multiple_of3A_241, %add3A_252 : i32
        %get3A_254 = arith.index_cast %add3A_251 : i32 to index
        %get3A_255 = arith.index_cast %add3A_253 : i32 to index
        %get3A_256 = tpu.vector_load %arg9[%get3A_254, %get3A_255] {strides = array<i32>} : memref<200x128xf32, #tpu.memory_space<vmem>>, vector<1x16xf32>,
        %get3A_257 = vector.shape_cast %get3A_256 : vector<1x16xf32> to vector<16xf32>
        %add3A_258 = arith.constant 1 : i32
        %add3A_259 = arith.addi %mul3A_197, %add3A_258 : i32
        %add3A_260 = arith.constant 32 : i32
        %add3A_261 = arith.addi %multiple_of3A_241, %add3A_260 : i32
        %get3A_262 = arith.index_cast %add3A_259 : i32 to index
        %get3A_263 = arith.index_cast %add3A_261 : i32 to index
        %get3A_264 = tpu.vector_load %arg9[%get3A_262, %get3A_263] {strides = array<i32>} : memref<200x128xf32, #tpu.memory_space<vmem>>, vector<1x16xf32>,
        %get3A_265 = vector.shape_cast %get3A_264 : vector<1x16xf32> to vector<16xf32>
        %add3A_266 = arith.constant 1 : i32
        %add3A_267 = arith.addi %mul3A_197, %add3A_266 : i32
        %add3A_268 = arith.constant 48 : i32
        %add3A_269 = arith.addi %multiple_of3A_241, %add3A_268 : i32
        %get3A_270 = arith.index_cast %add3A_267 : i32 to index
        %get3A_271 = arith.index_cast %add3A_269 : i32 to index
        %get3A_272 = tpu.vector_load %arg9[%get3A_270, %get3A_271] {strides = array<i32>} : memref<200x128xf32, #tpu.memory_space<vmem>>, vector<1x16xf32>,
        %get3A_273 = vector.shape_cast %get3A_272 : vector<1x16xf32> to vector<16xf32>
        %add3A_274 = arith.addf %scan3A_192, %get3A_249 : vector<16xf32>
        %add3A_275 = arith.addf %scan3A_193, %get3A_257 : vector<16xf32>
        %add3A_276 = arith.addf %scan3A_194, %get3A_265 : vector<16xf32>
        %add3A_277 = arith.addf %scan3A_195, %get3A_273 : vector<16xf32>
        %slice3A_278 = vector.extract_strided_slice %get3A_201 {offsets = [2], sizes = [1], strides = [1]} : vector<16xi32> to vector<1xi32>
        %squeeze3A_279 = vector.extract %slice3A_278[0] : i32 from vector<1xi32>
        %multiple_of3A_280 = tpu.assume_multiple %squeeze3A_279, 8 : i32
        %add3A_281 = arith.constant 2 : i32
        %add3A_282 = arith.addi %mul3A_197, %add3A_281 : i32
        %add3A_283 = arith.constant 0 : i32
        %add3A_284 = arith.addi %multiple_of3A_280, %add3A_283 : i32
        %get3A_285 = arith.index_cast %add3A_282 : i32 to index
        %get3A_286 = arith.index_cast %add3A_284 : i32 to index
        %get3A_287 = tpu.vector_load %arg9[%get3A_285, %get3A_286] {strides = array<i32>} : memref<200x128xf32, #tpu.memory_space<vmem>>, vector<1x16xf32>,
        %get3A_288 = vector.shape_cast %get3A_287 : vector<1x16xf32> to vector<16xf32>
        %add3A_289 = arith.constant 2 : i32
        %add3A_290 = arith.addi %mul3A_197, %add3A_289 : i32
        %add3A_291 = arith.constant 16 : i32
        %add3A_292 = arith.addi %multiple_of3A_280, %add3A_291 : i32
        %get3A_293 = arith.index_cast %add3A_290 : i32 to index
        %get3A_294 = arith.index_cast %add3A_292 : i32 to index
        %get3A_295 = tpu.vector_load %arg9[%get3A_293, %get3A_294] {strides = array<i32>} : memref<200x128xf32, #tpu.memory_space<vmem>>, vector<1x16xf32>,
        %get3A_296 = vector.shape_cast %get3A_295 : vector<1x16xf32> to vector<16xf32>
        %add3A_297 = arith.constant 2 : i32
        %add3A_298 = arith.addi %mul3A_197, %add3A_297 : i32
        %add3A_299 = arith.constant 32 : i32
        %add3A_300 = arith.addi %multiple_of3A_280, %add3A_299 : i32
        %get3A_301 = arith.index_cast %add3A_298 : i32 to index
        %get3A_302 = arith.index_cast %add3A_300 : i32 to index
        %get3A_303 = tpu.vector_load %arg9[%get3A_301, %get3A_302] {strides = array<i32>} : memref<200x128xf32, #tpu.memory_space<vmem>>, vector<1x16xf32>,
        %get3A_304 = vector.shape_cast %get3A_303 : vector<1x16xf32> to vector<16xf32>
        %add3A_305 = arith.constant 2 : i32
        %add3A_306 = arith.addi %mul3A_197, %add3A_305 : i32
        %add3A_307 = arith.constant 48 : i32
        %add3A_308 = arith.addi %multiple_of3A_280, %add3A_307 : i32
        %get3A_309 = arith.index_cast %add3A_306 : i32 to index
        %get3A_310 = arith.index_cast %add3A_308 : i32 to index
        %get3A_311 = tpu.vector_load %arg9[%get3A_309, %get3A_310] {strides = array<i32>} : memref<200x128xf32, #tpu.memory_space<vmem>>, vector<1x16xf32>,
        %get3A_312 = vector.shape_cast %get3A_311 : vector<1x16xf32> to vector<16xf32>
        %add3A_313 = arith.addf %add3A_235, %get3A_288 : vector<16xf32>
        %add3A_314 = arith.addf %add3A_236, %get3A_296 : vector<16xf32>
        %add3A_315 = arith.addf %add3A_237, %get3A_304 : vector<16xf32>
        %add3A_316 = arith.addf %add3A_238, %get3A_312 : vector<16xf32>
        %slice3A_317 = vector.extract_strided_slice %get3A_201 {offsets = [3], sizes = [1], strides = [1]} : vector<16xi32> to vector<1xi32>
        %squeeze3A_318 = vector.extract %slice3A_317[0] : i32 from vector<1xi32>
        %multiple_of3A_319 = tpu.assume_multiple %squeeze3A_318, 8 : i32
        %add3A_320 = arith.constant 3 : i32
        %add3A_321 = arith.addi %mul3A_197, %add3A_320 : i32
        %add3A_322 = arith.constant 0 : i32
        %add3A_323 = arith.addi %multiple_of3A_319, %add3A_322 : i32
        %get3A_324 = arith.index_cast %add3A_321 : i32 to index
        %get3A_325 = arith.index_cast %add3A_323 : i32 to index
        %get3A_326 = tpu.vector_load %arg9[%get3A_324, %get3A_325] {strides = array<i32>} : memref<200x128xf32, #tpu.memory_space<vmem>>, vector<1x16xf32>,
        %get3A_327 = vector.shape_cast %get3A_326 : vector<1x16xf32> to vector<16xf32>
        %add3A_328 = arith.constant 3 : i32
        %add3A_329 = arith.addi %mul3A_197, %add3A_328 : i32
        %add3A_330 = arith.constant 16 : i32
        %add3A_331 = arith.addi %multiple_of3A_319, %add3A_330 : i32
        %get3A_332 = arith.index_cast %add3A_329 : i32 to index
        %get3A_333 = arith.index_cast %add3A_331 : i32 to index
        %get3A_334 = tpu.vector_load %arg9[%get3A_332, %get3A_333] {strides = array<i32>} : memref<200x128xf32, #tpu.memory_space<vmem>>, vector<1x16xf32>,
        %get3A_335 = vector.shape_cast %get3A_334 : vector<1x16xf32> to vector<16xf32>
        %add3A_336 = arith.constant 3 : i32
        %add3A_337 = arith.addi %mul3A_197, %add3A_336 : i32
        %add3A_338 = arith.constant 32 : i32
        %add3A_339 = arith.addi %multiple_of3A_319, %add3A_338 : i32
        %get3A_340 = arith.index_cast %add3A_337 : i32 to index
        %get3A_341 = arith.index_cast %add3A_339 : i32 to index
        %get3A_342 = tpu.vector_load %arg9[%get3A_340, %get3A_341] {strides = array<i32>} : memref<200x128xf32, #tpu.memory_space<vmem>>, vector<1x16xf32>,
        %get3A_343 = vector.shape_cast %get3A_342 : vector<1x16xf32> to vector<16xf32>
        %add3A_344 = arith.constant 3 : i32
        %add3A_345 = arith.addi %mul3A_197, %add3A_344 : i32
        %add3A_346 = arith.constant 48 : i32
        %add3A_347 = arith.addi %multiple_of3A_319, %add3A_346 : i32
        %get3A_348 = arith.index_cast %add3A_345 : i32 to index
        %get3A_349 = arith.index_cast %add3A_347 : i32 to index
        %get3A_350 = tpu.vector_load %arg9[%get3A_348, %get3A_349] {strides = array<i32>} : memref<200x128xf32, #tpu.memory_space<vmem>>, vector<1x16xf32>,
        %get3A_351 = vector.shape_cast %get3A_350 : vector<1x16xf32> to vector<16xf32>
        %add3A_352 = arith.addf %add3A_274, %get3A_327 : vector<16xf32>
        %add3A_353 = arith.addf %add3A_275, %get3A_335 : vector<16xf32>
        %add3A_354 = arith.addf %add3A_276, %get3A_343 : vector<16xf32>
        %add3A_355 = arith.addf %add3A_277, %get3A_351 : vector<16xf32>
        %slice3A_356 = vector.extract_strided_slice %get3A_201 {offsets = [4], sizes = [1], strides = [1]} : vector<16xi32> to vector<1xi32>
        %squeeze3A_357 = vector.extract %slice3A_356[0] : i32 from vector<1xi32>
        %multiple_of3A_358 = tpu.assume_multiple %squeeze3A_357, 8 : i32
        %add3A_359 = arith.constant 4 : i32
        %add3A_360 = arith.addi %mul3A_197, %add3A_359 : i32
        %add3A_361 = arith.constant 0 : i32
        %add3A_362 = arith.addi %multiple_of3A_358, %add3A_361 : i32
        %get3A_363 = arith.index_cast %add3A_360 : i32 to index
        %get3A_364 = arith.index_cast %add3A_362 : i32 to index
        %get3A_365 = tpu.vector_load %arg9[%get3A_363, %get3A_364] {strides = array<i32>} : memref<200x128xf32, #tpu.memory_space<vmem>>, vector<1x16xf32>,
        %get3A_366 = vector.shape_cast %get3A_365 : vector<1x16xf32> to vector<16xf32>
        %add3A_367 = arith.constant 4 : i32
        %add3A_368 = arith.addi %mul3A_197, %add3A_367 : i32
        %add3A_369 = arith.constant 16 : i32
        %add3A_370 = arith.addi %multiple_of3A_358, %add3A_369 : i32
        %get3A_371 = arith.index_cast %add3A_368 : i32 to index
        %get3A_372 = arith.index_cast %add3A_370 : i32 to index
        %get3A_373 = tpu.vector_load %arg9[%get3A_371, %get3A_372] {strides = array<i32>} : memref<200x128xf32, #tpu.memory_space<vmem>>, vector<1x16xf32>,
        %get3A_374 = vector.shape_cast %get3A_373 : vector<1x16xf32> to vector<16xf32>
        %add3A_375 = arith.constant 4 : i32
        %add3A_376 = arith.addi %mul3A_197, %add3A_375 : i32
        %add3A_377 = arith.constant 32 : i32
        %add3A_378 = arith.addi %multiple_of3A_358, %add3A_377 : i32
        %get3A_379 = arith.index_cast %add3A_376 : i32 to index
        %get3A_380 = arith.index_cast %add3A_378 : i32 to index
        %get3A_381 = tpu.vector_load %arg9[%get3A_379, %get3A_380] {strides = array<i32>} : memref<200x128xf32, #tpu.memory_space<vmem>>, vector<1x16xf32>,
        %get3A_382 = vector.shape_cast %get3A_381 : vector<1x16xf32> to vector<16xf32>
        %add3A_383 = arith.constant 4 : i32
        %add3A_384 = arith.addi %mul3A_197, %add3A_383 : i32
        %add3A_385 = arith.constant 48 : i32
        %add3A_386 = arith.addi %multiple_of3A_358, %add3A_385 : i32
        %get3A_387 = arith.index_cast %add3A_384 : i32 to index
        %get3A_388 = arith.index_cast %add3A_386 : i32 to index
        %get3A_389 = tpu.vector_load %arg9[%get3A_387, %get3A_388] {strides = array<i32>} : memref<200x128xf32, #tpu.memory_space<vmem>>, vector<1x16xf32>,
        %get3A_390 = vector.shape_cast %get3A_389 : vector<1x16xf32> to vector<16xf32>
        %add3A_391 = arith.addf %add3A_313, %get3A_366 : vector<16xf32>
        %add3A_392 = arith.addf %add3A_314, %get3A_374 : vector<16xf32>
        %add3A_393 = arith.addf %add3A_315, %get3A_382 : vector<16xf32>
        %add3A_394 = arith.addf %add3A_316, %get3A_390 : vector<16xf32>
        %slice3A_395 = vector.extract_strided_slice %get3A_201 {offsets = [5], sizes = [1], strides = [1]} : vector<16xi32> to vector<1xi32>
        %squeeze3A_396 = vector.extract %slice3A_395[0] : i32 from vector<1xi32>
        %multiple_of3A_397 = tpu.assume_multiple %squeeze3A_396, 8 : i32
        %add3A_398 = arith.constant 5 : i32
        %add3A_399 = arith.addi %mul3A_197, %add3A_398 : i32
        %add3A_400 = arith.constant 0 : i32
        %add3A_401 = arith.addi %multiple_of3A_397, %add3A_400 : i32
        %get3A_402 = arith.index_cast %add3A_399 : i32 to index
        %get3A_403 = arith.index_cast %add3A_401 : i32 to index
        %get3A_404 = tpu.vector_load %arg9[%get3A_402, %get3A_403] {strides = array<i32>} : memref<200x128xf32, #tpu.memory_space<vmem>>, vector<1x16xf32>,
        %get3A_405 = vector.shape_cast %get3A_404 : vector<1x16xf32> to vector<16xf32>
        %add3A_406 = arith.constant 5 : i32
        %add3A_407 = arith.addi %mul3A_197, %add3A_406 : i32
        %add3A_408 = arith.constant 16 : i32
        %add3A_409 = arith.addi %multiple_of3A_397, %add3A_408 : i32
        %get3A_410 = arith.index_cast %add3A_407 : i32 to index
        %get3A_411 = arith.index_cast %add3A_409 : i32 to index
        %get3A_412 = tpu.vector_load %arg9[%get3A_410, %get3A_411] {strides = array<i32>} : memref<200x128xf32, #tpu.memory_space<vmem>>, vector<1x16xf32>,
        %get3A_413 = vector.shape_cast %get3A_412 : vector<1x16xf32> to vector<16xf32>
        %add3A_414 = arith.constant 5 : i32
        %add3A_415 = arith.addi %mul3A_197, %add3A_414 : i32
        %add3A_416 = arith.constant 32 : i32
        %add3A_417 = arith.addi %multiple_of3A_397, %add3A_416 : i32
        %get3A_418 = arith.index_cast %add3A_415 : i32 to index
        %get3A_419 = arith.index_cast %add3A_417 : i32 to index
        %get3A_420 = tpu.vector_load %arg9[%get3A_418, %get3A_419] {strides = array<i32>} : memref<200x128xf32, #tpu.memory_space<vmem>>, vector<1x16xf32>,
        %get3A_421 = vector.shape_cast %get3A_420 : vector<1x16xf32> to vector<16xf32>
        %add3A_422 = arith.constant 5 : i32
        %add3A_423 = arith.addi %mul3A_197, %add3A_422 : i32
        %add3A_424 = arith.constant 48 : i32
        %add3A_425 = arith.addi %multiple_of3A_397, %add3A_424 : i32
        %get3A_426 = arith.index_cast %add3A_423 : i32 to index
        %get3A_427 = arith.index_cast %add3A_425 : i32 to index
        %get3A_428 = tpu.vector_load %arg9[%get3A_426, %get3A_427] {strides = array<i32>} : memref<200x128xf32, #tpu.memory_space<vmem>>, vector<1x16xf32>,
        %get3A_429 = vector.shape_cast %get3A_428 : vector<1x16xf32> to vector<16xf32>
        %add3A_430 = arith.addf %add3A_352, %get3A_405 : vector<16xf32>
        %add3A_431 = arith.addf %add3A_353, %get3A_413 : vector<16xf32>
        %add3A_432 = arith.addf %add3A_354, %get3A_421 : vector<16xf32>
        %add3A_433 = arith.addf %add3A_355, %get3A_429 : vector<16xf32>
        %slice3A_434 = vector.extract_strided_slice %get3A_201 {offsets = [6], sizes = [1], strides = [1]} : vector<16xi32> to vector<1xi32>
        %squeeze3A_435 = vector.extract %slice3A_434[0] : i32 from vector<1xi32>
        %multiple_of3A_436 = tpu.assume_multiple %squeeze3A_435, 8 : i32
        %add3A_437 = arith.constant 6 : i32
        %add3A_438 = arith.addi %mul3A_197, %add3A_437 : i32
        %add3A_439 = arith.constant 0 : i32
        %add3A_440 = arith.addi %multiple_of3A_436, %add3A_439 : i32
        %get3A_441 = arith.index_cast %add3A_438 : i32 to index
        %get3A_442 = arith.index_cast %add3A_440 : i32 to index
        %get3A_443 = tpu.vector_load %arg9[%get3A_441, %get3A_442] {strides = array<i32>} : memref<200x128xf32, #tpu.memory_space<vmem>>, vector<1x16xf32>,
        %get3A_444 = vector.shape_cast %get3A_443 : vector<1x16xf32> to vector<16xf32>
        %add3A_445 = arith.constant 6 : i32
        %add3A_446 = arith.addi %mul3A_197, %add3A_445 : i32
        %add3A_447 = arith.constant 16 : i32
        %add3A_448 = arith.addi %multiple_of3A_436, %add3A_447 : i32
        %get3A_449 = arith.index_cast %add3A_446 : i32 to index
        %get3A_450 = arith.index_cast %add3A_448 : i32 to index
        %get3A_451 = tpu.vector_load %arg9[%get3A_449, %get3A_450] {strides = array<i32>} : memref<200x128xf32, #tpu.memory_space<vmem>>, vector<1x16xf32>,
        %get3A_452 = vector.shape_cast %get3A_451 : vector<1x16xf32> to vector<16xf32>
        %add3A_453 = arith.constant 6 : i32
        %add3A_454 = arith.addi %mul3A_197, %add3A_453 : i32
        %add3A_455 = arith.constant 32 : i32
        %add3A_456 = arith.addi %multiple_of3A_436, %add3A_455 : i32
        %get3A_457 = arith.index_cast %add3A_454 : i32 to index
        %get3A_458 = arith.index_cast %add3A_456 : i32 to index
        %get3A_459 = tpu.vector_load %arg9[%get3A_457, %get3A_458] {strides = array<i32>} : memref<200x128xf32, #tpu.memory_space<vmem>>, vector<1x16xf32>,
        %get3A_460 = vector.shape_cast %get3A_459 : vector<1x16xf32> to vector<16xf32>
        %add3A_461 = arith.constant 6 : i32
        %add3A_462 = arith.addi %mul3A_197, %add3A_461 : i32
        %add3A_463 = arith.constant 48 : i32
        %add3A_464 = arith.addi %multiple_of3A_436, %add3A_463 : i32
        %get3A_465 = arith.index_cast %add3A_462 : i32 to index
        %get3A_466 = arith.index_cast %add3A_464 : i32 to index
        %get3A_467 = tpu.vector_load %arg9[%get3A_465, %get3A_466] {strides = array<i32>} : memref<200x128xf32, #tpu.memory_space<vmem>>, vector<1x16xf32>,
        %get3A_468 = vector.shape_cast %get3A_467 : vector<1x16xf32> to vector<16xf32>
        %add3A_469 = arith.addf %add3A_391, %get3A_444 : vector<16xf32>
        %add3A_470 = arith.addf %add3A_392, %get3A_452 : vector<16xf32>
        %add3A_471 = arith.addf %add3A_393, %get3A_460 : vector<16xf32>
        %add3A_472 = arith.addf %add3A_394, %get3A_468 : vector<16xf32>
        %slice3A_473 = vector.extract_strided_slice %get3A_201 {offsets = [7], sizes = [1], strides = [1]} : vector<16xi32> to vector<1xi32>
        %squeeze3A_474 = vector.extract %slice3A_473[0] : i32 from vector<1xi32>
        %multiple_of3A_475 = tpu.assume_multiple %squeeze3A_474, 8 : i32
        %add3A_476 = arith.constant 7 : i32
        %add3A_477 = arith.addi %mul3A_197, %add3A_476 : i32
        %add3A_478 = arith.constant 0 : i32
        %add3A_479 = arith.addi %multiple_of3A_475, %add3A_478 : i32
        %get3A_480 = arith.index_cast %add3A_477 : i32 to index
        %get3A_481 = arith.index_cast %add3A_479 : i32 to index
        %get3A_482 = tpu.vector_load %arg9[%get3A_480, %get3A_481] {strides = array<i32>} : memref<200x128xf32, #tpu.memory_space<vmem>>, vector<1x16xf32>,
        %get3A_483 = vector.shape_cast %get3A_482 : vector<1x16xf32> to vector<16xf32>
        %add3A_484 = arith.constant 7 : i32
        %add3A_485 = arith.addi %mul3A_197, %add3A_484 : i32
        %add3A_486 = arith.constant 16 : i32
        %add3A_487 = arith.addi %multiple_of3A_475, %add3A_486 : i32
        %get3A_488 = arith.index_cast %add3A_485 : i32 to index
        %get3A_489 = arith.index_cast %add3A_487 : i32 to index
        %get3A_490 = tpu.vector_load %arg9[%get3A_488, %get3A_489] {strides = array<i32>} : memref<200x128xf32, #tpu.memory_space<vmem>>, vector<1x16xf32>,
        %get3A_491 = vector.shape_cast %get3A_490 : vector<1x16xf32> to vector<16xf32>
        %add3A_492 = arith.constant 7 : i32
        %add3A_493 = arith.addi %mul3A_197, %add3A_492 : i32
        %add3A_494 = arith.constant 32 : i32
        %add3A_495 = arith.addi %multiple_of3A_475, %add3A_494 : i32
        %get3A_496 = arith.index_cast %add3A_493 : i32 to index
        %get3A_497 = arith.index_cast %add3A_495 : i32 to index
        %get3A_498 = tpu.vector_load %arg9[%get3A_496, %get3A_497] {strides = array<i32>} : memref<200x128xf32, #tpu.memory_space<vmem>>, vector<1x16xf32>,
        %get3A_499 = vector.shape_cast %get3A_498 : vector<1x16xf32> to vector<16xf32>
        %add3A_500 = arith.constant 7 : i32
        %add3A_501 = arith.addi %mul3A_197, %add3A_500 : i32
        %add3A_502 = arith.constant 48 : i32
        %add3A_503 = arith.addi %multiple_of3A_475, %add3A_502 : i32
        %get3A_504 = arith.index_cast %add3A_501 : i32 to index
        %get3A_505 = arith.index_cast %add3A_503 : i32 to index
        %get3A_506 = tpu.vector_load %arg9[%get3A_504, %get3A_505] {strides = array<i32>} : memref<200x128xf32, #tpu.memory_space<vmem>>, vector<1x16xf32>,
        %get3A_507 = vector.shape_cast %get3A_506 : vector<1x16xf32> to vector<16xf32>
        %add3A_508 = arith.addf %add3A_430, %get3A_483 : vector<16xf32>
        %add3A_509 = arith.addf %add3A_431, %get3A_491 : vector<16xf32>
        %add3A_510 = arith.addf %add3A_432, %get3A_499 : vector<16xf32>
        %add3A_511 = arith.addf %add3A_433, %get3A_507 : vector<16xf32>
        scf.yield %add3A_469, %add3A_470, %add3A_471, %add3A_472, %add3A_508, %add3A_509, %add3A_510, %add3A_511 : vector<16xf32>, vector<16xf32>, vector<16xf32>, vector<16xf32>, vector<16xf32>, vector<16xf32>, vector<16xf32>, vector<16xf32>
      }
      %scan3A_150 = arith.constant 25 : i32
      %add3A_151 = arith.addf %scan3A_149#0, %scan3A_149#4 : vector<16xf32>
      %mul3A_152 = arith.constant 5.000000e-03 : f32
      %mul3A_153 = vector.broadcast %mul3A_152 : f32 to vector<16xf32>
      %mul3A_154 = arith.mulf %add3A_151, %mul3A_153 : vector<16xf32>
      %swap3A_155 = arith.index_cast %add3A_108 : i32 to index
      %swap3A_156 = arith.constant 0 : index
      %swap3A_157 = tpu.vector_load %arg10[%swap3A_155, %swap3A_156] {strides = array<i32>} : memref<128x64xf32, #tpu.memory_space<vmem>>, vector<1x16xf32>,
      %swap3A_158 = vector.shape_cast %swap3A_157 : vector<1x16xf32> to vector<16xf32>
      %swap3A_159 = vector.shape_cast %mul3A_154 : vector<16xf32> to vector<1x16xf32>
      tpu.vector_store %arg10[%swap3A_155, %swap3A_156], %swap3A_159 {strides = array<i32>} : memref<128x64xf32, #tpu.memory_space<vmem>>, vector<1x16xf32>,
      %add3A_160 = arith.addf %scan3A_149#1, %scan3A_149#5 : vector<16xf32>
      %mul3A_161 = arith.constant 5.000000e-03 : f32
      %mul3A_162 = vector.broadcast %mul3A_161 : f32 to vector<16xf32>
      %mul3A_163 = arith.mulf %add3A_160, %mul3A_162 : vector<16xf32>
      %swap3A_164 = arith.index_cast %add3A_108 : i32 to index
      %swap3A_165 = arith.constant 16 : index
      %swap3A_166 = tpu.vector_load %arg10[%swap3A_164, %swap3A_165] {strides = array<i32>} : memref<128x64xf32, #tpu.memory_space<vmem>>, vector<1x16xf32>,
      %swap3A_167 = vector.shape_cast %swap3A_166 : vector<1x16xf32> to vector<16xf32>
      %swap3A_168 = vector.shape_cast %mul3A_163 : vector<16xf32> to vector<1x16xf32>
      tpu.vector_store %arg10[%swap3A_164, %swap3A_165], %swap3A_168 {strides = array<i32>} : memref<128x64xf32, #tpu.memory_space<vmem>>, vector<1x16xf32>,
      %add3A_169 = arith.addf %scan3A_149#2, %scan3A_149#6 : vector<16xf32>
      %mul3A_170 = arith.constant 5.000000e-03 : f32
      %mul3A_171 = vector.broadcast %mul3A_170 : f32 to vector<16xf32>
      %mul3A_172 = arith.mulf %add3A_169, %mul3A_171 : vector<16xf32>
      %swap3A_173 = arith.index_cast %add3A_108 : i32 to index
      %swap3A_174 = arith.constant 32 : index
      %swap3A_175 = tpu.vector_load %arg10[%swap3A_173, %swap3A_174] {strides = array<i32>} : memref<128x64xf32, #tpu.memory_space<vmem>>, vector<1x16xf32>,
      %swap3A_176 = vector.shape_cast %swap3A_175 : vector<1x16xf32> to vector<16xf32>
      %swap3A_177 = vector.shape_cast %mul3A_172 : vector<16xf32> to vector<1x16xf32>
      tpu.vector_store %arg10[%swap3A_173, %swap3A_174], %swap3A_177 {strides = array<i32>} : memref<128x64xf32, #tpu.memory_space<vmem>>, vector<1x16xf32>,
      %add3A_178 = arith.addf %scan3A_149#3, %scan3A_149#7 : vector<16xf32>
      %mul3A_179 = arith.constant 5.000000e-03 : f32
      %mul3A_180 = vector.broadcast %mul3A_179 : f32 to vector<16xf32>
      %mul3A_181 = arith.mulf %add3A_178, %mul3A_180 : vector<16xf32>
      %swap3A_182 = arith.index_cast %add3A_108 : i32 to index
      %swap3A_183 = arith.constant 48 : index
      %swap3A_184 = tpu.vector_load %arg10[%swap3A_182, %swap3A_183] {strides = array<i32>} : memref<128x64xf32, #tpu.memory_space<vmem>>, vector<1x16xf32>,
      %swap3A_185 = vector.shape_cast %swap3A_184 : vector<1x16xf32> to vector<16xf32>
      %swap3A_186 = vector.shape_cast %mul3A_181 : vector<16xf32> to vector<1x16xf32>
      tpu.vector_store %arg10[%swap3A_182, %swap3A_183], %swap3A_186 {strides = array<i32>} : memref<128x64xf32, #tpu.memory_space<vmem>>, vector<1x16xf32>,
    }
    %scan3A_27 = arith.constant 64 : i32
    "tpu.region"() ({
      %run_scoped3A = tpu.sem_alloc : memref<!tpu.dma_semaphore, #tpu.memory_space<semaphore_mem>>
      %dma_start3A_28 = arith.constant 0 : i32
      %dma_start3A_29 = tpu.memref_slice %arg5[%mul3A_2, %dma_start3A_28] : memref<4096x64xf32, #tpu.memory_space<hbm>> -> memref<128x64xf32, #tpu.memory_space<hbm>>
      %dma_start3A_30 = arith.constant 0 : i32
      %dma_start3A_31 = tpu.memref_slice %arg5[%mul3A_2, %dma_start3A_30] : memref<4096x64xf32, #tpu.memory_space<hbm>> -> memref<128x64xf32, #tpu.memory_space<hbm>>
      tpu.enqueue_dma source(%arg10 : memref<128x64xf32, #tpu.memory_space<vmem>>) target(%dma_start3A_31 : memref<128x64xf32, #tpu.memory_space<hbm>>) target_semaphore(%run_scoped3A : memref<!tpu.dma_semaphore, #tpu.memory_space<semaphore_mem>>)
      %dma_wait3A = arith.constant 0 : i32
      %dma_wait3A_32 = tpu.memref_slice %arg5[%mul3A_2, %dma_wait3A] : memref<4096x64xf32, #tpu.memory_space<hbm>> -> memref<128x64xf32, #tpu.memory_space<hbm>>
      %dma_wait3A_33 = arith.constant 0 : i32
      %dma_wait3A_34 = tpu.memref_slice %arg5[%mul3A_2, %dma_wait3A_33] : memref<4096x64xf32, #tpu.memory_space<hbm>> -> memref<128x64xf32, #tpu.memory_space<hbm>>
      tpu.wait_dma2 semaphore(%run_scoped3A : memref<!tpu.dma_semaphore, #tpu.memory_space<semaphore_mem>>) src(%arg10 : memref<128x64xf32, #tpu.memory_space<vmem>>) dst(%dma_wait3A_34 : memref<128x64xf32, #tpu.memory_space<hbm>>)
      tpu.yield
    }) : () -> ()
    return
  }
}

module attributes {stable_mosaic.version = 14 : i64} {
  func.func @_mlp_body(%arg0: memref<4096x64xf32, #tpu.memory_space<vmem>>, %arg1: memref<64x16xf32, #tpu.memory_space<vmem>>, %arg2: memref<1x16xf32, #tpu.memory_space<vmem>>, %arg3: memref<16x1xf32, #tpu.memory_space<vmem>>, %arg4: memref<1x1xf32, #tpu.memory_space<vmem>>, %arg5: memref<4096x1xf32, #tpu.memory_space<vmem>>) attributes {dimension_semantics = [], scalar_prefetch = 0 : i64, scratch_operands = 0 : i64, tpu.core_type = #tpu.core_type<tc>} {
    %get3A = arith.constant 0 : index
    %get3A_0 = arith.constant 0 : index
    %get3A_1 = vector.load %arg0[%get3A, %get3A_0] : memref<4096x64xf32, #tpu.memory_space<vmem>>, vector<4096x64xf32>
    %get3A_2 = arith.constant 0 : index
    %get3A_3 = arith.constant 0 : index
    %get3A_4 = vector.load %arg1[%get3A_2, %get3A_3] : memref<64x16xf32, #tpu.memory_space<vmem>>, vector<64x16xf32>
    %dot_general3A = arith.constant dense<0.000000e+00> : vector<4096x16xf32>
    %dot_general3A_5 = tpu.matmul %get3A_1, %get3A_4, %dot_general3A {dimension_numbers = #tpu.dot_dimension_numbers<[1], [0], [0], [1], [0, 0, 1, 1], [], []>, transpose_lhs_hint = false} : vector<4096x64xf32>, vector<64x16xf32>, vector<4096x16xf32> -> vector<4096x16xf32>
    %get3A_6 = arith.constant 0 : index
    %get3A_7 = arith.constant 0 : index
    %get3A_8 = vector.load %arg2[%get3A_6, %get3A_7] : memref<1x16xf32, #tpu.memory_space<vmem>>, vector<1x16xf32>
    %add3A = vector.broadcast %get3A_8 : vector<1x16xf32> to vector<4096x16xf32>
    %add3A_9 = arith.addf %dot_general3A_5, %add3A : vector<4096x16xf32>
    %max3A = arith.constant 0.000000e+00 : f32
    %max3A_10 = vector.broadcast %max3A : f32 to vector<4096x16xf32>
    %max3A_11 = arith.maximumf %add3A_9, %max3A_10 : vector<4096x16xf32>
    %get3A_12 = arith.constant 0 : index
    %get3A_13 = arith.constant 0 : index
    %get3A_14 = vector.load %arg3[%get3A_12, %get3A_13] : memref<16x1xf32, #tpu.memory_space<vmem>>, vector<16x1xf32>
    %dot_general3A_15 = arith.constant dense<0.000000e+00> : vector<4096x1xf32>
    %dot_general3A_16 = tpu.matmul %max3A_11, %get3A_14, %dot_general3A_15 {dimension_numbers = #tpu.dot_dimension_numbers<[1], [0], [0], [1], [0, 0, 1, 1], [], []>, transpose_lhs_hint = false} : vector<4096x16xf32>, vector<16x1xf32>, vector<4096x1xf32> -> vector<4096x1xf32>
    %get3A_17 = arith.constant 0 : index
    %get3A_18 = arith.constant 0 : index
    %get3A_19 = vector.load %arg4[%get3A_17, %get3A_18] : memref<1x1xf32, #tpu.memory_space<vmem>>, vector<1x1xf32>
    %add3A_20 = vector.broadcast %get3A_19 : vector<1x1xf32> to vector<4096x1xf32>
    %add3A_21 = arith.addf %dot_general3A_16, %add3A_20 : vector<4096x1xf32>
    %neg3A = arith.constant 0.000000e+00 : f32
    %neg3A_22 = vector.broadcast %neg3A : f32 to vector<4096x1xf32>
    %neg3A_23 = arith.subf %neg3A_22, %add3A_21 : vector<4096x1xf32>
    %exp3A = math.exp %neg3A_23 : vector<4096x1xf32>
    %add3A_24 = arith.constant 1.000000e+00 : f32
    %add3A_25 = vector.broadcast %add3A_24 : f32 to vector<4096x1xf32>
    %add3A_26 = arith.addf %add3A_25, %exp3A : vector<4096x1xf32>
    %div3A = arith.constant 1.000000e+00 : f32
    %div3A_27 = vector.broadcast %div3A : f32 to vector<4096x1xf32>
    %div3A_28 = arith.divf %div3A_27, %add3A_26 : vector<4096x1xf32>
    %swap3A = arith.constant 0 : index
    %swap3A_29 = arith.constant 0 : index
    %swap3A_30 = vector.load %arg5[%swap3A, %swap3A_29] : memref<4096x1xf32, #tpu.memory_space<vmem>>, vector<4096x1xf32>
    tpu.vector_store %arg5[%swap3A, %swap3A_29], %div3A_28 {strides = array<i32>} : memref<4096x1xf32, #tpu.memory_space<vmem>>, vector<4096x1xf32>,
    return
  }
}

</mosaic_0001>

<sc_bundles>
// kernel: kernel.5.cloned.1.call-start
scs
__scs_entry_jumppad:
0x0: {  	(pc) =	sbr.rel $0x88, $3  }
0x1: {  	(tag) =	ssettag $0x0;
	lr =	simm.s32 $0x1  }
0x2: {  	[smem:$0x3F9B] =	sst lr;
	_ =	strace $0xD0000000  }
0x3: {  	_ = 	snop  }
0x4: {  	_ = 	snop  }
0x5: {  	_ = 	snop  }
0x6: {  	_ = 	snop  }
0x7: {  	_ = 	snop  }
__scs_overlays_trampoline_lowered:
0x8: {  	[smem:$0x3FAA] =	sst s0  }
0x9: {  	[smem:$0x3FAB] =	sst s1  }
0xa: {  	[smem:$0x3FAC] =	sst s2  }
0xb: {  	[smem:$0x3FAD] =	sst s3  }
0xc: {  	[smem:$0x3FAE] =	sst s4  }
0xd: {  	[smem:$0x3FAF] =	sst s5  }
0xe: {  	[smem:$0x3FB0] =	sst s6  }
0xf: {  	[smem:$0x3FB1] =	sst s7  }
0x10: {  	[smem:$0x3FB2] =	sst s8  }
0x11: {  	[smem:$0x3FB3] =	sst s9;
	s0 =	simm.s32 @!p0 $0x0  }
0x12: {  	s1 =	sld [smem:$0x3F99];
	s0 =	simm.s32 @p0 $0x1  }
0x13: {  	[smem:$0x3FB4] =	sst s0;
	s0 =	simm.s32 @!p1 $0x0  }
0x14: {  	s2 =	sld [smem:$0x3F98];
	s0 =	simm.s32 @p1 $0x1  }
0x15: {  	[smem:$0x3FB5] =	sst s0;
	s0 =	simm.s32 @!p2 $0x0  }
0x16: {  	s3 =	sld [smem:$0x3FDB];
	s0 =	simm.s32 @p2 $0x1  }
0x17: {  	s4 =	simm.s32 $0x1BF5;
	[smem:$0x3FB7] =	sst s0  }
0x18: {  	s0 =	sld [smem:$0x3F9A];
	_ =	swait.ge [sflag:s4], $0x0  }
0x19: {  	s7 =	sld [smem:$0x3F9B]  }
0x1a: {  	s8 =	sadd.s32 $0xFFFFE003, lr  }
0x1b: {  	s9 =	sadd.s32 $0xFFFFFEF7, lr;
	s5 =	simm.s32 $0xFFFFFFFF;
	p2 =	slt.u32 s8, $0xFFFFF086  }
0x1c: {  	p1 =	slt.u32 s9, $0xF7A;
	s5 =	simm.s32 @!p2 $0x0  }
0x1d: {  	s5 =	simm.s32 @p1 $0x1;
	p0 =	seq.s32 s7, s2  }
0x1e: {  	s7 =	smul.u32 @!p0 $0xF7A, s2;
	p2 =	seq.s32 @!p0 s5, $0x0  }
0x1f: {  	s9 =	smul.u32 $0xF7A, s1;
	s8 =	simm.s32 @!p0 $0x1BF5;
	p2 =	por !p2, p0  }
0x20: {  	[sflag:s8] =	ssyncset.s32 @!p0 $0xFFFFF086;
	s6 =	sadd.s32 @!p0 s3, s7;
	s7 =	simm.s32 @!p0 $0x108  }
0x21: {  	s3 =	sadd.s32 s3, s9;
	s6 =	sadd.s32 @!p0 $0x88, s6;
	s7 =	simm.s32 @p2 $0x1082  }
0x22: {  	[simem:s7], [sflag:s8] =	dma.local @!p0 [hbm:s6], $0xF7A  }
0x23: {  	s9 =	sor.u32 $0xD0000000, s2;
	s6 =	simm.s32 $0x108;
	_ =	swait.ge @!p0 [sflag:s8], $0x0  }
0x24: {  	s3 =	sadd.s32 $0x88, s3;
	s6 =	simm.s32 @!p1 $0x1082;
	[sflag:s4] =	ssyncset.s32 $0xFFFFF086  }
0x25: {  	[simem:s6], [sflag:s4] =	dma.local [hbm:s3], $0xF7A  }
0x26: {  	[smem:$0x3F9B] =	sst s1;
	(tag) =	ssettag s2;
	_ =	strace s9  }
0x27: {  	s1 =	sld [smem:$0x3FAB]  }
0x28: {  	s2 =	sld [smem:$0x3FAC]  }
0x29: {  	s4 =	sld [smem:$0x3FAE]  }
0x2a: {  	p0 =	seq.s32 s5, $0x0;
	s5 =	sld [smem:$0x3FAF]  }
0x2b: {  	s6 =	sld [smem:$0x3FB0]  }
0x2c: {  	s7 =	sld [smem:$0x3FB1]  }
0x2d: {  	s3 =	simm.s32 $0x108;
	s8 =	sld [smem:$0x3FB2]  }
0x2e: {  	s3 =	simm.s32 @!p0 $0x1082;
	s9 =	sld [smem:$0x3FB3]  }
0x2f: {  	lr =	sadd.s32 s0, s3;
	s0 =	sld [smem:$0x3FAA]  }
0x30: {  	s3 =	sld [smem:$0x3FAD]  }
0x31: {  	[smem:$0x3FB6] =	sst s10  }
0x32: {  	s10 =	sld [smem:$0x3FB4];
	_ =	sdelay $0x3  }
0x33: {  	p0 =	seq.s32 s10, $0x1;
	s10 =	sld [smem:$0x3FB6];
	_ =	sdelay $0x3  }
0x34: {  	[smem:$0x3FB6] =	sst s10  }
0x35: {  	s10 =	sld [smem:$0x3FB5];
	_ =	sdelay $0x3  }
0x36: {  	p1 =	seq.s32 s10, $0x1;
	s10 =	sld [smem:$0x3FB6];
	_ =	sdelay $0x3  }
0x37: {  	[smem:$0x3FB6] =	sst s10  }
0x38: {  	s10 =	sld [smem:$0x3FB7]  }
0x39: {  	_ = 	snop;
	(pc) =	sbr.ind lr, $3  }
0x3a: {  	_ = 	snop  }
0x3b: {  	_ = 	snop  }
0x3c: {  	p2 =	seq.s32 s10, $0x1;
	s10 =	sld [smem:$0x3FB6]  }
0x3d: {  	_ =	shalt  }
0x3e: {  	_ =	shalt  }
0x3f: {  	_ =	shalt  }
0x40: {  	_ =	shalt  }
0x41: {  	_ =	shalt  }
0x42: {  	_ =	shalt  }
0x43: {  	_ =	shalt  }
0x44: {  	_ =	shalt  }
0x45: {  	_ =	shalt  }
0x46: {  	_ =	shalt  }
0x47: {  	_ =	shalt  }
0x48: {  	_ =	shalt  }
0x49: {  	_ =	shalt  }
0x4a: {  	_ =	shalt  }
0x4b: {  	_ =	shalt  }
0x4c: {  	_ =	shalt  }
0x4d: {  	_ =	shalt  }
0x4e: {  	_ =	shalt  }
0x4f: {  	_ =	shalt  }
0x50: {  	_ =	shalt  }
0x51: {  	_ =	shalt  }
0x52: {  	_ =	shalt  }
0x53: {  	_ =	shalt  }
0x54: {  	_ =	shalt  }
0x55: {  	_ =	shalt  }
0x56: {  	_ =	shalt  }
0x57: {  	_ =	shalt  }
0x58: {  	_ =	shalt  }
0x59: {  	_ =	shalt  }
0x5a: {  	_ =	shalt  }
0x5b: {  	_ =	shalt  }
0x5c: {  	_ =	shalt  }
0x5d: {  	_ =	shalt  }
0x5e: {  	_ =	shalt  }
0x5f: {  	_ =	shalt  }
0x60: {  	_ =	shalt  }
0x61: {  	_ =	shalt  }
0x62: {  	_ =	shalt  }
0x63: {  	_ =	shalt  }
0x64: {  	_ =	shalt  }
0x65: {  	_ =	shalt  }
0x66: {  	_ =	shalt  }
0x67: {  	_ =	shalt  }
0x68: {  	_ =	shalt  }
0x69: {  	_ =	shalt  }
0x6a: {  	_ =	shalt  }
0x6b: {  	_ =	shalt  }
0x6c: {  	_ =	shalt  }
0x6d: {  	_ =	shalt  }
0x6e: {  	_ =	shalt  }
0x6f: {  	_ =	shalt  }
0x70: {  	_ =	shalt  }
0x71: {  	_ =	shalt  }
0x72: {  	_ =	shalt  }
0x73: {  	_ =	shalt  }
0x74: {  	_ =	shalt  }
0x75: {  	_ =	shalt  }
0x76: {  	_ =	shalt  }
0x77: {  	_ =	shalt  }
0x78: {  	_ =	shalt  }
0x79: {  	_ =	shalt  }
0x7a: {  	_ =	shalt  }
0x7b: {  	_ =	shalt  }
0x7c: {  	_ =	shalt  }
0x7d: {  	_ =	shalt  }
0x7e: {  	_ =	shalt  }
0x7f: {  	_ =	shalt  }
0x80: {  	_ =	shalt  }
0x81: {  	_ =	shalt  }
0x82: {  	_ =	shalt  }
0x83: {  	_ =	shalt  }
0x84: {  	_ =	shalt  }
0x85: {  	_ =	shalt  }
0x86: {  	_ =	shalt  }
0x87: {  	_ =	shalt  }
.Lfunc_end0:
.L_simem_size_0:
called_computation_lowered:
.L_overlay_start_0:
0x88: {  	s2 =	sld [smem:$0x3FD9]  }
0x89: {  	s3 =	sld [smem:$0x3FFE];
	_ =	sdelay $0x1  }
0x8a: {  	s1 =	srdreg.scid  }
0x8b: {  	s0 =	sand.u32 $0x1, s1  }
0x8c: {  	s17 =	sshll.u32 s0, $0xA;
	s2 =	sadd.s32 s3, s2  }
0x8d: {  	s2 =	sadd.s32 s2, s17  }
0x8e: {  	[smem:$0x3FC2] =	sst s2  }
0x8f: {  	_ = 	snop  }
0x90: {  	s2 =	sld [smem:$0x3FC8];
	(tm) =	ssettm $0x1  }
0x91: {  	s18 =	sld [smem:$0x3FFB];
	_ =	sdelay $0x3  }
0x92: {  	_ =	strace s18  }
0x93: {  	s3 =	sld [smem:$0x3FFC];
	_ =	sdelay $0x3  }
0x94: {  	_ =	strace s3  }
0x95: {  	s3 =	sld [smem:$0x3FFD];
	_ =	sdelay $0x3  }
0x96: {  	_ =	strace s3  }
0x97: {  	_ =	strace $0x8FFFFFFF  }
0x98: {  	s19 =	sld [smem:$0x3FDB];
	_ =	sdelay $0x1  }
0x99: {  	s4 =	simm.s32 $_scs_section_size  }
0x9a: {  	s5 =	simm.s32 $_size__tile_overlayer_lowered;
	s6 =	simm.s32 $_tile_overlayer_lowered  }
0x9b: {  	s22 =	simm.s32 $0x1BFF;
	s21 =	sshll.u32 s6, $0x1;
	s3 =	sadd.s32 s4, s19  }
0x9c: {  	s7 =	simm.s32 $0x0;
	s20 =	sshll.u32 s5, $0x1;
	s5 =	sadd.s32 s21, s3  }
0x9d: {  	[timem:s7], [sflag:s22] =	dma.local [hbm:s5], s20  }
0x9e: {  	_ =	swait.ge [sflag:s22], s20  }
0x9f: {  	s4 =	ssub.s32 $0x0, s20;
	[sflag:s22] =	ssyncset.done $0x0  }
0xa0: {  	[sflag:s22] =	ssyncadd.s32 s4;
	_ =	sdelay $0x1  }
0xa1: {  	s23 =	simm.s32 $0x1B8B  }
0xa2: {  	_ =	swait.ge [sflag:s23], $0x1  }
0xa3: {  	[sflag:s23] =	ssyncset.done $0x0  }
0xa4: {  	s25 =	simm.s32 $0x1B8E;
	s24 =	sld [smem:$0x3FFE];
	[sflag:s23] =	ssyncadd.s32 $0xFFFFFFFF  }
0xa5: {  	s26 =	simm.s32 $execute0_lowered;
	[smem:$0x3FD2] =	sst s25  }
0xa6: {  	s5 =	sshll.u32 s26, $0x1;
	_ =	strace $0x80000046;
	[dreg:$0x1] =	wrdreg $0xFFFFFFFF  }
0xa7: {  	s28 =	simm.s32 $_size_execute0_lowered;
	s3 =	sadd.s32 s3, s5;
	[dreg:$0x0] =	wrdreg $0x0  }
0xa8: {  	s5 =	sshll.u32 s28, $0x1;
	[dreg:$0x2] =	wrdreg s3  }
0xa9: {  	[dreg:$0x3] =	wrdreg s5  }
0xaa: {  	[dreg:$0x4] =	wrdreg $0xC0  }
0xab: {  	_ =	task [dreg:s7], $0x5FFFF  }
0xac: {  	[dreg:$0x1] =	wrdreg $0xFFFFFFFF  }
0xad: {  	[dreg:$0x0] =	wrdreg $0x60  }
0xae: {  	[dreg:$0x2] =	wrdreg s2  }
0xaf: {  	[dreg:$0x3] =	wrdreg s24  }
0xb0: {  	[dreg:$0x4] =	wrdreg $0x9  }
0xb1: {  	_ =	task.clear_ibuf [dreg:s7], $0x5FFFF;
	_ =	strace $0x90000046  }
0xb2: {  	s29 =	simm.s32 $0x9;
	_ =	strace $0x80000048  }
0xb3: {  	_ =	swait.ge [sflag:s29], $0x1  }
0xb4: {  	[sflag:s29] =	ssyncadd.s32 $0xFFFFFFFF  }
0xb5: {  	_ =	strace $0x90000048  }
0xb6: {  	_ =	sfence  }
0xb7: {  	s30 =	sld [smem:$0x0];
	_ =	sdelay $0x2  }
0xb8: {  	s31 =	sshll.u32 s1, $0xD;
	s1 =	sshrl.u32 s1, $0x2  }
0xb9: {  	s3 =	sand.u32 $0x4000, s31;
	s1 =	sadd.s32 s1, s30  }
0xba: {  	s0 =	sor.u32 s3, s0;
	s1 =	sshll.u32 s1, $0x11  }
0xbb: {  	s0 =	sor.u32 s1, s0  }
0xbc: {  	s0 =	sadd.s32 $0x8F2B, s0  }
0xbd: {  	[sflag:s0] =	ssyncadd.remote.s32 $0x1  }
0xbe: {  	_ =	sfence.sel $0xFFFF  }
0xbf: {  	[dreg:$0x0] =	wrdreg $0xFFFFFFFF;
	(pc) =	sbr.abs _section_cstart, $3  }
0xc0: {  	[dreg:$0x1] =	wrdreg $0xFFFFFFFF  }
0xc1: {  	_ =	task.clear_ibuf [dreg:s7], $0x2FFFF;
	_ =	strace $0x9FFFFFFF  }
0xc2: {  	(tm) =	ssettm $0x7FFFFFFF  }
0xc3: {  	_ =	shalt  }
tec
execute0_lowered:
.L_overlay_start_1:
0x0: {  	(tag) =	ssettag $0x1  }
0x1: {  	v0 =	vimm.s32 $0xB80  }
0x2: {  	vm14 =	vcmask $0x300;
	vm13 =	vcmask $0x704;
	vm12 =	vcmask $0xB08  }
0x3: {  	vm11 =	vcmask $0xF0C;
	vm10 =	vcmask $0x1310;
	vm9 =	vcmask $0x1714  }
0x4: {  	vm8 =	vcmask $0x1B18;
	vm7 =	vcmask $0x1F1C;
	vm6 =	vcmask $0x2320  }
0x5: {  	vm5 =	vcmask $0x2724;
	vm4 =	vcmask $0x2B28;
	vm3 =	vcmask $0x2F2C  }
0x6: {  	vm2 =	vcmask $0x3330;
	vm1 =	vcmask $0x3734;
	vm0 =	vcmask $0x3B38  }
0x7: {  	v1 =	vimm.s32 $0x1B80;
	v2 =	vimm.s32 $0x2B80;
	v3 =	vimm.s32 $0x3B80  }
0x8: {  	v0 =	vsel vm14, $0x0, v0;
	v1 =	vsel vm14, $0x1000, v1;
	v2 =	vsel vm14, $0x2000, v2  }
0x9: {  	v3 =	vsel vm14, $0x3000, v3;
	v0 =	vsel vm13, $0x80, v0;
	v1 =	vsel vm13, $0x1080, v1  }
0xa: {  	v2 =	vsel vm13, $0x2080, v2;
	v3 =	vsel vm13, $0x3080, v3;
	v0 =	vsel vm12, $0x100, v0  }
0xb: {  	v1 =	vsel vm12, $0x1100, v1;
	v2 =	vsel vm12, $0x2100, v2;
	v3 =	vsel vm12, $0x3100, v3  }
0xc: {  	v0 =	vsel vm11, $0x180, v0;
	v1 =	vsel vm11, $0x1180, v1;
	v2 =	vsel vm11, $0x2180, v2  }
0xd: {  	v3 =	vsel vm11, $0x3180, v3;
	v0 =	vsel vm10, $0x200, v0;
	v1 =	vsel vm10, $0x1200, v1  }
0xe: {  	v2 =	vsel vm10, $0x2200, v2;
	v3 =	vsel vm10, $0x3200, v3;
	v0 =	vsel vm9, $0x280, v0  }
0xf: {  	s0 =	rddreg [dreg:$0x0];
	v1 =	vsel vm9, $0x1280, v1;
	v2 =	vsel vm9, $0x2280, v2;
	v3 =	vsel vm9, $0x3280, v3  }
0x10: {  	s2 =	rddreg [dreg:$0x1];
	s1 =	simm.s32 $0x0;
	v0 =	vsel vm8, $0x300, v0;
	v1 =	vsel vm8, $0x1300, v1;
	v2 =	vsel vm8, $0x2300, v2  }
0x11: {  	s3 =	srdreg.scid;
	s4 =	stileid.u32;
	s11 =	simm.s32 $0x1;
	v3 =	vsel vm8, $0x3300, v3;
	v0 =	vsel vm7, $0x380, v0;
	v1 =	vsel vm7, $0x1380, v1  }
0x12: {  	s12 =	simm.s32 $0x8000;
	s13 =	simm.s32 $0x2;
	s14 =	simm.s32 $0x4000;
	v2 =	vsel vm7, $0x2380, v2;
	v3 =	vsel vm7, $0x3380, v3;
	v0 =	vsel vm6, $0x800, v0  }
0x13: {  	s15 =	simm.s32 $0xC000;
	s17 =	simm.s32 $0x5;
	s18 =	simm.s32 $0x3;
	v1 =	vsel vm6, $0x1800, v1;
	v2 =	vsel vm6, $0x2800, v2;
	v3 =	vsel vm6, $0x3800, v3  }
0x14: {  	s19 =	simm.s32 $0x4;
	s20 =	simm.s32 $0x0;
	[smem:$0x7FF] =	sst s1;
	v0 =	vsel vm5, $0x880, v0;
	v1 =	vsel vm5, $0x1880, v1;
	v2 =	vsel vm5, $0x2880, v2  }
0x15: {  	s3 =	sand.u32 $0x1, s3;
	s4 =	sshll.u32 s4, $0x1;
	s31 =	sadd.s32 $0x7A2800, s2;
	v3 =	vsel vm5, $0x3880, v3;
	v0 =	vsel vm4, $0x900, v0;
	v1 =	vsel vm4, $0x1900, v1  }
0x16: {  	s6 =	sadd.s32 $0x1400, s2;
	s8 =	sadd.s32 $0x100, s0;
	_ =	strace $0x80000047;
	v2 =	vsel vm4, $0x2900, v2;
	v3 =	vsel vm4, $0x3900, v3;
	v0 =	vsel vm3, $0x980, v0  }
.Ltmp0:
0x17: {  	s5 =	ssub.s32 $0x2, s3;
	[dreg:$0x3] =	wrdreg s6;
	v1 =	vsel vm3, $0x1980, v1;
	v2 =	vsel vm3, $0x2980, v2;
	v3 =	vsel vm3, $0x3980, v3;
	(pc) =	sbr.rel .LBB2_1-.Ltmp0, $4  }
0x18: {  	s3 =	sor.u32 s3, s4;
	s4 =	sadd.s32 $0x1800, s2;
	s6 =	simm.s32 $0x0;
	v0 =	vsel vm2, $0xA00, v0;
	v1 =	vsel vm2, $0x1A00, v1;
	v2 =	vsel vm2, $0x2A00, v2  }
0x19: {  	[dreg:$0x4] =	wrdreg s31;
	s30 =	sshrl.u32 s5, $0x1;
	s7 =	smul.u32 $0x7E00, s3;
	v3 =	vsel vm2, $0x3A00, v3;
	v0 =	vsel vm1, $0xA80, v0;
	v1 =	vsel vm1, $0x1A80, v1  }
0x1a: {  	p0 =	seq.s32 s3, $0x1F;
	s9 =	ssub.s32 s5, s30;
	s5 =	smul.u32 $0x7E, s3;
	v2 =	vsel vm1, $0x2A80, v2;
	v3 =	vsel vm1, $0x3A80, v3;
	v0 =	vsel vm0, $0xB00, v0  }
0x1b: {  	s6 =	simm.s32 @!p0 $0x7E;
	s7 =	sadd.s32 s0, s7;
	s10 =	smax.u32 s9, $0x1;
	v1 =	vsel vm0, $0x1B00, v1;
	v2 =	vsel vm0, $0x2B00, v2;
	v3 =	vsel vm0, $0x3B00, v3  }
.LBB2_12:
0x1c: {  	_ =	swait.ge [sflag:s18], $0x4000  }
0x1d: {  	[sflag:s18] =	ssyncset.done $0x0  }
0x1e: {  	[sflag:s18] =	ssyncadd.s32 $0xFFFFC000  }
0x1f: {  	_ =	swait.ge [sflag:s19], $0x4000  }
0x20: {  	[sflag:s19] =	ssyncset.done $0x0  }
0x21: {  	[sflag:s19] =	ssyncadd.s32 $0xFFFFC000  }
.LBB2_16:
0x22: {  	s20 =	sadd.s32 $0x1, s20  }
0x23: {  	p1 =	sne.s32 s20, s10  }
.Ltmp1:
0x24: {  	_ = 	snop;
	(pc) =	sbr.rel @!p1 .LBB2_17-.Ltmp1, $1  }
0x25: {  	_ =	sdelay $0x3  }
.LBB2_1:
.Ltmp2:
0x26: {  	(pc) =	sbr.rel .LBB2_2-.Ltmp2, $4  }
0x27: {  	_ = 	snop  }
0x28: {  	s0 =	simm.s32 @!p0 $0x800  }
0x29: {  	s2 =	simm.s32 @!p0 $0x7A1400;
	s3 =	simm.s32 @!p0 $0x0;
	s21 =	simm.s32 $0x0  }
0x2a: {  	[tilespmem:s3], [sflag:$0x1] =	stream.strided.gather @!p0 [hbm4b:s7+s0], $0x4000, s2, s0, $0x38;
	[tilespmem:$0x12000] =	vst v63  }
.LBB2_10:
0x2b: {  	s21 =	sadd.s32 $0x1, s21  }
0x2c: {  	p1 =	sne.s32 s21, $0x3F  }
.Ltmp3:
0x2d: {  	_ = 	snop;
	(pc) =	sbr.rel @!p1 .LBB2_11-.Ltmp3, $1  }
0x2e: {  	_ =	sdelay $0x3  }
.LBB2_2:
0x2f: {  	s22 =	sshll.u32 s21, $0x1  }
0x30: {  	p3 =	sge.u32 s22, s6  }
.Ltmp4:
0x31: {  	s23 =	sshllo.u32 s21, $0x1;
	(pc) =	sbr.rel @p3 .LBB2_6-.Ltmp4, $4  }
0x32: {  	s24 =	sadd.s32 s5, s22;
	p2 =	sge.u32 s23, s6  }
0x33: {  	p1 =	seq.s32 s21, $0x0;
	s0 =	sshll.u32 @!p2 s24, $0x8;
	s2 =	simm.s32 @!p2 $0x800  }
0x34: {  	s3 =	simm.s32 @!p2 $0x7A1400;
	s9 =	simm.s32 @!p2 $0x4000;
	s0 =	sadd.s32 @!p2 s0, s8  }
0x35: {  	[tilespmem:s9], [sflag:$0x2] =	stream.strided.gather @!p2 [hbm4b:s0+s2], $0x4000, s3, s2, $0x38;
	[tilespmem:$0x12000] =	vst v63  }
0x36: {  	s0 =	simm.s32 $0xE;
	s2 =	simm.s32 $0x4  }
0x37: {  	s25 =	simm.s32 $0x6;
	s26 =	simm.s32 $0x8;
	s3 =	simm.s32 $0x0;
	v4 =	vmov s0;
	v6 =	vmov s2  }
0x38: {  	s30 =	simm.s32 $0xA;
	v8 =	vmov s25;
	v9 =	vmov s26;
	v10 =	vmov s3  }
0x39: {  	v11 =	vmov s30;
	v5 =	vshll.u32 v4, $0x3;
	v4 =	vand.u32 $0x7E, v4  }
0x3a: {  	v12 =	vshll.u32 v10, $0x3;
	v15 =	vshll.u32 v6, $0x3;
	v5 =	vand.u32 $0x400, v5  }
0x3b: {  	_ =	swait.ge [sflag:s11], $0x4000;
	v16 =	vshll.u32 v8, $0x3;
	v17 =	vshll.u32 v9, $0x3;
	v4 =	vor.u32 v4, v5  }
0x3c: {  	[sflag:s11] =	ssyncset.done $0x0;
	v18 =	vshll.u32 v11, $0x3;
	v10 =	vand.u32 $0x70, v10;
	v7 =	vor.u32 v0, v4  }
0x3d: {  	s9 =	simm.s32 @!p1 $0x3;
	[sflag:s11] =	ssyncadd.s32 $0xFFFFC000;
	v6 =	vand.u32 $0x74, v6;
	v8 =	vand.u32 $0x76, v8;
	v12 =	vand.u32 $0x400, v12  }
0x3e: {  	v9 =	vand.u32 $0x78, v9;
	v11 =	vand.u32 $0x7A, v11;
	_ =	swait.ge @!p1 [sflag:s9], $0x4000;
	v10 =	vor.u32 v10, v12  }
0x3f: {  	s16 =	simm.s32 $0x2;
	v15 =	vand.u32 $0x400, v15;
	v16 =	vand.u32 $0x400, v16;
	[sflag:s9] =	ssyncset.done @!p1 $0x0;
	v12 =	vor.u32 v0, v10  }
0x40: {  	v17 =	vand.u32 $0x400, v17;
	v5 =	vmov s16;
	v6 =	vor.u32 v6, v15;
	[sflag:s9] =	ssyncadd.s32 @!p1 $0xFFFFC000  }
0x41: {  	v8 =	vor.u32 v8, v16;
	v14 =	vshll.u32 v5, $0x3;
	v16 =	vor.u32 v0, v6;
	v7 =	vld.idx.msk [tilespmem:v7+s1+$0x0], $0xffff  }
0x42: {  	v20 =	vor.u32 v1, v4;
	v5 =	vand.u32 $0x72, v5;
	v14 =	vand.u32 $0x400, v14  }
0x43: {  	s16 =	simm.s32 $0xC;
	v15 =	vand.u32 $0x400, v18;
	v18 =	vor.u32 v0, v8;
	v5 =	vor.u32 v5, v14  }
0x44: {  	v9 =	vor.u32 v9, v17;
	v13 =	vmov s16;
	v14 =	vor.u32 v0, v5;
	v12 =	vld.idx.msk [tilespmem:v12+s1+$0x0], $0xffff  }
0x45: {  	s25 =	simm.s32 $0x8200;
	v11 =	vor.u32 v11, v15;
	v21 =	vor.u32 v1, v10;
	v19 =	vshll.u32 v13, $0x3  }
0x46: {  	v15 =	vor.u32 v0, v9;
	v13 =	vand.u32 $0x7C, v13;
	v16 =	vld.idx.msk [tilespmem:v16+s1+$0x0], $0xffff;
	[tilespmem:s25+$0x180] =	vst v7;
	v7 =	vand.u32 $0x400, v19  }
0x47: {  	v19 =	vld.idx.msk [tilespmem:v20+s1+$0x0], $0xffff;
	v7 =	vor.u32 v13, v7;
	v13 =	vor.u32 v0, v11  }
0x48: {  	v17 =	vor.u32 v2, v4;
	v18 =	vld.idx.msk [tilespmem:v18+s1+$0x0], $0xffff  }
0x49: {  	v22 =	vor.u32 v1, v6;
	v14 =	vld.idx.msk [tilespmem:v14+s1+$0x0], $0xffff;
	[tilespmem:s25+$0xFFFFFE00] =	vst v12  }
0x4a: {  	v21 =	vld.idx.msk [tilespmem:v21+s1+$0x0], $0xffff;
	v20 =	vor.u32 v0, v7  }
0x4b: {  	v24 =	vor.u32 v2, v10;
	v15 =	vld.idx.msk [tilespmem:v15+s1+$0x0], $0xffff  }
0x4c: {  	[tilespmem:s25+$0x190] =	vst v19;
	v19 =	vor.u32 v1, v5;
	v12 =	vld.idx.msk [tilespmem:v13+s1+$0x0], $0xffff  }
0x4d: {  	[tilespmem:s25+$0xFFFFFF00] =	vst v16;
	v13 =	vor.u32 v1, v8;
	v17 =	vld.idx.msk [tilespmem:v17+s1+$0x0], $0xffff  }
0x4e: {  	v4 =	vor.u32 v3, v4;
	v22 =	vld.idx.msk [tilespmem:v22+s1+$0x0], $0xffff;
	[tilespmem:s25+$0xFFFFFE80] =	vst v14  }
0x4f: {  	[tilespmem:s25+$0xFFFFFE10] =	vst v21;
	v14 =	vld.idx.msk [tilespmem:v20+s1+$0x0], $0xffff;
	v20 =	vor.u32 v1, v9  }
0x50: {  	s31 =	simm.s32 $0xF;
	v16 =	vor.u32 v1, v11;
	[tilespmem:s25+$0xFFFFFF80] =	vst v18;
	v24 =	vld.idx.msk [tilespmem:v24+s1+$0x0], $0xffff  }
0x51: {  	v10 =	vor.u32 v3, v10;
	v18 =	vmov s31;
	[tilespmem:s25+$0x0] =	vst v15;
	v19 =	vld.idx.msk [tilespmem:v19+s1+$0x0], $0xffff  }
0x52: {  	v23 =	vor.u32 v1, v7;
	v13 =	vld.idx.msk [tilespmem:v13+s1+$0x0], $0xffff;
	[tilespmem:s25+$0x1A0] =	vst v17;
	v17 =	vshll.u32 v18, $0x3  }
0x53: {  	v15 =	vand.u32 $0x7F, v18;
	[tilespmem:s25+$0x80] =	vst v12;
	v18 =	vor.u32 v2, v5;
	v4 =	vld.idx.msk [tilespmem:v4+s1+$0x0], $0xffff;
	v17 =	vand.u32 $0x7FFFFC00, v17  }
0x54: {  	[tilespmem:s25+$0x100] =	vst v14;
	v12 =	vor.u32 v15, v17;
	v15 =	vld.idx.msk [tilespmem:v20+s1+$0x0], $0xffff;
	v20 =	vor.u32 v2, v8  }
0x55: {  	v16 =	vld.idx.msk [tilespmem:v16+s1+$0x0], $0xffff;
	[tilespmem:s25+$0xFFFFFE20] =	vst v24;
	v14 =	vadd.s32 v0, v12  }
0x56: {  	s26 =	simm.s32 $0x9;
	s30 =	simm.s32 $0xB;
	[tilespmem:s25+$0xFFFFFF10] =	vst v22;
	v10 =	vld.idx.msk [tilespmem:v10+s1+$0x0], $0xffff;
	v17 =	vor.u32 v2, v6  }
0x57: {  	v26 =	vmov s26;
	v27 =	vmov s30;
	s16 =	simm.s32 $0x7;
	v21 =	vor.u32 v2, v9;
	[tilespmem:s25+$0xFFFFFE90] =	vst v19;
	v19 =	vld.idx.msk [tilespmem:v23+s1+$0x0], $0xffff  }
0x58: {  	v31 =	vshll.u32 v27, $0x3;
	v25 =	vmov s16;
	v23 =	vor.u32 v2, v11;
	[tilespmem:s25+$0xFFFFFF90] =	vst v13;
	v18 =	vld.idx.msk [tilespmem:v18+s1+$0x0], $0xffff  }
0x59: {  	v30 =	vshll.u32 v25, $0x3;
	v22 =	vor.u32 v2, v7;
	v5 =	vor.u32 v3, v5;
	[tilespmem:s25+$0x1B0] =	vst v4;
	v20 =	vld.idx.msk [tilespmem:v20+s1+$0x0], $0xffff  }
0x5a: {  	v54 =	vand.u32 $0x7FFFFC00, v30;
	s31 =	simm.s32 $0xD;
	[tilespmem:s25+$0x90] =	vst v16;
	v4 =	vor.u32 v3, v6;
	v6 =	vor.u32 v3, v8;
	v8 =	vld.idx.msk [tilespmem:v14+s1+$0x0], $0xffff  }
0x5b: {  	s2 =	simm.s32 $0x1;
	s3 =	simm.s32 $0x3;
	v28 =	vmov s31;
	v7 =	vor.u32 v3, v7;
	v9 =	vor.u32 v3, v9;
	[tilespmem:s25+$0x10] =	vst v15;
	v14 =	vld.idx.msk [tilespmem:v17+s1+$0x0], $0xffff  }
0x5c: {  	s9 =	simm.s32 $0x5;
	v13 =	vmov s2;
	v16 =	vadd.s32 v1, v12;
	[tilespmem:s25+$0xFFFFFE30] =	vst v10;
	v15 =	vmov s3;
	v21 =	vld.idx.msk [tilespmem:v21+s1+$0x0], $0xffff  }
0x5d: {  	v11 =	vor.u32 v3, v11;
	v17 =	vmov s9;
	v52 =	vshll.u32 v15, $0x3;
	[tilespmem:s25+$0x110] =	vst v19;
	v23 =	vld.idx.msk [tilespmem:v23+s1+$0x0], $0xffff  }
0x5e: {  	v15 =	vand.u32 $0x73, v15;
	v19 =	vshll.u32 v13, $0x3;
	v29 =	vshll.u32 v17, $0x3;
	[tilespmem:s25+$0xFFFFFEA0] =	vst v18;
	v18 =	vld.idx.msk [tilespmem:v22+s1+$0x0], $0xffff  }
0x5f: {  	v13 =	vand.u32 $0x71, v13;
	v17 =	vand.u32 $0x75, v17;
	v19 =	vand.u32 $0x400, v19;
	v5 =	vld.idx.msk [tilespmem:v5+s1+$0x0], $0xffff;
	[tilespmem:s25+$0xFFFFFFA0] =	vst v20  }
0x60: {  	v22 =	vshll.u32 v26, $0x3;
	v19 =	vor.u32 v13, v19;
	[tilespmem:s25+$0x1C0] =	vst v8;
	v8 =	vand.u32 $0x7FFFFC00, v52;
	v6 =	vld.idx.msk [tilespmem:v6+s1+$0x0], $0xffff  }
0x61: {  	v53 =	vand.u32 $0x7FFFFC00, v29;
	[tilespmem:s25+$0xFFFFFF20] =	vst v14;
	v14 =	vld.idx.msk [tilespmem:v16+s1+$0x0], $0xffff;
	v8 =	vor.u32 v15, v8;
	v15 =	vor.u32 v0, v19  }
0x62: {  	v13 =	vadd.s32 v2, v12;
	v17 =	vor.u32 v17, v53;
	v20 =	vand.u32 $0x77, v25;
	[tilespmem:s25+$0x20] =	vst v21;
	v4 =	vld.idx.msk [tilespmem:v4+s1+$0x0], $0xffff  }
0x63: {  	v16 =	vand.u32 $0x7FFFFC00, v22;
	v22 =	vand.u32 $0x7FFFFC00, v31;
	[tilespmem:s25+$0xA0] =	vst v23;
	v9 =	vld.idx.msk [tilespmem:v9+s1+$0x0], $0xffff;
	v21 =	vadd.s32 v0, v8  }
0x64: {  	v23 =	vor.u32 v20, v54;
	v20 =	vadd.s32 v0, v17;
	[tilespmem:s25+$0x120] =	vst v18;
	v18 =	vand.u32 $0x79, v26;
	v10 =	vld.idx.msk [tilespmem:v11+s1+$0x0], $0xffff  }
0x65: {  	v11 =	vand.u32 $0x7B, v27;
	v16 =	vor.u32 v18, v16;
	v18 =	vadd.s32 v0, v23;
	v7 =	vld.idx.msk [tilespmem:v7+s1+$0x0], $0xffff;
	[tilespmem:s25+$0xFFFFFEB0] =	vst v5  }
0x66: {  	v22 =	vor.u32 v11, v22;
	v11 =	vadd.s32 v0, v16;
	[tilespmem:s25+$0x1D0] =	vst v14;
	v14 =	vshll.u32 v28, $0x3;
	v15 =	vld.idx.msk [tilespmem:v15+s1+$0x0], $0xffff  }
0x67: {  	v55 =	vadd.s32 v0, v22;
	[tilespmem:s25+$0xFFFFFF30] =	vst v4;
	v5 =	vld.idx.msk [tilespmem:v13+s1+$0x0], $0xffff;
	v13 =	vand.u32 $0x7FFFFC00, v14;
	v14 =	vand.u32 $0x7D, v28  }
0x68: {  	[tilespmem:s25+$0x30] =	vst v9;
	v9 =	vor.u32 v1, v19;
	v4 =	vor.u32 v14, v13;
	v13 =	vld.idx.msk [tilespmem:v21+s1+$0x0], $0xffff  }
0x69: {  	[tilespmem:s25+$0xFFFFFFB0] =	vst v6;
	v6 =	vadd.s32 v3, v12;
	v14 =	vld.idx.msk [tilespmem:v20+s1+$0x0], $0xffff  }
0x6a: {  	[tilespmem:s25+$0xB0] =	vst v10;
	v18 =	vld.idx.msk [tilespmem:v18+s1+$0x0], $0xffff;
	v12 =	vadd.s32 v0, v4  }
0x6b: {  	v10 =	vadd.s32 v1, v8;
	[tilespmem:s25+$0x130] =	vst v7;
	v11 =	vld.idx.msk [tilespmem:v11+s1+$0x0], $0xffff  }
0x6c: {  	v7 =	vadd.s32 v1, v17;
	v20 =	vld.idx.msk [tilespmem:v55+s1+$0x0], $0xffff;
	[tilespmem:s25+$0xFFFFFE40] =	vst v15  }
0x6d: {  	v56 =	vadd.s32 v1, v16;
	[tilespmem:s25+$0x1E0] =	vst v5;
	v59 =	vld.idx.msk [tilespmem:v9+s1+$0x0], $0xffff  }
0x6e: {  	v5 =	vadd.s32 v1, v23;
	v6 =	vld.idx.msk [tilespmem:v6+s1+$0x0], $0xffff;
	[tilespmem:s25+$0xFFFFFEC0] =	vst v13  }
0x6f: {  	v58 =	vadd.s32 v1, v22;
	[tilespmem:s25+$0xFFFFFF40] =	vst v14;
	v57 =	vld.idx.msk [tilespmem:v12+s1+$0x0], $0xffff  }
0x70: {  	v62 =	vor.u32 v2, v19;
	[tilespmem:s25+$0xFFFFFFC0] =	vst v18;
	v61 =	vld.idx.msk [tilespmem:v10+s1+$0x0], $0xffff  }
0x71: {  	v63 =	vadd.s32 v2, v8;
	v60 =	vadd.s32 v1, v4;
	v32 =	vld.idx.msk [tilespmem:v7+s1+$0x0], $0xffff;
	[tilespmem:s25+$0x40] =	vst v11  }
0x72: {  	v15 =	vadd.s32 v2, v17;
	v9 =	vor.u32 v3, v19;
	[tilespmem:s25+$0xC0] =	vst v20;
	v20 =	vld.idx.msk [tilespmem:v56+s1+$0x0], $0xffff  }
0x73: {  	v14 =	vadd.s32 v2, v23;
	v13 =	vadd.s32 v2, v16;
	v21 =	vld.idx.msk [tilespmem:v5+s1+$0x0], $0xffff;
	[tilespmem:s25+$0xFFFFFE50] =	vst v59  }
0x74: {  	v12 =	vadd.s32 v2, v22;
	v11 =	vadd.s32 v2, v4;
	v19 =	vld.idx.msk [tilespmem:v58+s1+$0x0], $0xffff;
	[tilespmem:s25+$0x1F0] =	vst v6  }
0x75: {  	v10 =	vadd.s32 v3, v8;
	v7 =	vadd.s32 v3, v17;
	v17 =	vld.idx.msk [tilespmem:v62+s1+$0x0], $0xffff;
	[tilespmem:s25+$0x140] =	vst v57  }
0x76: {  	v8 =	vadd.s32 v3, v23;
	v4 =	vadd.s32 v3, v4;
	[tilespmem:s25+$0xFFFFFED0] =	vst v61;
	v18 =	vld.idx.msk [tilespmem:v60+s1+$0x0], $0xffff  }
0x77: {  	s28 =	simm.s32 $0x0;
	s29 =	simm.s32 $0x1F;
	s26 =	simm.s32 $0x8200;
	v5 =	vadd.s32 v3, v22;
	v6 =	vadd.s32 v3, v16;
	[tilespmem:s25+$0xFFFFFF50] =	vst v32;
	v16 =	vld.idx.msk [tilespmem:v63+s1+$0x0], $0xffff  }
.LBB2_4:
0x78: {  	s0 =	sadd.s32 $0xFFFFFFF3, s29;
	s2 =	sadd.s32 $0xFFFFFFFF, s29;
	s28 =	sadd.s32 $0x8, s28;
	v15 =	vld.idx.msk [tilespmem:v15+s1+$0x0], $0xffff;
	[tilespmem:s25+$0xFFFFFFD0] =	vst v21  }
0x79: {  	s3 =	sadd.s32 $0xFFFFFFF7, s29;
	v21 =	vmov s0;
	s0 =	sadd.s32 $0xFFFFFFF5, s29;
	v22 =	vmov s2;
	p3 =	slt.u32 s28, $0x78;
	v14 =	vld.idx.msk [tilespmem:v14+s1+$0x0], $0xffff;
	[tilespmem:s25+$0x50] =	vst v20  }
0x7a: {  	s16 =	sadd.s32 $0xFFFFFFFD, s29;
	v23 =	vmov s3;
	s2 =	sadd.s32 $0xFFFFFFFB, s29;
	v20 =	vmov s0;
	s0 =	sadd.s32 $0xFFFFFFF9, s29;
	v24 =	vshll.u32 v22, $0x3;
	v13 =	vld.idx.msk [tilespmem:v13+s1+$0x0], $0xffff;
	[tilespmem:s25+$0xD0] =	vst v19  }
0x7b: {  	s9 =	sadd.s32 $0xFFFFFFF2, s29;
	s30 =	sadd.s32 $0xFFFFFFF4, s29;
	s3 =	sadd.s32 $0xFFFFFFF1, s29;
	v22 =	vand.u32 $0x7E, v22;
	v19 =	vmov s0;
	v24 =	vand.u32 $0x400, v24;
	v12 =	vld.idx.msk [tilespmem:v12+s1+$0x0], $0xffff;
	[tilespmem:s25+$0x150] =	vst v18  }
0x7c: {  	s31 =	sadd.s32 $0xFFFFFFF8, s29;
	v25 =	vmov s2;
	v18 =	vmov s3;
	s3 =	sadd.s32 $0xFFFFFFF6, s29;
	s0 =	sadd.s32 $0xFFFFFFFA, s29;
	v22 =	vor.u32 v22, v24;
	[tilespmem:s25+$0xFFFFFE60] =	vst v17;
	v11 =	vld.idx.msk [tilespmem:v11+s1+$0x0], $0xffff  }
0x7d: {  	s2 =	sadd.s32 $0xFFFFFFFC, s29;
	v17 =	vshll.u32 v18, $0x3;
	v24 =	vmov s16;
	s16 =	sadd.s32 $0xFFFFFFFE, s29;
	v26 =	vor.u32 v0, v22;
	v9 =	vld.idx.msk [tilespmem:v9+s1+$0x0], $0xffff;
	[tilespmem:s25+$0xFFFFFEE0] =	vst v16  }
0x7e: {  	v28 =	vshll.u32 v23, $0x3;
	v27 =	vshll.u32 v20, $0x3;
	v16 =	vshll.u32 v21, $0x3;
	v10 =	vld.idx.msk [tilespmem:v10+s1+$0x0], $0xffff;
	[tilespmem:s25+$0xFFFFFF60] =	vst v15  }
0x7f: {  	v29 =	vshll.u32 v25, $0x3;
	v30 =	vshll.u32 v24, $0x3;
	v15 =	vshll.u32 v19, $0x3;
	v7 =	vld.idx.msk [tilespmem:v7+s1+$0x0], $0xffff;
	[tilespmem:s25+$0xFFFFFFE0] =	vst v14  }
0x80: {  	v16 =	vand.u32 $0x400, v16;
	v14 =	vand.u32 $0x400, v17;
	v17 =	vand.u32 $0x400, v27;
	v8 =	vld.idx.msk [tilespmem:v8+s1+$0x0], $0xffff;
	[tilespmem:s25+$0x60] =	vst v13  }
0x81: {  	v15 =	vand.u32 $0x400, v15;
	v27 =	vand.u32 $0x400, v29;
	v13 =	vand.u32 $0x400, v28;
	v6 =	vld.idx.msk [tilespmem:v6+s1+$0x0], $0xffff;
	[tilespmem:s25+$0xE0] =	vst v12  }
0x82: {  	v12 =	vand.u32 $0x70, v18;
	v18 =	vand.u32 $0x72, v21;
	v21 =	vand.u32 $0x400, v30;
	v26 =	vld.idx.msk [tilespmem:v26+s1+$0x0], $0xffff;
	[tilespmem:s25+$0x160] =	vst v11  }
0x83: {  	v19 =	vand.u32 $0x78, v19;
	v11 =	vand.u32 $0x74, v20;
	v20 =	vand.u32 $0x76, v23;
	[tilespmem:s25+$0xFFFFFE70] =	vst v9;
	v5 =	vld.idx.msk [tilespmem:v5+s1+$0x0], $0xffff  }
0x84: {  	v23 =	vand.u32 $0x7C, v24;
	v24 =	vor.u32 v1, v22;
	v9 =	vand.u32 $0x7A, v25;
	[tilespmem:s25+$0xFFFFFEF0] =	vst v10;
	v4 =	vld.idx.msk [tilespmem:v4+s1+$0x0], $0xffff  }
0x85: {  	v11 =	vor.u32 v11, v17;
	v10 =	vor.u32 v12, v14;
	v12 =	vor.u32 v18, v16;
	[tilespmem:s25+$0xFFFFFF70] =	vst v7  }
0x86: {  	v9 =	vor.u32 v9, v27;
	v7 =	vor.u32 v20, v13;
	v13 =	vor.u32 v19, v15;
	[tilespmem:s25+$0xFFFFFFF0] =	vst v8  }
0x87: {  	v14 =	vor.u32 v0, v12;
	v15 =	vor.u32 v23, v21;
	v8 =	vor.u32 v0, v10;
	s25 =	sadd.s32 $0x400, s25;
	[tilespmem:s26+$0x70] =	vst v6  }
0x88: {  	v16 =	vor.u32 v0, v7;
	v17 =	vor.u32 v0, v13;
	v6 =	vor.u32 v0, v11;
	[tilespmem:s25+$0x180] =	vst v26  }
0x89: {  	v18 =	vor.u32 v1, v10;
	v19 =	vor.u32 v0, v9;
	v20 =	vor.u32 v0, v15;
	v21 =	vld.idx.msk [tilespmem:v24+s1+$0x0], $0xffff  }
0x8a: {  	v23 =	vor.u32 v1, v12;
	v25 =	vor.u32 v1, v7;
	v24 =	vor.u32 v1, v11;
	[tilespmem:s26+$0xF0] =	vst v5  }
0x8b: {  	v27 =	vor.u32 v1, v9;
	v26 =	vor.u32 v1, v13;
	v5 =	vor.u32 v2, v22;
	[tilespmem:s26+$0x170] =	vst v4;
	s26 =	smov.u32 s25  }
0x8c: {  	v29 =	vor.u32 v2, v10;
	v30 =	vor.u32 v2, v12;
	v31 =	vor.u32 v1, v15;
	v28 =	vld.idx.msk [tilespmem:v8+s1+$0x0], $0xffff  }
0x8d: {  	v32 =	vor.u32 v2, v11;
	v33 =	vor.u32 v2, v7;
	v34 =	vor.u32 v2, v13;
	v14 =	vld.idx.msk [tilespmem:v14+s1+$0x0], $0xffff  }
0x8e: {  	v36 =	vor.u32 v2, v9;
	v10 =	vor.u32 v3, v10;
	v37 =	vor.u32 v2, v15;
	v35 =	vld.idx.msk [tilespmem:v6+s1+$0x0], $0xffff  }
0x8f: {  	v38 =	vmov s9;
	v12 =	vor.u32 v3, v12;
	v8 =	vor.u32 v3, v11;
	v11 =	vld.idx.msk [tilespmem:v16+s1+$0x0], $0xffff;
	[tilespmem:s25+$0x190] =	vst v21  }
0x90: {  	v7 =	vor.u32 v3, v7;
	v4 =	vor.u32 v3, v9;
	v6 =	vor.u32 v3, v13;
	v9 =	vld.idx.msk [tilespmem:v5+s1+$0x0], $0xffff  }
0x91: {  	v13 =	vmov s30;
	v16 =	vmov s3;
	v5 =	vor.u32 v3, v15;
	v17 =	vld.idx.msk [tilespmem:v17+s1+$0x0], $0xffff  }
0x92: {  	v22 =	vor.u32 v3, v22;
	v21 =	vmov s0;
	v15 =	vmov s31;
	[tilespmem:s25+$0xFFFFFE00] =	vst v28;
	v19 =	vld.idx.msk [tilespmem:v19+s1+$0x0], $0xffff  }
0x93: {  	v39 =	vmov s16;
	v28 =	vshll.u32 v38, $0x3;
	[tilespmem:s25+$0xFFFFFE80] =	vst v14;
	v14 =	vmov s2;
	v20 =	vld.idx.msk [tilespmem:v20+s1+$0x0], $0xffff  }
0x94: {  	v40 =	vshll.u32 v13, $0x3;
	v41 =	vshll.u32 v15, $0x3;
	v18 =	vld.idx.msk [tilespmem:v18+s1+$0x0], $0xffff;
	[tilespmem:s25+$0xFFFFFF00] =	vst v35;
	v35 =	vshll.u32 v16, $0x3  }
0x95: {  	v43 =	vmov s29;
	v42 =	vshll.u32 v14, $0x3;
	v23 =	vld.idx.msk [tilespmem:v23+s1+$0x0], $0xffff;
	[tilespmem:s25+$0xFFFFFF80] =	vst v11;
	v11 =	vshll.u32 v21, $0x3  }
0x96: {  	v44 =	vshll.u32 v39, $0x3;
	v28 =	vand.u32 $0x400, v28;
	v24 =	vld.idx.msk [tilespmem:v24+s1+$0x0], $0xffff;
	[tilespmem:s25+$0x1A0] =	vst v9;
	v9 =	vshll.u32 v43, $0x3  }
0x97: {  	v40 =	vand.u32 $0x7FFFFC00, v40;
	[tilespmem:s25+$0x0] =	vst v17;
	v17 =	vld.idx.msk [tilespmem:v22+s1+$0x0], $0xffff;
	v22 =	vand.u32 $0x7F, v43;
	v9 =	vand.u32 $0x7FFFFC00, v9  }
0x98: {  	v41 =	vand.u32 $0x7FFFFC00, v41;
	v35 =	vand.u32 $0x7FFFFC00, v35;
	v25 =	vld.idx.msk [tilespmem:v25+s1+$0x0], $0xffff;
	[tilespmem:s25+$0x80] =	vst v19;
	v19 =	vor.u32 v22, v9  }
0x99: {  	v11 =	vand.u32 $0x7FFFFC00, v11;
	v22 =	vand.u32 $0x7FFFFC00, v42;
	v9 =	vld.idx.msk [tilespmem:v26+s1+$0x0], $0xffff;
	[tilespmem:s25+$0x100] =	vst v20;
	v20 =	vadd.s32 v0, v19  }
0x9a: {  	v13 =	vand.u32 $0x73, v13;
	[tilespmem:s25+$0xFFFFFE10] =	vst v18;
	v18 =	vand.u32 $0x71, v38;
	v26 =	vld.idx.msk [tilespmem:v27+s1+$0x0], $0xffff;
	v27 =	vand.u32 $0x7FFFFC00, v44  }
0x9b: {  	v15 =	vand.u32 $0x77, v15;
	v16 =	vand.u32 $0x75, v16;
	v21 =	vand.u32 $0x79, v21;
	[tilespmem:s25+$0xFFFFFE90] =	vst v23;
	v23 =	vld.idx.msk [tilespmem:v31+s1+$0x0], $0xffff  }
0x9c: {  	v14 =	vand.u32 $0x7B, v14;
	v18 =	vor.u32 v18, v28;
	v29 =	vld.idx.msk [tilespmem:v29+s1+$0x0], $0xffff;
	[tilespmem:s25+$0xFFFFFF10] =	vst v24;
	v24 =	vand.u32 $0x7D, v39  }
0x9d: {  	v16 =	vor.u32 v16, v35;
	v28 =	vld.idx.msk [tilespmem:v30+s1+$0x0], $0xffff;
	v30 =	vor.u32 v13, v40;
	[tilespmem:s25+$0x1B0] =	vst v17  }
0x9e: {  	v21 =	vor.u32 v21, v11;
	v17 =	vor.u32 v15, v41;
	[tilespmem:s25+$0xFFFFFF90] =	vst v25;
	v11 =	vld.idx.msk [tilespmem:v20+s1+$0x0], $0xffff  }
0x9f: {  	v20 =	vor.u32 v14, v22;
	v22 =	vor.u32 v24, v27;
	v13 =	vld.idx.msk [tilespmem:v32+s1+$0x0], $0xffff;
	[tilespmem:s25+$0x10] =	vst v9  }
0xa0: {  	v24 =	vor.u32 v0, v18;
	v14 =	vadd.s32 v1, v19;
	v9 =	vld.idx.msk [tilespmem:v33+s1+$0x0], $0xffff;
	[tilespmem:s25+$0x90] =	vst v26  }
0xa1: {  	v25 =	vadd.s32 v0, v30;
	v26 =	vadd.s32 v0, v16;
	v15 =	vld.idx.msk [tilespmem:v34+s1+$0x0], $0xffff;
	[tilespmem:s25+$0x110] =	vst v23  }
0xa2: {  	v27 =	vadd.s32 v0, v21;
	v23 =	vadd.s32 v0, v17;
	[tilespmem:s25+$0xFFFFFE20] =	vst v29;
	v29 =	vld.idx.msk [tilespmem:v36+s1+$0x0], $0xffff  }
0xa3: {  	v32 =	vadd.s32 v0, v22;
	[tilespmem:s25+$0xFFFFFEA0] =	vst v28;
	v28 =	vadd.s32 v0, v20;
	v31 =	vld.idx.msk [tilespmem:v37+s1+$0x0], $0xffff  }
0xa4: {  	v33 =	vor.u32 v1, v18;
	v34 =	vadd.s32 v1, v30;
	v10 =	vld.idx.msk [tilespmem:v10+s1+$0x0], $0xffff;
	[tilespmem:s25+$0x1C0] =	vst v11  }
0xa5: {  	v35 =	vadd.s32 v1, v16;
	v36 =	vadd.s32 v1, v17;
	[tilespmem:s25+$0xFFFFFF20] =	vst v13;
	v37 =	vld.idx.msk [tilespmem:v14+s1+$0x0], $0xffff  }
0xa6: {  	v39 =	vadd.s32 v1, v21;
	v40 =	vadd.s32 v1, v20;
	v38 =	vld.idx.msk [tilespmem:v12+s1+$0x0], $0xffff;
	[tilespmem:s25+$0xFFFFFFA0] =	vst v9  }
0xa7: {  	v42 =	vadd.s32 v2, v19;
	v41 =	vadd.s32 v1, v22;
	v8 =	vld.idx.msk [tilespmem:v8+s1+$0x0], $0xffff;
	[tilespmem:s25+$0x20] =	vst v15  }
0xa8: {  	v43 =	vor.u32 v2, v18;
	v44 =	vadd.s32 v2, v30;
	v45 =	vld.idx.msk [tilespmem:v7+s1+$0x0], $0xffff;
	[tilespmem:s25+$0xA0] =	vst v29  }
0xa9: {  	v14 =	vadd.s32 v2, v17;
	v15 =	vadd.s32 v2, v16;
	v29 =	vld.idx.msk [tilespmem:v6+s1+$0x0], $0xffff;
	[tilespmem:s25+$0x120] =	vst v31  }
0xaa: {  	v13 =	vadd.s32 v2, v21;
	v12 =	vadd.s32 v2, v20;
	[tilespmem:s25+$0xFFFFFE30] =	vst v10;
	v31 =	vld.idx.msk [tilespmem:v4+s1+$0x0], $0xffff  }
0xab: {  	v11 =	vadd.s32 v2, v22;
	v9 =	vor.u32 v3, v18;
	v18 =	vld.idx.msk [tilespmem:v5+s1+$0x0], $0xffff;
	[tilespmem:s25+$0x1D0] =	vst v37  }
0xac: {  	v7 =	vadd.s32 v3, v16;
	v10 =	vadd.s32 v3, v30;
	[tilespmem:s25+$0xFFFFFEB0] =	vst v38;
	v16 =	vld.idx.msk [tilespmem:v42+s1+$0x0], $0xffff  }
0xad: {  	v6 =	vadd.s32 v3, v21;
	v24 =	vld.idx.msk [tilespmem:v24+s1+$0x0], $0xffff;
	[tilespmem:s25+$0xFFFFFF30] =	vst v8;
	v8 =	vadd.s32 v3, v17  }
0xae: {  	v19 =	vadd.s32 v3, v19;
	v5 =	vadd.s32 v3, v20;
	v17 =	vld.idx.msk [tilespmem:v25+s1+$0x0], $0xffff;
	[tilespmem:s25+$0xFFFFFFB0] =	vst v45  }
0xaf: {  	v4 =	vadd.s32 v3, v22;
	v20 =	vld.idx.msk [tilespmem:v26+s1+$0x0], $0xffff;
	[tilespmem:s25+$0x30] =	vst v29  }
0xb0: {  	v21 =	vld.idx.msk [tilespmem:v23+s1+$0x0], $0xffff;
	[tilespmem:s25+$0xB0] =	vst v31  }
0xb1: {  	v22 =	vld.idx.msk [tilespmem:v27+s1+$0x0], $0xffff;
	[tilespmem:s25+$0x130] =	vst v18  }
0xb2: {  	v18 =	vld.idx.msk [tilespmem:v28+s1+$0x0], $0xffff;
	[tilespmem:s25+$0x1E0] =	vst v16  }
0xb3: {  	[tilespmem:s25+$0xFFFFFE40] =	vst v24;
	v16 =	vld.idx.msk [tilespmem:v19+s1+$0x0], $0xffff  }
0xb4: {  	[tilespmem:s25+$0xFFFFFEC0] =	vst v17;
	v17 =	vld.idx.msk [tilespmem:v32+s1+$0x0], $0xffff  }
0xb5: {  	v23 =	vld.idx.msk [tilespmem:v33+s1+$0x0], $0xffff;
	[tilespmem:s25+$0xFFFFFF40] =	vst v20  }
0xb6: {  	v24 =	vld.idx.msk [tilespmem:v34+s1+$0x0], $0xffff;
	[tilespmem:s25+$0xFFFFFFC0] =	vst v21  }
0xb7: {  	v25 =	vld.idx.msk [tilespmem:v35+s1+$0x0], $0xffff;
	[tilespmem:s25+$0x40] =	vst v22  }
0xb8: {  	v21 =	vld.idx.msk [tilespmem:v36+s1+$0x0], $0xffff;
	[tilespmem:s25+$0xC0] =	vst v18  }
.Ltmp5:
0xb9: {  	v20 =	vld.idx.msk [tilespmem:v39+s1+$0x0], $0xffff;
	[tilespmem:s25+$0x1F0] =	vst v16;
	(pc) =	sbr.rel @p3 .LBB2_4-.Ltmp5, $4  }
0xba: {  	v19 =	vld.idx.msk [tilespmem:v40+s1+$0x0], $0xffff;
	[tilespmem:s25+$0x140] =	vst v17  }
0xbb: {  	[tilespmem:s25+$0xFFFFFE50] =	vst v23;
	v18 =	vld.idx.msk [tilespmem:v41+s1+$0x0], $0xffff  }
0xbc: {  	v17 =	vld.idx.msk [tilespmem:v43+s1+$0x0], $0xffff;
	[tilespmem:s25+$0xFFFFFED0] =	vst v24  }
0xbd: {  	s29 =	sadd.s32 $0x10, s29;
	v16 =	vld.idx.msk [tilespmem:v44+s1+$0x0], $0xffff;
	[tilespmem:s25+$0xFFFFFF50] =	vst v25  }
0xbe: {  	_ =	sdelay $0x2  }
0xbf: {  	[tilespmem:s25+$0xFFFFFFD0] =	vst v21  }
0xc0: {  	v15 =	vld.idx.msk [tilespmem:v15+s1+$0x0], $0xffff;
	[tilespmem:s25+$0x50] =	vst v20  }
0xc1: {  	v14 =	vld.idx.msk [tilespmem:v14+s1+$0x0], $0xffff;
	[tilespmem:s25+$0xD0] =	vst v19  }
0xc2: {  	v13 =	vld.idx.msk [tilespmem:v13+s1+$0x0], $0xffff;
	[tilespmem:s25+$0x150] =	vst v18  }
0xc3: {  	v12 =	vld.idx.msk [tilespmem:v12+s1+$0x0], $0xffff;
	[tilespmem:s25+$0xFFFFFE60] =	vst v17  }
0xc4: {  	v11 =	vld.idx.msk [tilespmem:v11+s1+$0x0], $0xffff;
	[tilespmem:s25+$0xFFFFFEE0] =	vst v16  }
0xc5: {  	v9 =	vld.idx.msk [tilespmem:v9+s1+$0x0], $0xffff;
	[tilespmem:s25+$0xFFFFFF60] =	vst v15  }
0xc6: {  	v10 =	vld.idx.msk [tilespmem:v10+s1+$0x0], $0xffff;
	[tilespmem:s25+$0xFFFFFFE0] =	vst v14  }
0xc7: {  	v7 =	vld.idx.msk [tilespmem:v7+s1+$0x0], $0xffff;
	[tilespmem:s25+$0x60] =	vst v13  }
0xc8: {  	v8 =	vld.idx.msk [tilespmem:v8+s1+$0x0], $0xffff;
	[tilespmem:s25+$0xE0] =	vst v12  }
0xc9: {  	v6 =	vld.idx.msk [tilespmem:v6+s1+$0x0], $0xffff;
	[tilespmem:s25+$0x160] =	vst v11  }
0xca: {  	v5 =	vld.idx.msk [tilespmem:v5+s1+$0x0], $0xffff;
	[tilespmem:s25+$0xFFFFFE70] =	vst v9  }
0xcb: {  	v4 =	vld.idx.msk [tilespmem:v4+s1+$0x0], $0xffff;
	[tilespmem:s25+$0xFFFFFEF0] =	vst v10  }
0xcc: {  	[tilespmem:s25+$0xFFFFFF70] =	vst v7  }
0xcd: {  	[tilespmem:s25+$0xFFFFFFF0] =	vst v8  }
0xce: {  	[tilespmem:s26+$0x70] =	vst v6  }
0xcf: {  	s0 =	sshll.u32 s24, $0xB;
	[tilespmem:s26+$0xF0] =	vst v5  }
0xd0: {  	s0 =	sadd.s32 s4, s0;
	[tilespmem:s26+$0x170] =	vst v4  }
0xd1: {  	[hbm4b:s0+s1] =	stream.linear.scatter [tilespmem:s12], [sflag:$0x3], $0x4000, $0x38;
	[tilespmem:$0x12000] =	vst v63  }
.LBB2_6:
.Ltmp6:
0xd2: {  	s0 =	sadd.s32 $0x2, s22;
	(pc) =	sbr.rel @p2 .LBB2_10-.Ltmp6, $4  }
0xd3: {  	s22 =	sadd.s32 s5, s23;
	p3 =	sge.u32 s0, s6  }
0xd4: {  	s0 =	sshll.u32 @!p3 s22, $0x8;
	s2 =	simm.s32 @!p3 $0x800  }
0xd5: {  	s3 =	simm.s32 @!p3 $0x7A1400;
	s9 =	simm.s32 @!p3 $0x0;
	s0 =	sadd.s32 @!p3 s0, s8  }
0xd6: {  	[tilespmem:s9], [sflag:$0x1] =	stream.strided.gather @!p3 [hbm4b:s0+s2], $0x4000, s3, s2, $0x38;
	[tilespmem:$0x12000] =	vst v63  }
0xd7: {  	s0 =	simm.s32 $0xE;
	s2 =	simm.s32 $0x4  }
0xd8: {  	s29 =	simm.s32 $0x6;
	s30 =	simm.s32 $0x8;
	s3 =	simm.s32 $0x0;
	v4 =	vmov s0;
	v6 =	vmov s2  }
0xd9: {  	s31 =	simm.s32 $0xA;
	s16 =	simm.s32 $0xC;
	v8 =	vmov s29;
	v9 =	vmov s30;
	v10 =	vmov s3  }
0xda: {  	v11 =	vmov s31;
	v13 =	vmov s16;
	v5 =	vshll.u32 v4, $0x3  }
0xdb: {  	v4 =	vand.u32 $0x7E, v4;
	v12 =	vshll.u32 v10, $0x3;
	v5 =	vand.u32 $0x400, v5  }
0xdc: {  	_ =	swait.ge [sflag:s13], $0x4000;
	v15 =	vshll.u32 v6, $0x3;
	v16 =	vshll.u32 v8, $0x3;
	v4 =	vor.u32 v4, v5  }
0xdd: {  	[sflag:s13] =	ssyncset.done $0x0;
	v17 =	vshll.u32 v9, $0x3;
	v18 =	vshll.u32 v11, $0x3;
	v7 =	vor.u32 v0, v4  }
0xde: {  	s9 =	simm.s32 @!p1 $0x4;
	[sflag:s13] =	ssyncadd.s32 $0xFFFFC000;
	v19 =	vshll.u32 v13, $0x3;
	v10 =	vand.u32 $0x70, v10;
	v12 =	vand.u32 $0x400, v12  }
0xdf: {  	v6 =	vand.u32 $0x74, v6;
	v8 =	vand.u32 $0x76, v8;
	_ =	swait.ge @!p1 [sflag:s9], $0x4000;
	v10 =	vor.u32 v10, v12  }
0xe0: {  	s28 =	simm.s32 $0x2;
	v9 =	vand.u32 $0x78, v9;
	v15 =	vand.u32 $0x400, v15;
	[sflag:s9] =	ssyncset.done @!p1 $0x0;
	v12 =	vor.u32 v0, v10  }
0xe1: {  	v16 =	vand.u32 $0x400, v16;
	v5 =	vmov s28;
	v6 =	vor.u32 v6, v15;
	[sflag:s9] =	ssyncadd.s32 @!p1 $0xFFFFC000  }
0xe2: {  	v8 =	vor.u32 v8, v16;
	v14 =	vshll.u32 v5, $0x3;
	v16 =	vor.u32 v0, v6;
	v7 =	vld.idx.msk [tilespmem:v7+s14+$0x0], $0xffff  }
0xe3: {  	v20 =	vor.u32 v1, v4;
	v5 =	vand.u32 $0x72, v5;
	v14 =	vand.u32 $0x400, v14  }
0xe4: {  	v15 =	vand.u32 $0x400, v18;
	v18 =	vor.u32 v0, v8;
	v5 =	vor.u32 v5, v14  }
0xe5: {  	v11 =	vand.u32 $0x7A, v11;
	v17 =	vand.u32 $0x400, v17;
	v14 =	vor.u32 v0, v5;
	v12 =	vld.idx.msk [tilespmem:v12+s14+$0x0], $0xffff  }
0xe6: {  	s23 =	simm.s32 $0xC200;
	v13 =	vand.u32 $0x7C, v13;
	v9 =	vor.u32 v9, v17;
	v21 =	vor.u32 v1, v10  }
0xe7: {  	v11 =	vor.u32 v11, v15;
	v15 =	vor.u32 v0, v9;
	v16 =	vld.idx.msk [tilespmem:v16+s14+$0x0], $0xffff;
	[tilespmem:s23+$0x180] =	vst v7;
	v7 =	vand.u32 $0x400, v19  }
0xe8: {  	v19 =	vld.idx.msk [tilespmem:v20+s14+$0x0], $0xffff;
	v7 =	vor.u32 v13, v7;
	v13 =	vor.u32 v0, v11  }
0xe9: {  	v17 =	vor.u32 v2, v4;
	v18 =	vld.idx.msk [tilespmem:v18+s14+$0x0], $0xffff  }
0xea: {  	v22 =	vor.u32 v1, v6;
	v14 =	vld.idx.msk [tilespmem:v14+s14+$0x0], $0xffff;
	[tilespmem:s23+$0xFFFFFE00] =	vst v12  }
0xeb: {  	v21 =	vld.idx.msk [tilespmem:v21+s14+$0x0], $0xffff;
	v20 =	vor.u32 v0, v7  }
0xec: {  	v24 =	vor.u32 v2, v10;
	v15 =	vld.idx.msk [tilespmem:v15+s14+$0x0], $0xffff  }
0xed: {  	[tilespmem:s23+$0x190] =	vst v19;
	v19 =	vor.u32 v1, v5;
	v12 =	vld.idx.msk [tilespmem:v13+s14+$0x0], $0xffff  }
0xee: {  	[tilespmem:s23+$0xFFFFFF00] =	vst v16;
	v13 =	vor.u32 v1, v8;
	v17 =	vld.idx.msk [tilespmem:v17+s14+$0x0], $0xffff  }
0xef: {  	v4 =	vor.u32 v3, v4;
	v22 =	vld.idx.msk [tilespmem:v22+s14+$0x0], $0xffff;
	[tilespmem:s23+$0xFFFFFE80] =	vst v14  }
0xf0: {  	[tilespmem:s23+$0xFFFFFE10] =	vst v21;
	v14 =	vld.idx.msk [tilespmem:v20+s14+$0x0], $0xffff;
	v20 =	vor.u32 v1, v9  }
0xf1: {  	s16 =	simm.s32 $0xF;
	v16 =	vor.u32 v1, v11;
	[tilespmem:s23+$0xFFFFFF80] =	vst v18;
	v24 =	vld.idx.msk [tilespmem:v24+s14+$0x0], $0xffff  }
0xf2: {  	v10 =	vor.u32 v3, v10;
	v18 =	vmov s16;
	[tilespmem:s23+$0x0] =	vst v15;
	v19 =	vld.idx.msk [tilespmem:v19+s14+$0x0], $0xffff  }
0xf3: {  	v23 =	vor.u32 v1, v7;
	v13 =	vld.idx.msk [tilespmem:v13+s14+$0x0], $0xffff;
	[tilespmem:s23+$0x1A0] =	vst v17;
	v17 =	vshll.u32 v18, $0x3  }
0xf4: {  	v15 =	vand.u32 $0x7F, v18;
	[tilespmem:s23+$0x80] =	vst v12;
	v18 =	vor.u32 v2, v5;
	v4 =	vld.idx.msk [tilespmem:v4+s14+$0x0], $0xffff;
	v17 =	vand.u32 $0x7FFFFC00, v17  }
0xf5: {  	[tilespmem:s23+$0x100] =	vst v14;
	v12 =	vor.u32 v15, v17;
	v15 =	vld.idx.msk [tilespmem:v20+s14+$0x0], $0xffff;
	v20 =	vor.u32 v2, v8  }
0xf6: {  	v16 =	vld.idx.msk [tilespmem:v16+s14+$0x0], $0xffff;
	[tilespmem:s23+$0xFFFFFE20] =	vst v24;
	v14 =	vadd.s32 v0, v12  }
0xf7: {  	s29 =	simm.s32 $0x9;
	s30 =	simm.s32 $0xB;
	[tilespmem:s23+$0xFFFFFF10] =	vst v22;
	v10 =	vld.idx.msk [tilespmem:v10+s14+$0x0], $0xffff;
	v17 =	vor.u32 v2, v6  }
0xf8: {  	s31 =	simm.s32 $0xD;
	v26 =	vmov s29;
	v27 =	vmov s30;
	v21 =	vor.u32 v2, v9;
	[tilespmem:s23+$0xFFFFFE90] =	vst v19;
	v19 =	vld.idx.msk [tilespmem:v23+s14+$0x0], $0xffff  }
0xf9: {  	v28 =	vmov s31;
	v31 =	vshll.u32 v27, $0x3;
	s28 =	simm.s32 $0x7;
	v23 =	vor.u32 v2, v11;
	[tilespmem:s23+$0xFFFFFF90] =	vst v13;
	v18 =	vld.idx.msk [tilespmem:v18+s14+$0x0], $0xffff  }
0xfa: {  	v25 =	vmov s28;
	v22 =	vor.u32 v2, v7;
	v5 =	vor.u32 v3, v5;
	[tilespmem:s23+$0x1B0] =	vst v4;
	v20 =	vld.idx.msk [tilespmem:v20+s14+$0x0], $0xffff  }
0xfb: {  	v30 =	vshll.u32 v25, $0x3;
	[tilespmem:s23+$0x90] =	vst v16;
	v4 =	vor.u32 v3, v6;
	v6 =	vor.u32 v3, v8;
	v8 =	vld.idx.msk [tilespmem:v14+s14+$0x0], $0xffff  }
0xfc: {  	s24 =	simm.s32 $0x1;
	s25 =	simm.s32 $0x3;
	v54 =	vand.u32 $0x7FFFFC00, v30;
	v7 =	vor.u32 v3, v7;
	v9 =	vor.u32 v3, v9;
	[tilespmem:s23+$0x10] =	vst v15;
	v14 =	vld.idx.msk [tilespmem:v17+s14+$0x0], $0xffff  }
0xfd: {  	s26 =	simm.s32 $0x5;
	v13 =	vmov s24;
	v16 =	vadd.s32 v1, v12;
	[tilespmem:s23+$0xFFFFFE30] =	vst v10;
	v15 =	vmov s25;
	v21 =	vld.idx.msk [tilespmem:v21+s14+$0x0], $0xffff  }
0xfe: {  	v11 =	vor.u32 v3, v11;
	v17 =	vmov s26;
	v52 =	vshll.u32 v15, $0x3;
	[tilespmem:s23+$0x110] =	vst v19;
	v23 =	vld.idx.msk [tilespmem:v23+s14+$0x0], $0xffff  }
0xff: {  	v15 =	vand.u32 $0x73, v15;
	v19 =	vshll.u32 v13, $0x3;
	v29 =	vshll.u32 v17, $0x3;
	[tilespmem:s23+$0xFFFFFEA0] =	vst v18;
	v18 =	vld.idx.msk [tilespmem:v22+s14+$0x0], $0xffff  }
0x100: {  	v13 =	vand.u32 $0x71, v13;
	v17 =	vand.u32 $0x75, v17;
	v19 =	vand.u32 $0x400, v19;
	v5 =	vld.idx.msk [tilespmem:v5+s14+$0x0], $0xffff;
	[tilespmem:s23+$0xFFFFFFA0] =	vst v20  }
0x101: {  	v22 =	vshll.u32 v26, $0x3;
	v19 =	vor.u32 v13, v19;
	[tilespmem:s23+$0x1C0] =	vst v8;
	v8 =	vand.u32 $0x7FFFFC00, v52;
	v6 =	vld.idx.msk [tilespmem:v6+s14+$0x0], $0xffff  }
0x102: {  	v53 =	vand.u32 $0x7FFFFC00, v29;
	[tilespmem:s23+$0xFFFFFF20] =	vst v14;
	v14 =	vld.idx.msk [tilespmem:v16+s14+$0x0], $0xffff;
	v8 =	vor.u32 v15, v8;
	v15 =	vor.u32 v0, v19  }
0x103: {  	v13 =	vadd.s32 v2, v12;
	v17 =	vor.u32 v17, v53;
	v20 =	vand.u32 $0x77, v25;
	[tilespmem:s23+$0x20] =	vst v21;
	v4 =	vld.idx.msk [tilespmem:v4+s14+$0x0], $0xffff  }
0x104: {  	v16 =	vand.u32 $0x7FFFFC00, v22;
	v22 =	vand.u32 $0x7FFFFC00, v31;
	[tilespmem:s23+$0xA0] =	vst v23;
	v9 =	vld.idx.msk [tilespmem:v9+s14+$0x0], $0xffff;
	v21 =	vadd.s32 v0, v8  }
0x105: {  	v23 =	vor.u32 v20, v54;
	v20 =	vadd.s32 v0, v17;
	[tilespmem:s23+$0x120] =	vst v18;
	v18 =	vand.u32 $0x79, v26;
	v10 =	vld.idx.msk [tilespmem:v11+s14+$0x0], $0xffff  }
0x106: {  	v11 =	vand.u32 $0x7B, v27;
	v16 =	vor.u32 v18, v16;
	v18 =	vadd.s32 v0, v23;
	v7 =	vld.idx.msk [tilespmem:v7+s14+$0x0], $0xffff;
	[tilespmem:s23+$0xFFFFFEB0] =	vst v5  }
0x107: {  	v22 =	vor.u32 v11, v22;
	v11 =	vadd.s32 v0, v16;
	[tilespmem:s23+$0x1D0] =	vst v14;
	v14 =	vshll.u32 v28, $0x3;
	v15 =	vld.idx.msk [tilespmem:v15+s14+$0x0], $0xffff  }
0x108: {  	v55 =	vadd.s32 v0, v22;
	[tilespmem:s23+$0xFFFFFF30] =	vst v4;
	v5 =	vld.idx.msk [tilespmem:v13+s14+$0x0], $0xffff;
	v13 =	vand.u32 $0x7FFFFC00, v14;
	v14 =	vand.u32 $0x7D, v28  }
0x109: {  	[tilespmem:s23+$0x30] =	vst v9;
	v9 =	vor.u32 v1, v19;
	v4 =	vor.u32 v14, v13;
	v13 =	vld.idx.msk [tilespmem:v21+s14+$0x0], $0xffff  }
0x10a: {  	[tilespmem:s23+$0xFFFFFFB0] =	vst v6;
	v6 =	vadd.s32 v3, v12;
	v14 =	vld.idx.msk [tilespmem:v20+s14+$0x0], $0xffff  }
0x10b: {  	[tilespmem:s23+$0xB0] =	vst v10;
	v18 =	vld.idx.msk [tilespmem:v18+s14+$0x0], $0xffff;
	v12 =	vadd.s32 v0, v4  }
0x10c: {  	v10 =	vadd.s32 v1, v8;
	[tilespmem:s23+$0x130] =	vst v7;
	v11 =	vld.idx.msk [tilespmem:v11+s14+$0x0], $0xffff  }
0x10d: {  	v7 =	vadd.s32 v1, v17;
	v20 =	vld.idx.msk [tilespmem:v55+s14+$0x0], $0xffff;
	[tilespmem:s23+$0xFFFFFE40] =	vst v15  }
0x10e: {  	v56 =	vadd.s32 v1, v16;
	[tilespmem:s23+$0x1E0] =	vst v5;
	v59 =	vld.idx.msk [tilespmem:v9+s14+$0x0], $0xffff  }
0x10f: {  	v5 =	vadd.s32 v1, v23;
	v6 =	vld.idx.msk [tilespmem:v6+s14+$0x0], $0xffff;
	[tilespmem:s23+$0xFFFFFEC0] =	vst v13  }
0x110: {  	v58 =	vadd.s32 v1, v22;
	[tilespmem:s23+$0xFFFFFF40] =	vst v14;
	v57 =	vld.idx.msk [tilespmem:v12+s14+$0x0], $0xffff  }
0x111: {  	v62 =	vor.u32 v2, v19;
	[tilespmem:s23+$0xFFFFFFC0] =	vst v18;
	v61 =	vld.idx.msk [tilespmem:v10+s14+$0x0], $0xffff  }
0x112: {  	v63 =	vadd.s32 v2, v8;
	v60 =	vadd.s32 v1, v4;
	v32 =	vld.idx.msk [tilespmem:v7+s14+$0x0], $0xffff;
	[tilespmem:s23+$0x40] =	vst v11  }
0x113: {  	v15 =	vadd.s32 v2, v17;
	v9 =	vor.u32 v3, v19;
	[tilespmem:s23+$0xC0] =	vst v20;
	v20 =	vld.idx.msk [tilespmem:v56+s14+$0x0], $0xffff  }
0x114: {  	v14 =	vadd.s32 v2, v23;
	v13 =	vadd.s32 v2, v16;
	v21 =	vld.idx.msk [tilespmem:v5+s14+$0x0], $0xffff;
	[tilespmem:s23+$0xFFFFFE50] =	vst v59  }
0x115: {  	v12 =	vadd.s32 v2, v22;
	v11 =	vadd.s32 v2, v4;
	v19 =	vld.idx.msk [tilespmem:v58+s14+$0x0], $0xffff;
	[tilespmem:s23+$0x1F0] =	vst v6  }
0x116: {  	v10 =	vadd.s32 v3, v8;
	v7 =	vadd.s32 v3, v17;
	v17 =	vld.idx.msk [tilespmem:v62+s14+$0x0], $0xffff;
	[tilespmem:s23+$0x140] =	vst v57  }
0x117: {  	v8 =	vadd.s32 v3, v23;
	v4 =	vadd.s32 v3, v4;
	[tilespmem:s23+$0xFFFFFED0] =	vst v61;
	v18 =	vld.idx.msk [tilespmem:v60+s14+$0x0], $0xffff  }
0x118: {  	s24 =	simm.s32 $0xC200;
	s25 =	simm.s32 $0x0;
	s26 =	simm.s32 $0x1F;
	v5 =	vadd.s32 v3, v22;
	v6 =	vadd.s32 v3, v16;
	[tilespmem:s23+$0xFFFFFF50] =	vst v32;
	v16 =	vld.idx.msk [tilespmem:v63+s14+$0x0], $0xffff  }
.LBB2_8:
0x119: {  	s0 =	sadd.s32 $0xFFFFFFF3, s26;
	s2 =	sadd.s32 $0xFFFFFFFF, s26;
	s25 =	sadd.s32 $0x8, s25;
	v15 =	vld.idx.msk [tilespmem:v15+s14+$0x0], $0xffff;
	[tilespmem:s23+$0xFFFFFFD0] =	vst v21  }
0x11a: {  	s3 =	sadd.s32 $0xFFFFFFF7, s26;
	v21 =	vmov s0;
	s0 =	sadd.s32 $0xFFFFFFF5, s26;
	v22 =	vmov s2;
	p1 =	slt.u32 s25, $0x78;
	v14 =	vld.idx.msk [tilespmem:v14+s14+$0x0], $0xffff;
	[tilespmem:s23+$0x50] =	vst v20  }
0x11b: {  	s16 =	sadd.s32 $0xFFFFFFFD, s26;
	v23 =	vmov s3;
	s2 =	sadd.s32 $0xFFFFFFFB, s26;
	v20 =	vmov s0;
	s0 =	sadd.s32 $0xFFFFFFF9, s26;
	v24 =	vshll.u32 v22, $0x3;
	v13 =	vld.idx.msk [tilespmem:v13+s14+$0x0], $0xffff;
	[tilespmem:s23+$0xD0] =	vst v19  }
0x11c: {  	s9 =	sadd.s32 $0xFFFFFFF2, s26;
	s28 =	sadd.s32 $0xFFFFFFF4, s26;
	s3 =	sadd.s32 $0xFFFFFFF1, s26;
	v22 =	vand.u32 $0x7E, v22;
	v19 =	vmov s0;
	v24 =	vand.u32 $0x400, v24;
	v12 =	vld.idx.msk [tilespmem:v12+s14+$0x0], $0xffff;
	[tilespmem:s23+$0x150] =	vst v18  }
0x11d: {  	s29 =	sadd.s32 $0xFFFFFFFA, s26;
	v25 =	vmov s2;
	v18 =	vmov s3;
	s3 =	sadd.s32 $0xFFFFFFF6, s26;
	s0 =	sadd.s32 $0xFFFFFFF8, s26;
	v22 =	vor.u32 v22, v24;
	[tilespmem:s23+$0xFFFFFE60] =	vst v17;
	v11 =	vld.idx.msk [tilespmem:v11+s14+$0x0], $0xffff  }
0x11e: {  	s2 =	sadd.s32 $0xFFFFFFFC, s26;
	v17 =	vshll.u32 v18, $0x3;
	v24 =	vmov s16;
	s16 =	sadd.s32 $0xFFFFFFFE, s26;
	v26 =	vor.u32 v0, v22;
	v9 =	vld.idx.msk [tilespmem:v9+s14+$0x0], $0xffff;
	[tilespmem:s23+$0xFFFFFEE0] =	vst v16  }
0x11f: {  	v28 =	vshll.u32 v23, $0x3;
	v27 =	vshll.u32 v20, $0x3;
	v16 =	vshll.u32 v21, $0x3;
	v10 =	vld.idx.msk [tilespmem:v10+s14+$0x0], $0xffff;
	[tilespmem:s23+$0xFFFFFF60] =	vst v15  }
0x120: {  	v29 =	vshll.u32 v25, $0x3;
	v30 =	vshll.u32 v24, $0x3;
	v15 =	vshll.u32 v19, $0x3;
	v7 =	vld.idx.msk [tilespmem:v7+s14+$0x0], $0xffff;
	[tilespmem:s23+$0xFFFFFFE0] =	vst v14  }
0x121: {  	v16 =	vand.u32 $0x400, v16;
	v14 =	vand.u32 $0x400, v17;
	v17 =	vand.u32 $0x400, v27;
	v8 =	vld.idx.msk [tilespmem:v8+s14+$0x0], $0xffff;
	[tilespmem:s23+$0x60] =	vst v13  }
0x122: {  	v15 =	vand.u32 $0x400, v15;
	v27 =	vand.u32 $0x400, v29;
	v13 =	vand.u32 $0x400, v28;
	v6 =	vld.idx.msk [tilespmem:v6+s14+$0x0], $0xffff;
	[tilespmem:s23+$0xE0] =	vst v12  }
0x123: {  	v12 =	vand.u32 $0x70, v18;
	v18 =	vand.u32 $0x72, v21;
	v21 =	vand.u32 $0x400, v30;
	v26 =	vld.idx.msk [tilespmem:v26+s14+$0x0], $0xffff;
	[tilespmem:s23+$0x160] =	vst v11  }
0x124: {  	v19 =	vand.u32 $0x78, v19;
	v11 =	vand.u32 $0x74, v20;
	v20 =	vand.u32 $0x76, v23;
	[tilespmem:s23+$0xFFFFFE70] =	vst v9;
	v5 =	vld.idx.msk [tilespmem:v5+s14+$0x0], $0xffff  }
0x125: {  	v23 =	vand.u32 $0x7C, v24;
	v24 =	vor.u32 v1, v22;
	v9 =	vand.u32 $0x7A, v25;
	[tilespmem:s23+$0xFFFFFEF0] =	vst v10;
	v4 =	vld.idx.msk [tilespmem:v4+s14+$0x0], $0xffff  }
0x126: {  	v11 =	vor.u32 v11, v17;
	v10 =	vor.u32 v12, v14;
	v12 =	vor.u32 v18, v16;
	[tilespmem:s23+$0xFFFFFF70] =	vst v7  }
0x127: {  	v9 =	vor.u32 v9, v27;
	v7 =	vor.u32 v20, v13;
	v13 =	vor.u32 v19, v15;
	[tilespmem:s23+$0xFFFFFFF0] =	vst v8  }
0x128: {  	v14 =	vor.u32 v0, v12;
	v15 =	vor.u32 v23, v21;
	v8 =	vor.u32 v0, v10;
	s23 =	sadd.s32 $0x400, s23;
	[tilespmem:s24+$0x70] =	vst v6  }
0x129: {  	v16 =	vor.u32 v0, v7;
	v17 =	vor.u32 v0, v13;
	v6 =	vor.u32 v0, v11;
	[tilespmem:s23+$0x180] =	vst v26  }
0x12a: {  	v18 =	vor.u32 v1, v10;
	v19 =	vor.u32 v0, v9;
	v20 =	vor.u32 v0, v15;
	v21 =	vld.idx.msk [tilespmem:v24+s14+$0x0], $0xffff  }
0x12b: {  	v23 =	vor.u32 v1, v12;
	v25 =	vor.u32 v1, v7;
	v24 =	vor.u32 v1, v11;
	[tilespmem:s24+$0xF0] =	vst v5  }
0x12c: {  	v27 =	vor.u32 v1, v9;
	v26 =	vor.u32 v1, v13;
	v5 =	vor.u32 v2, v22;
	[tilespmem:s24+$0x170] =	vst v4;
	s24 =	smov.u32 s23  }
0x12d: {  	v29 =	vor.u32 v2, v10;
	v30 =	vor.u32 v2, v12;
	v31 =	vor.u32 v1, v15;
	v28 =	vld.idx.msk [tilespmem:v8+s14+$0x0], $0xffff  }
0x12e: {  	v32 =	vor.u32 v2, v11;
	v33 =	vor.u32 v2, v7;
	v34 =	vor.u32 v2, v13;
	v14 =	vld.idx.msk [tilespmem:v14+s14+$0x0], $0xffff  }
0x12f: {  	v36 =	vor.u32 v2, v9;
	v10 =	vor.u32 v3, v10;
	v37 =	vor.u32 v2, v15;
	v35 =	vld.idx.msk [tilespmem:v6+s14+$0x0], $0xffff  }
0x130: {  	v38 =	vmov s9;
	v12 =	vor.u32 v3, v12;
	v8 =	vor.u32 v3, v11;
	v11 =	vld.idx.msk [tilespmem:v16+s14+$0x0], $0xffff;
	[tilespmem:s23+$0x190] =	vst v21  }
0x131: {  	v7 =	vor.u32 v3, v7;
	v4 =	vor.u32 v3, v9;
	v6 =	vor.u32 v3, v13;
	v9 =	vld.idx.msk [tilespmem:v5+s14+$0x0], $0xffff  }
0x132: {  	v13 =	vmov s28;
	v16 =	vmov s3;
	v5 =	vor.u32 v3, v15;
	v17 =	vld.idx.msk [tilespmem:v17+s14+$0x0], $0xffff  }
0x133: {  	v22 =	vor.u32 v3, v22;
	v21 =	vmov s29;
	v15 =	vmov s0;
	[tilespmem:s23+$0xFFFFFE00] =	vst v28;
	v19 =	vld.idx.msk [tilespmem:v19+s14+$0x0], $0xffff  }
0x134: {  	v39 =	vmov s16;
	v28 =	vshll.u32 v38, $0x3;
	[tilespmem:s23+$0xFFFFFE80] =	vst v14;
	v14 =	vmov s2;
	v20 =	vld.idx.msk [tilespmem:v20+s14+$0x0], $0xffff  }
0x135: {  	v40 =	vshll.u32 v13, $0x3;
	v41 =	vshll.u32 v15, $0x3;
	v18 =	vld.idx.msk [tilespmem:v18+s14+$0x0], $0xffff;
	[tilespmem:s23+$0xFFFFFF00] =	vst v35;
	v35 =	vshll.u32 v16, $0x3  }
0x136: {  	v43 =	vmov s26;
	v42 =	vshll.u32 v14, $0x3;
	v23 =	vld.idx.msk [tilespmem:v23+s14+$0x0], $0xffff;
	[tilespmem:s23+$0xFFFFFF80] =	vst v11;
	v11 =	vshll.u32 v21, $0x3  }
0x137: {  	v44 =	vshll.u32 v39, $0x3;
	v28 =	vand.u32 $0x400, v28;
	v24 =	vld.idx.msk [tilespmem:v24+s14+$0x0], $0xffff;
	[tilespmem:s23+$0x1A0] =	vst v9;
	v9 =	vshll.u32 v43, $0x3  }
0x138: {  	v40 =	vand.u32 $0x7FFFFC00, v40;
	[tilespmem:s23+$0x0] =	vst v17;
	v17 =	vld.idx.msk [tilespmem:v22+s14+$0x0], $0xffff;
	v22 =	vand.u32 $0x7F, v43;
	v9 =	vand.u32 $0x7FFFFC00, v9  }
0x139: {  	v41 =	vand.u32 $0x7FFFFC00, v41;
	v35 =	vand.u32 $0x7FFFFC00, v35;
	v25 =	vld.idx.msk [tilespmem:v25+s14+$0x0], $0xffff;
	[tilespmem:s23+$0x80] =	vst v19;
	v19 =	vor.u32 v22, v9  }
0x13a: {  	v11 =	vand.u32 $0x7FFFFC00, v11;
	v22 =	vand.u32 $0x7FFFFC00, v42;
	v9 =	vld.idx.msk [tilespmem:v26+s14+$0x0], $0xffff;
	[tilespmem:s23+$0x100] =	vst v20;
	v20 =	vadd.s32 v0, v19  }
0x13b: {  	v13 =	vand.u32 $0x73, v13;
	[tilespmem:s23+$0xFFFFFE10] =	vst v18;
	v18 =	vand.u32 $0x71, v38;
	v26 =	vld.idx.msk [tilespmem:v27+s14+$0x0], $0xffff;
	v27 =	vand.u32 $0x7FFFFC00, v44  }
0x13c: {  	v15 =	vand.u32 $0x77, v15;
	v16 =	vand.u32 $0x75, v16;
	v21 =	vand.u32 $0x79, v21;
	[tilespmem:s23+$0xFFFFFE90] =	vst v23;
	v23 =	vld.idx.msk [tilespmem:v31+s14+$0x0], $0xffff  }
0x13d: {  	v14 =	vand.u32 $0x7B, v14;
	v18 =	vor.u32 v18, v28;
	v29 =	vld.idx.msk [tilespmem:v29+s14+$0x0], $0xffff;
	[tilespmem:s23+$0xFFFFFF10] =	vst v24;
	v24 =	vand.u32 $0x7D, v39  }
0x13e: {  	v16 =	vor.u32 v16, v35;
	v28 =	vld.idx.msk [tilespmem:v30+s14+$0x0], $0xffff;
	v30 =	vor.u32 v13, v40;
	[tilespmem:s23+$0x1B0] =	vst v17  }
0x13f: {  	v21 =	vor.u32 v21, v11;
	v17 =	vor.u32 v15, v41;
	[tilespmem:s23+$0xFFFFFF90] =	vst v25;
	v11 =	vld.idx.msk [tilespmem:v20+s14+$0x0], $0xffff  }
0x140: {  	v20 =	vor.u32 v14, v22;
	v22 =	vor.u32 v24, v27;
	v13 =	vld.idx.msk [tilespmem:v32+s14+$0x0], $0xffff;
	[tilespmem:s23+$0x10] =	vst v9  }
0x141: {  	v24 =	vor.u32 v0, v18;
	v14 =	vadd.s32 v1, v19;
	v9 =	vld.idx.msk [tilespmem:v33+s14+$0x0], $0xffff;
	[tilespmem:s23+$0x90] =	vst v26  }
0x142: {  	v25 =	vadd.s32 v0, v30;
	v26 =	vadd.s32 v0, v16;
	v15 =	vld.idx.msk [tilespmem:v34+s14+$0x0], $0xffff;
	[tilespmem:s23+$0x110] =	vst v23  }
0x143: {  	v27 =	vadd.s32 v0, v21;
	v23 =	vadd.s32 v0, v17;
	[tilespmem:s23+$0xFFFFFE20] =	vst v29;
	v29 =	vld.idx.msk [tilespmem:v36+s14+$0x0], $0xffff  }
0x144: {  	v32 =	vadd.s32 v0, v22;
	[tilespmem:s23+$0xFFFFFEA0] =	vst v28;
	v28 =	vadd.s32 v0, v20;
	v31 =	vld.idx.msk [tilespmem:v37+s14+$0x0], $0xffff  }
0x145: {  	v33 =	vor.u32 v1, v18;
	v34 =	vadd.s32 v1, v30;
	v10 =	vld.idx.msk [tilespmem:v10+s14+$0x0], $0xffff;
	[tilespmem:s23+$0x1C0] =	vst v11  }
0x146: {  	v35 =	vadd.s32 v1, v16;
	v36 =	vadd.s32 v1, v17;
	[tilespmem:s23+$0xFFFFFF20] =	vst v13;
	v37 =	vld.idx.msk [tilespmem:v14+s14+$0x0], $0xffff  }
0x147: {  	v39 =	vadd.s32 v1, v21;
	v40 =	vadd.s32 v1, v20;
	v38 =	vld.idx.msk [tilespmem:v12+s14+$0x0], $0xffff;
	[tilespmem:s23+$0xFFFFFFA0] =	vst v9  }
0x148: {  	v42 =	vadd.s32 v2, v19;
	v41 =	vadd.s32 v1, v22;
	v8 =	vld.idx.msk [tilespmem:v8+s14+$0x0], $0xffff;
	[tilespmem:s23+$0x20] =	vst v15  }
0x149: {  	v43 =	vor.u32 v2, v18;
	v44 =	vadd.s32 v2, v30;
	v45 =	vld.idx.msk [tilespmem:v7+s14+$0x0], $0xffff;
	[tilespmem:s23+$0xA0] =	vst v29  }
0x14a: {  	v14 =	vadd.s32 v2, v17;
	v15 =	vadd.s32 v2, v16;
	v29 =	vld.idx.msk [tilespmem:v6+s14+$0x0], $0xffff;
	[tilespmem:s23+$0x120] =	vst v31  }
0x14b: {  	v13 =	vadd.s32 v2, v21;
	v12 =	vadd.s32 v2, v20;
	[tilespmem:s23+$0xFFFFFE30] =	vst v10;
	v31 =	vld.idx.msk [tilespmem:v4+s14+$0x0], $0xffff  }
0x14c: {  	v11 =	vadd.s32 v2, v22;
	v9 =	vor.u32 v3, v18;
	v18 =	vld.idx.msk [tilespmem:v5+s14+$0x0], $0xffff;
	[tilespmem:s23+$0x1D0] =	vst v37  }
0x14d: {  	v7 =	vadd.s32 v3, v16;
	v10 =	vadd.s32 v3, v30;
	[tilespmem:s23+$0xFFFFFEB0] =	vst v38;
	v16 =	vld.idx.msk [tilespmem:v42+s14+$0x0], $0xffff  }
0x14e: {  	v6 =	vadd.s32 v3, v21;
	v24 =	vld.idx.msk [tilespmem:v24+s14+$0x0], $0xffff;
	[tilespmem:s23+$0xFFFFFF30] =	vst v8;
	v8 =	vadd.s32 v3, v17  }
0x14f: {  	v19 =	vadd.s32 v3, v19;
	v5 =	vadd.s32 v3, v20;
	v17 =	vld.idx.msk [tilespmem:v25+s14+$0x0], $0xffff;
	[tilespmem:s23+$0xFFFFFFB0] =	vst v45  }
0x150: {  	v4 =	vadd.s32 v3, v22;
	v20 =	vld.idx.msk [tilespmem:v26+s14+$0x0], $0xffff;
	[tilespmem:s23+$0x30] =	vst v29  }
0x151: {  	v21 =	vld.idx.msk [tilespmem:v23+s14+$0x0], $0xffff;
	[tilespmem:s23+$0xB0] =	vst v31  }
0x152: {  	v22 =	vld.idx.msk [tilespmem:v27+s14+$0x0], $0xffff;
	[tilespmem:s23+$0x130] =	vst v18  }
0x153: {  	v18 =	vld.idx.msk [tilespmem:v28+s14+$0x0], $0xffff;
	[tilespmem:s23+$0x1E0] =	vst v16  }
0x154: {  	[tilespmem:s23+$0xFFFFFE40] =	vst v24;
	v16 =	vld.idx.msk [tilespmem:v19+s14+$0x0], $0xffff  }
0x155: {  	[tilespmem:s23+$0xFFFFFEC0] =	vst v17;
	v17 =	vld.idx.msk [tilespmem:v32+s14+$0x0], $0xffff  }
0x156: {  	v23 =	vld.idx.msk [tilespmem:v33+s14+$0x0], $0xffff;
	[tilespmem:s23+$0xFFFFFF40] =	vst v20  }
0x157: {  	v24 =	vld.idx.msk [tilespmem:v34+s14+$0x0], $0xffff;
	[tilespmem:s23+$0xFFFFFFC0] =	vst v21  }
0x158: {  	v25 =	vld.idx.msk [tilespmem:v35+s14+$0x0], $0xffff;
	[tilespmem:s23+$0x40] =	vst v22  }
0x159: {  	v21 =	vld.idx.msk [tilespmem:v36+s14+$0x0], $0xffff;
	[tilespmem:s23+$0xC0] =	vst v18  }
.Ltmp7:
0x15a: {  	v20 =	vld.idx.msk [tilespmem:v39+s14+$0x0], $0xffff;
	[tilespmem:s23+$0x1F0] =	vst v16;
	(pc) =	sbr.rel @p1 .LBB2_8-.Ltmp7, $4  }
0x15b: {  	v19 =	vld.idx.msk [tilespmem:v40+s14+$0x0], $0xffff;
	[tilespmem:s23+$0x140] =	vst v17  }
0x15c: {  	[tilespmem:s23+$0xFFFFFE50] =	vst v23;
	v18 =	vld.idx.msk [tilespmem:v41+s14+$0x0], $0xffff  }
0x15d: {  	v17 =	vld.idx.msk [tilespmem:v43+s14+$0x0], $0xffff;
	[tilespmem:s23+$0xFFFFFED0] =	vst v24  }
0x15e: {  	s26 =	sadd.s32 $0x10, s26;
	v16 =	vld.idx.msk [tilespmem:v44+s14+$0x0], $0xffff;
	[tilespmem:s23+$0xFFFFFF50] =	vst v25  }
0x15f: {  	_ =	sdelay $0x2  }
0x160: {  	[tilespmem:s23+$0xFFFFFFD0] =	vst v21  }
0x161: {  	v15 =	vld.idx.msk [tilespmem:v15+s14+$0x0], $0xffff;
	[tilespmem:s23+$0x50] =	vst v20  }
0x162: {  	v14 =	vld.idx.msk [tilespmem:v14+s14+$0x0], $0xffff;
	[tilespmem:s23+$0xD0] =	vst v19  }
0x163: {  	v13 =	vld.idx.msk [tilespmem:v13+s14+$0x0], $0xffff;
	[tilespmem:s23+$0x150] =	vst v18  }
0x164: {  	v12 =	vld.idx.msk [tilespmem:v12+s14+$0x0], $0xffff;
	[tilespmem:s23+$0xFFFFFE60] =	vst v17  }
0x165: {  	v11 =	vld.idx.msk [tilespmem:v11+s14+$0x0], $0xffff;
	[tilespmem:s23+$0xFFFFFEE0] =	vst v16  }
0x166: {  	v9 =	vld.idx.msk [tilespmem:v9+s14+$0x0], $0xffff;
	[tilespmem:s23+$0xFFFFFF60] =	vst v15  }
0x167: {  	v10 =	vld.idx.msk [tilespmem:v10+s14+$0x0], $0xffff;
	[tilespmem:s23+$0xFFFFFFE0] =	vst v14  }
0x168: {  	v7 =	vld.idx.msk [tilespmem:v7+s14+$0x0], $0xffff;
	[tilespmem:s23+$0x60] =	vst v13  }
0x169: {  	v8 =	vld.idx.msk [tilespmem:v8+s14+$0x0], $0xffff;
	[tilespmem:s23+$0xE0] =	vst v12  }
0x16a: {  	v6 =	vld.idx.msk [tilespmem:v6+s14+$0x0], $0xffff;
	[tilespmem:s23+$0x160] =	vst v11  }
0x16b: {  	v5 =	vld.idx.msk [tilespmem:v5+s14+$0x0], $0xffff;
	[tilespmem:s23+$0xFFFFFE70] =	vst v9  }
0x16c: {  	v4 =	vld.idx.msk [tilespmem:v4+s14+$0x0], $0xffff;
	[tilespmem:s23+$0xFFFFFEF0] =	vst v10  }
0x16d: {  	[tilespmem:s23+$0xFFFFFF70] =	vst v7  }
.Ltmp8:
0x16e: {  	[tilespmem:s23+$0xFFFFFFF0] =	vst v8;
	(pc) =	sbr.rel .LBB2_10-.Ltmp8, $4  }
0x16f: {  	s0 =	sshll.u32 s22, $0xB;
	[tilespmem:s24+$0x70] =	vst v6  }
0x170: {  	s0 =	sand.u32 $0x1FFFF800, s0;
	[tilespmem:s24+$0xF0] =	vst v5  }
0x171: {  	s0 =	sadd.s32 s4, s0;
	[tilespmem:s24+$0x170] =	vst v4  }
0x172: {  	[hbm4b:s0+s1] =	stream.linear.scatter [tilespmem:s15], [sflag:$0x4], $0x4000, $0x38;
	[tilespmem:$0x12000] =	vst v63  }
.LBB2_11:
.Ltmp9:
0x173: {  	(pc) =	sbr.rel @!p0 .LBB2_12-.Ltmp9, $1  }
0x174: {  	_ =	sdelay $0x3  }
0x175: {  	s0 =	simm.s32 $0x0;
	s2 =	rddreg [dreg:$0x3];
	s3 =	simm.s32 $0x10000  }
0x176: {  	[tilespmem:s3], [sflag:$0x5] =	stream.linear.gather [hbm4b:s2+s0], $0x2000, $0x38;
	[tilespmem:$0x12000] =	vst v63  }
0x177: {  	_ =	swait.ge [sflag:s17], $0x2000  }
0x178: {  	[sflag:s17] =	ssyncset.done $0x0  }
0x179: {  	s31 =	simm.s32 $0x0;
	[sflag:s17] =	ssyncadd.s32 $0xFFFFE000  }
0x17a: {  	v4 =	vld [tilespmem:s31+$0x10000];
	_ =	sdelay $0x3  }
0x17b: {  	s0 =	simm.s32 $0x8040  }
0x17c: {  	[tilespmem:s0+$0xFFFFFFC0] =	vst v4  }
0x17d: {  	v4 =	vld [tilespmem:s31+$0x10010];
	_ =	sdelay $0x4  }
0x17e: {  	[tilespmem:s0+$0xFFFFFFD0] =	vst v4  }
0x17f: {  	v4 =	vld [tilespmem:s31+$0x10020];
	_ =	sdelay $0x4  }
0x180: {  	[tilespmem:s0+$0xFFFFFFE0] =	vst v4  }
0x181: {  	v4 =	vld [tilespmem:s31+$0x10030];
	_ =	sdelay $0x4  }
0x182: {  	[tilespmem:s0+$0xFFFFFFF0] =	vst v4  }
0x183: {  	v4 =	vld [tilespmem:s31+$0x10080];
	_ =	sdelay $0x4  }
0x184: {  	[tilespmem:s0+$0x0] =	vst v4  }
0x185: {  	v4 =	vld [tilespmem:s31+$0x10090];
	_ =	sdelay $0x4  }
0x186: {  	[tilespmem:s0+$0x10] =	vst v4  }
0x187: {  	v4 =	vld [tilespmem:s31+$0x100A0];
	_ =	sdelay $0x4  }
0x188: {  	[tilespmem:s0+$0x20] =	vst v4  }
0x189: {  	v4 =	vld [tilespmem:s31+$0x100B0];
	_ =	sdelay $0x4  }
0x18a: {  	s2 =	simm.s32 $0x100;
	s3 =	simm.s32 $0x800;
	[tilespmem:s0+$0x30] =	vst v4  }
.LBB2_14:
0x18b: {  	p1 =	sne.s32 s3, $0x7C00;
	v4 =	vld [tilespmem:s2+$0x10000];
	_ =	sdelay $0x3  }
0x18c: {  	s0 =	sadd.s32 $0x80, s0  }
0x18d: {  	[tilespmem:s0+$0xFFFFFFC0] =	vst v4  }
0x18e: {  	v4 =	vld [tilespmem:s2+$0x10010];
	_ =	sdelay $0x4  }
0x18f: {  	[tilespmem:s0+$0xFFFFFFD0] =	vst v4  }
0x190: {  	v4 =	vld [tilespmem:s2+$0x10020];
	_ =	sdelay $0x4  }
0x191: {  	[tilespmem:s0+$0xFFFFFFE0] =	vst v4  }
0x192: {  	v4 =	vld [tilespmem:s2+$0x10030];
	_ =	sdelay $0x4  }
0x193: {  	[tilespmem:s0+$0xFFFFFFF0] =	vst v4  }
0x194: {  	v4 =	vld [tilespmem:s2+$0x10080];
	_ =	sdelay $0x4  }
0x195: {  	[tilespmem:s0+$0x0] =	vst v4  }
0x196: {  	v4 =	vld [tilespmem:s2+$0x10090];
	_ =	sdelay $0x4  }
0x197: {  	[tilespmem:s0+$0x10] =	vst v4  }
0x198: {  	v4 =	vld [tilespmem:s2+$0x100A0];
	_ =	sdelay $0x4  }
0x199: {  	[tilespmem:s0+$0x20] =	vst v4  }
0x19a: {  	v4 =	vld [tilespmem:s2+$0x100B0]  }
.Ltmp10:
0x19b: {  	(pc) =	sbr.rel @p1 .LBB2_14-.Ltmp10, $2  }
0x19c: {  	_ =	sdelay $0x2  }
0x19d: {  	s2 =	sshra.s32 s3, $0x2;
	s3 =	sadd.s32 $0x400, s3;
	[tilespmem:s0+$0x30] =	vst v4  }
0x19e: {  	v4 =	vld [tilespmem:s2+$0x10000];
	_ =	sdelay $0x3  }
0x19f: {  	s0 =	sadd.s32 $0x80, s0  }
0x1a0: {  	[tilespmem:s0+$0xFFFFFFC0] =	vst v4  }
0x1a1: {  	v4 =	vld [tilespmem:s2+$0x10010];
	_ =	sdelay $0x4  }
0x1a2: {  	[tilespmem:s0+$0xFFFFFFD0] =	vst v4  }
0x1a3: {  	v4 =	vld [tilespmem:s2+$0x10020];
	_ =	sdelay $0x4  }
0x1a4: {  	[tilespmem:s0+$0xFFFFFFE0] =	vst v4  }
0x1a5: {  	v4 =	vld [tilespmem:s2+$0x10030];
	_ =	sdelay $0x4  }
0x1a6: {  	[tilespmem:s0+$0xFFFFFFF0] =	vst v4  }
0x1a7: {  	v4 =	vld [tilespmem:s2+$0x10080];
	_ =	sdelay $0x4  }
0x1a8: {  	[tilespmem:s0+$0x0] =	vst v4  }
0x1a9: {  	v4 =	vld [tilespmem:s2+$0x10090];
	_ =	sdelay $0x4  }
0x1aa: {  	[tilespmem:s0+$0x10] =	vst v4  }
0x1ab: {  	v4 =	vld [tilespmem:s2+$0x100A0];
	_ =	sdelay $0x4  }
0x1ac: {  	[tilespmem:s0+$0x20] =	vst v4  }
0x1ad: {  	v4 =	vld [tilespmem:s2+$0x100B0];
	_ =	sdelay $0x4  }
.Ltmp11:
0x1ae: {  	s31 =	rddreg [dreg:$0x4];
	[tilespmem:s0+$0x30] =	vst v4;
	(pc) =	sbr.rel .LBB2_16-.Ltmp11, $4  }
0x1af: {  	[hbm4b:s31+s1] =	stream.linear.scatter [tilespmem:s12], [sflag:$0x3], $0x1000, $0x38;
	[tilespmem:$0x12000] =	vst v63  }
0x1b0: {  	_ =	swait.ge [sflag:s18], $0x1000  }
0x1b1: {  	[sflag:s18] =	ssyncset.done $0x0  }
0x1b2: {  	[sflag:s18] =	ssyncadd.s32 $0xFFFFF000  }
.LBB2_17:
0x1b3: {  	_ =	sfence.sel $0x180000  }
0x1b4: {  	[bflag:$0x0] =	sbarrier.arrive $0xFFFF  }
0x1b5: {  	_ =	strace $0x90000047  }
0x1b6: {  	s0 =	stileid.u32;
	[bflag:$0x2] =	sbarrier.arrive $0xFFFF  }
0x1b7: {  	p0 =	sne.s32 s0, $0x0;
	s0 =	rddreg [dreg:$0x2]  }
0x1b8: {  	s0 =	sadd.s32 @!p0 $0x100000, s0  }
0x1b9: {  	[sflag:s0] =	ssyncadd.tile.s32 @!p0 $0x1;
	_ =	shalt  }
.Lfunc_end2:
_tile_overlayer_lowered:
.L_overlay_start_2:
0x1ba: {  	(tag) =	ssettag $0x2  }
0x1bb: {  	s0 =	rddreg [dreg:$0x0];
	s2 =	stileid.u32  }
0x1bc: {  	s1 =	rddreg [dreg:$0x1];
	p0 =	sne.s32 s2, $0x0  }
0x1bd: {  	s3 =	rddreg [dreg:$0x2];
	[bflag:$0x3] =	sbarrier.arrive $0xFFFF;
	s2 =	simm.s32 @!p0 $0x1C05  }
0x1be: {  	[timem:s3], [sflag:s2] =	dma.local @!p0 [hbm:s0], s1  }
0x1bf: {  	s0 =	simm.s32 @!p0 $0x5  }
0x1c0: {  	_ =	swait.ge @!p0 [sflag:s0], s1  }
0x1c1: {  	s1 =	ssub.s32 @!p0 $0x0, s1;
	[sflag:s0] =	ssyncset.done @!p0 $0x0  }
0x1c2: {  	[sflag:s0] =	ssyncadd.s32 @!p0 s1  }
0x1c3: {  	[bflag:$0x3] =	sbarrier.arrive $0xFFFF  }
0x1c4: {  	_ =	shalt  }

// kernel: kernel.8.cloned.1.call-start
scs
__scs_entry_jumppad:
0x0: {  	(pc) =	sbr.rel $0x88, $3  }
0x1: {  	(tag) =	ssettag $0x0;
	lr =	simm.s32 $0x1  }
0x2: {  	[smem:$0x3F9B] =	sst lr;
	_ =	strace $0xD0000000  }
0x3: {  	_ = 	snop  }
0x4: {  	_ = 	snop  }
0x5: {  	_ = 	snop  }
0x6: {  	_ = 	snop  }
0x7: {  	_ = 	snop  }
__scs_overlays_trampoline_lowered:
0x8: {  	[smem:$0x3FAA] =	sst s0  }
0x9: {  	[smem:$0x3FAB] =	sst s1  }
0xa: {  	[smem:$0x3FAC] =	sst s2  }
0xb: {  	[smem:$0x3FAD] =	sst s3  }
0xc: {  	[smem:$0x3FAE] =	sst s4  }
0xd: {  	[smem:$0x3FAF] =	sst s5  }
0xe: {  	[smem:$0x3FB0] =	sst s6  }
0xf: {  	[smem:$0x3FB1] =	sst s7  }
0x10: {  	[smem:$0x3FB2] =	sst s8  }
0x11: {  	[smem:$0x3FB3] =	sst s9;
	s0 =	simm.s32 @!p0 $0x0  }
0x12: {  	s1 =	sld [smem:$0x3F99];
	s0 =	simm.s32 @p0 $0x1  }
0x13: {  	[smem:$0x3FB4] =	sst s0;
	s0 =	simm.s32 @!p1 $0x0  }
0x14: {  	s2 =	sld [smem:$0x3F98];
	s0 =	simm.s32 @p1 $0x1  }
0x15: {  	[smem:$0x3FB5] =	sst s0;
	s0 =	simm.s32 @!p2 $0x0  }
0x16: {  	s3 =	sld [smem:$0x3FDB];
	s0 =	simm.s32 @p2 $0x1  }
0x17: {  	s4 =	simm.s32 $0x1BF5;
	[smem:$0x3FB7] =	sst s0  }
0x18: {  	s0 =	sld [smem:$0x3F9A];
	_ =	swait.ge [sflag:s4], $0x0  }
0x19: {  	s7 =	sld [smem:$0x3F9B]  }
0x1a: {  	s8 =	sadd.s32 $0xFFFFE003, lr  }
0x1b: {  	s9 =	sadd.s32 $0xFFFFFEF7, lr;
	s5 =	simm.s32 $0xFFFFFFFF;
	p2 =	slt.u32 s8, $0xFFFFF086  }
0x1c: {  	p1 =	slt.u32 s9, $0xF7A;
	s5 =	simm.s32 @!p2 $0x0  }
0x1d: {  	s5 =	simm.s32 @p1 $0x1;
	p0 =	seq.s32 s7, s2  }
0x1e: {  	s7 =	smul.u32 @!p0 $0xF7A, s2;
	p2 =	seq.s32 @!p0 s5, $0x0  }
0x1f: {  	s9 =	smul.u32 $0xF7A, s1;
	s8 =	simm.s32 @!p0 $0x1BF5;
	p2 =	por !p2, p0  }
0x20: {  	[sflag:s8] =	ssyncset.s32 @!p0 $0xFFFFF086;
	s6 =	sadd.s32 @!p0 s3, s7;
	s7 =	simm.s32 @!p0 $0x108  }
0x21: {  	s3 =	sadd.s32 s3, s9;
	s6 =	sadd.s32 @!p0 $0x88, s6;
	s7 =	simm.s32 @p2 $0x1082  }
0x22: {  	[simem:s7], [sflag:s8] =	dma.local @!p0 [hbm:s6], $0xF7A  }
0x23: {  	s9 =	sor.u32 $0xD0000000, s2;
	s6 =	simm.s32 $0x108;
	_ =	swait.ge @!p0 [sflag:s8], $0x0  }
0x24: {  	s3 =	sadd.s32 $0x88, s3;
	s6 =	simm.s32 @!p1 $0x1082;
	[sflag:s4] =	ssyncset.s32 $0xFFFFF086  }
0x25: {  	[simem:s6], [sflag:s4] =	dma.local [hbm:s3], $0xF7A  }
0x26: {  	[smem:$0x3F9B] =	sst s1;
	(tag) =	ssettag s2;
	_ =	strace s9  }
0x27: {  	s1 =	sld [smem:$0x3FAB]  }
0x28: {  	s2 =	sld [smem:$0x3FAC]  }
0x29: {  	s4 =	sld [smem:$0x3FAE]  }
0x2a: {  	p0 =	seq.s32 s5, $0x0;
	s5 =	sld [smem:$0x3FAF]  }
0x2b: {  	s6 =	sld [smem:$0x3FB0]  }
0x2c: {  	s7 =	sld [smem:$0x3FB1]  }
0x2d: {  	s3 =	simm.s32 $0x108;
	s8 =	sld [smem:$0x3FB2]  }
0x2e: {  	s3 =	simm.s32 @!p0 $0x1082;
	s9 =	sld [smem:$0x3FB3]  }
0x2f: {  	lr =	sadd.s32 s0, s3;
	s0 =	sld [smem:$0x3FAA]  }
0x30: {  	s3 =	sld [smem:$0x3FAD]  }
0x31: {  	[smem:$0x3FB6] =	sst s10  }
0x32: {  	s10 =	sld [smem:$0x3FB4];
	_ =	sdelay $0x3  }
0x33: {  	p0 =	seq.s32 s10, $0x1;
	s10 =	sld [smem:$0x3FB6];
	_ =	sdelay $0x3  }
0x34: {  	[smem:$0x3FB6] =	sst s10  }
0x35: {  	s10 =	sld [smem:$0x3FB5];
	_ =	sdelay $0x3  }
0x36: {  	p1 =	seq.s32 s10, $0x1;
	s10 =	sld [smem:$0x3FB6];
	_ =	sdelay $0x3  }
0x37: {  	[smem:$0x3FB6] =	sst s10  }
0x38: {  	s10 =	sld [smem:$0x3FB7]  }
0x39: {  	_ = 	snop;
	(pc) =	sbr.ind lr, $3  }
0x3a: {  	_ = 	snop  }
0x3b: {  	_ = 	snop  }
0x3c: {  	p2 =	seq.s32 s10, $0x1;
	s10 =	sld [smem:$0x3FB6]  }
0x3d: {  	_ =	shalt  }
0x3e: {  	_ =	shalt  }
0x3f: {  	_ =	shalt  }
0x40: {  	_ =	shalt  }
0x41: {  	_ =	shalt  }
0x42: {  	_ =	shalt  }
0x43: {  	_ =	shalt  }
0x44: {  	_ =	shalt  }
0x45: {  	_ =	shalt  }
0x46: {  	_ =	shalt  }
0x47: {  	_ =	shalt  }
0x48: {  	_ =	shalt  }
0x49: {  	_ =	shalt  }
0x4a: {  	_ =	shalt  }
0x4b: {  	_ =	shalt  }
0x4c: {  	_ =	shalt  }
0x4d: {  	_ =	shalt  }
0x4e: {  	_ =	shalt  }
0x4f: {  	_ =	shalt  }
0x50: {  	_ =	shalt  }
0x51: {  	_ =	shalt  }
0x52: {  	_ =	shalt  }
0x53: {  	_ =	shalt  }
0x54: {  	_ =	shalt  }
0x55: {  	_ =	shalt  }
0x56: {  	_ =	shalt  }
0x57: {  	_ =	shalt  }
0x58: {  	_ =	shalt  }
0x59: {  	_ =	shalt  }
0x5a: {  	_ =	shalt  }
0x5b: {  	_ =	shalt  }
0x5c: {  	_ =	shalt  }
0x5d: {  	_ =	shalt  }
0x5e: {  	_ =	shalt  }
0x5f: {  	_ =	shalt  }
0x60: {  	_ =	shalt  }
0x61: {  	_ =	shalt  }
0x62: {  	_ =	shalt  }
0x63: {  	_ =	shalt  }
0x64: {  	_ =	shalt  }
0x65: {  	_ =	shalt  }
0x66: {  	_ =	shalt  }
0x67: {  	_ =	shalt  }
0x68: {  	_ =	shalt  }
0x69: {  	_ =	shalt  }
0x6a: {  	_ =	shalt  }
0x6b: {  	_ =	shalt  }
0x6c: {  	_ =	shalt  }
0x6d: {  	_ =	shalt  }
0x6e: {  	_ =	shalt  }
0x6f: {  	_ =	shalt  }
0x70: {  	_ =	shalt  }
0x71: {  	_ =	shalt  }
0x72: {  	_ =	shalt  }
0x73: {  	_ =	shalt  }
0x74: {  	_ =	shalt  }
0x75: {  	_ =	shalt  }
0x76: {  	_ =	shalt  }
0x77: {  	_ =	shalt  }
0x78: {  	_ =	shalt  }
0x79: {  	_ =	shalt  }
0x7a: {  	_ =	shalt  }
0x7b: {  	_ =	shalt  }
0x7c: {  	_ =	shalt  }
0x7d: {  	_ =	shalt  }
0x7e: {  	_ =	shalt  }
0x7f: {  	_ =	shalt  }
0x80: {  	_ =	shalt  }
0x81: {  	_ =	shalt  }
0x82: {  	_ =	shalt  }
0x83: {  	_ =	shalt  }
0x84: {  	_ =	shalt  }
0x85: {  	_ =	shalt  }
0x86: {  	_ =	shalt  }
0x87: {  	_ =	shalt  }
.Lfunc_end0:
.L_simem_size_0:
called_computation.1_lowered:
.L_overlay_start_0:
0x88: {  	s2 =	sld [smem:$0x3FD9]  }
0x89: {  	s3 =	sld [smem:$0x3FFE];
	_ =	sdelay $0x1  }
0x8a: {  	s1 =	srdreg.scid  }
0x8b: {  	s0 =	sand.u32 $0x1, s1  }
0x8c: {  	s16 =	sshll.u32 s0, $0xA;
	s2 =	sadd.s32 s3, s2  }
0x8d: {  	s2 =	sadd.s32 s2, s16  }
0x8e: {  	[smem:$0x3FC2] =	sst s2  }
0x8f: {  	_ = 	snop  }
0x90: {  	(tm) =	ssettm $0x1  }
0x91: {  	s17 =	sld [smem:$0x3FFB];
	_ =	sdelay $0x3  }
0x92: {  	_ =	strace s17  }
0x93: {  	s2 =	sld [smem:$0x3FFC];
	_ =	sdelay $0x3  }
0x94: {  	_ =	strace s2  }
0x95: {  	s2 =	sld [smem:$0x3FFD];
	_ =	sdelay $0x3  }
0x96: {  	_ =	strace s2  }
0x97: {  	_ =	strace $0x8FFFFFFF  }
0x98: {  	s18 =	sld [smem:$0x3FDB];
	_ =	sdelay $0x1  }
0x99: {  	s19 =	simm.s32 $_scs_section_size  }
0x9a: {  	s4 =	simm.s32 $_size__tile_overlayer_lowered;
	s5 =	simm.s32 $_tile_overlayer_lowered  }
0x9b: {  	s22 =	simm.s32 $0x1BFF;
	s21 =	sshll.u32 s5, $0x1;
	s2 =	sadd.s32 s19, s18  }
0x9c: {  	s6 =	simm.s32 $0x0;
	s20 =	sshll.u32 s4, $0x1;
	s4 =	sadd.s32 s21, s2  }
0x9d: {  	[timem:s6], [sflag:s22] =	dma.local [hbm:s4], s20  }
0x9e: {  	_ =	swait.ge [sflag:s22], s20  }
0x9f: {  	s3 =	ssub.s32 $0x0, s20;
	[sflag:s22] =	ssyncset.done $0x0  }
0xa0: {  	[sflag:s22] =	ssyncadd.s32 s3;
	_ =	sdelay $0x1  }
0xa1: {  	s23 =	simm.s32 $0x1B8B  }
0xa2: {  	_ =	swait.ge [sflag:s23], $0x1  }
0xa3: {  	[sflag:s23] =	ssyncset.done $0x0  }
0xa4: {  	s25 =	simm.s32 $0x1B8E;
	s24 =	sld [smem:$0x3FFE];
	[sflag:s23] =	ssyncadd.s32 $0xFFFFFFFF  }
0xa5: {  	s26 =	simm.s32 $execute0_lowered;
	[smem:$0x3FD2] =	sst s25  }
0xa6: {  	s4 =	sshll.u32 s26, $0x1;
	_ =	strace $0x80000049;
	[dreg:$0x1] =	wrdreg $0xFFFFFFFF  }
0xa7: {  	s28 =	simm.s32 $_size_execute0_lowered;
	s2 =	sadd.s32 s2, s4;
	[dreg:$0x0] =	wrdreg $0x0  }
0xa8: {  	s4 =	sshll.u32 s28, $0x1;
	[dreg:$0x2] =	wrdreg s2  }
0xa9: {  	[dreg:$0x3] =	wrdreg s4  }
0xaa: {  	[dreg:$0x4] =	wrdreg $0xC0  }
0xab: {  	_ =	task [dreg:s6], $0x5FFFF  }
0xac: {  	[dreg:$0x1] =	wrdreg $0xFFFFFFFF  }
0xad: {  	[dreg:$0x0] =	wrdreg $0x60  }
0xae: {  	[dreg:$0x2] =	wrdreg s24  }
0xaf: {  	[dreg:$0x3] =	wrdreg $0x9  }
0xb0: {  	_ =	task.clear_ibuf [dreg:s6], $0x4FFFF;
	_ =	strace $0x90000049  }
0xb1: {  	s29 =	simm.s32 $0x9;
	_ =	strace $0x8000004B  }
0xb2: {  	_ =	swait.ge [sflag:s29], $0x1  }
0xb3: {  	[sflag:s29] =	ssyncadd.s32 $0xFFFFFFFF  }
0xb4: {  	_ =	strace $0x9000004B  }
0xb5: {  	_ =	sfence  }
0xb6: {  	s30 =	sld [smem:$0x0];
	_ =	sdelay $0x2  }
0xb7: {  	s31 =	sshll.u32 s1, $0xD;
	s1 =	sshrl.u32 s1, $0x2  }
0xb8: {  	s3 =	sand.u32 $0x4000, s31;
	s1 =	sadd.s32 s1, s30  }
0xb9: {  	s0 =	sor.u32 s3, s0;
	s1 =	sshll.u32 s1, $0x11  }
0xba: {  	s0 =	sor.u32 s1, s0  }
0xbb: {  	s0 =	sadd.s32 $0x8F2B, s0  }
0xbc: {  	[sflag:s0] =	ssyncadd.remote.s32 $0x1  }
0xbd: {  	_ =	sfence.sel $0xFFFF  }
0xbe: {  	[dreg:$0x0] =	wrdreg $0xFFFFFFFF;
	(pc) =	sbr.abs _section_cstart, $3  }
0xbf: {  	[dreg:$0x1] =	wrdreg $0xFFFFFFFF  }
0xc0: {  	_ =	task.clear_ibuf [dreg:s6], $0x2FFFF;
	_ =	strace $0x9FFFFFFF  }
0xc1: {  	(tm) =	ssettm $0x7FFFFFFF  }
tec
execute0_lowered:
.L_overlay_start_1:
0x0: {  	(tag) =	ssettag $0x1  }
0x1: {  	s0 =	srdreg.scid  }
0x2: {  	s1 =	stileid.u32;
	s2 =	rddreg [dreg:$0x0]  }
0x3: {  	s5 =	simm.s32 $0x0;
	s0 =	sand.u32 $0x1, s0;
	s1 =	sshll.u32 s1, $0x1  }
0x4: {  	[smem:$0x7FF] =	sst s5;
	s28 =	sadd.s32 $0x1800, s2;
	s1 =	sor.u32 s0, s1  }
0x5: {  	s0 =	ssub.s32 $0x2, s0;
	s3 =	smul.u32 $0xC80, s1;
	s1 =	sshll.u32 s1, $0xB  }
0x6: {  	_ =	strace $0x8000004A;
	s29 =	sshrl.u32 s0, $0x1;
	s1 =	sadd.s32 s1, s2  }
0x7: {  	[dreg:$0x2] =	wrdreg s28;
	s0 =	ssub.s32 s0, s29;
	s1 =	sadd.s32 $0x7D4A00, s1  }
0x8: {  	s4 =	sadd.s32 s3, s2;
	s0 =	smax.u32 s0, $0x1;
	[dreg:$0x5] =	wrdreg s1  }
0x9: {  	s30 =	sadd.s32 $0x7BBA00, s4;
	[dreg:$0x6] =	wrdreg s0  }
0xa: {  	s31 =	sadd.s32 $0x7A2A00, s4;
	[dreg:$0x3] =	wrdreg s30  }
0xb: {  	s2 =	simm.s32 $0x0;
	s1 =	simm.s32 $0x3;
	[dreg:$0x4] =	wrdreg s31  }
.LBB2_1:
0xc: {  	[dreg:$0x7] =	wrdreg s2  }
0xd: {  	s0 =	rddreg [dreg:$0x3]  }
0xe: {  	[tilespmem:s5], [sflag:$0x3] =	stream.linear.gather [hbm4b:s0+s5], $0x6400, $0x38;
	[tilespmem:$0x1D080] =	vst v63  }
0xf: {  	_ =	swait.ge [sflag:s1], $0x6400  }
0x10: {  	[sflag:s1] =	ssyncset.done $0x0  }
0x11: {  	s6 =	simm.s32 $0x6400;
	s26 =	rddreg [dreg:$0x4];
	[sflag:s1] =	ssyncadd.s32 $0xFFFF9C00  }
0x12: {  	[tilespmem:s6], [sflag:$0x3] =	stream.linear.gather [hbm4b:s26+s5], $0x6400, $0x38;
	[tilespmem:$0x1D080] =	vst v63  }
0x13: {  	_ =	swait.ge [sflag:s1], $0x6400  }
0x14: {  	s29 =	simm.s32 $0x68;
	s30 =	simm.s32 $0xC880;
	[sflag:s1] =	ssyncset.done $0x0  }
0x15: {  	s31 =	simm.s32 $0x60;
	s28 =	rddreg [dreg:$0x2];
	[sflag:s1] =	ssyncadd.s32 $0xFFFF9C00  }
0x16: {  	[tilespmem:s30], [sflag:$0x1] =	stream.indirect.gather [hbm4b:s28+s29], $0x80, s5, s29, $0xb8;
	[tilespmem:$0x1D080] =	vst v63  }
0x17: {  	s3 =	simm.s32 $0xFC80;
	s20 =	simm.s32 $0x64C8;
	s21 =	simm.s32 $0x0  }
0x18: {  	[tilespmem:s3], [sflag:$0x1] =	stream.indirect.gather [hbm4b:s28+s31], $0x80, s29, s31, $0xb8;
	[tilespmem:$0x1D080] =	vst v63  }
.LBB2_2:
0x19: {  	s0 =	sshllo.u32 s21, $0x1  }
0x1a: {  	[dreg:$0x9] =	wrdreg s0;
	s0 =	smul.u32 $0x320, s0  }
0x1b: {  	s1 =	rddreg [dreg:$0x2];
	s2 =	simm.s32 $0x68  }
0x1c: {  	s3 =	simm.s32 $0x12C80;
	s13 =	simm.s32 $0x60;
	s0 =	sshra.s32 s0, $0x2  }
0x1d: {  	[tilespmem:s3], [sflag:$0x2] =	stream.indirect.gather [hbm4b:s1+s2], $0x80, s0, s2, $0xb8;
	[tilespmem:$0x1D080] =	vst v63  }
0x1e: {  	s14 =	simm.s32 $0x16080;
	s15 =	simm.s32 $0x1;
	s0 =	sadd.s32 $0x68, s0  }
0x1f: {  	[tilespmem:s14], [sflag:$0x2] =	stream.indirect.gather [hbm4b:s1+s13], $0x80, s0, s13, $0xb8;
	[tilespmem:$0x1D080] =	vst v63  }
0x20: {  	_ =	swait.ge [sflag:s15], $0x3400  }
0x21: {  	[sflag:s15] =	ssyncset.done $0x0  }
0x22: {  	[sflag:s15] =	ssyncadd.s32 $0xFFFFCC00  }
0x23: {  	_ =	swait.ge [sflag:s15], $0x3000  }
0x24: {  	[sflag:s15] =	ssyncset.done $0x0  }
0x25: {  	[sflag:s15] =	ssyncadd.s32 $0xFFFFD000  }
0x26: {  	v0 =	vld [tilespmem:s6+$0x0];
	_ =	sdelay $0x4  }
0x27: {  	v0 =	vshll.u32 v0, $0x2  }
0x28: {  	(v2sf) =	vpush v0, $0x6  }
0x29: {  	(v2sf) =	vpush v0, $0x4  }
0x2a: {  	(v2sf) =	vpush v0, $0x7  }
0x2b: {  	(v2sf) =	vpush v0, $0x5  }
0x2c: {  	(v2sf) =	vpush v0, $0x3  }
0x2d: {  	(v2sf) =	vpush v0, $0x1  }
0x2e: {  	(v2sf) =	vpush v0, $0x0;
	_ =	sdelay $0x4  }
0x2f: {  	(v2sf) =	vpush v0, $0x2;
	_ =	sdelay $0x2  }
0x30: {  	s16 =	smul.u32 $0x640, s21  }
0x31: {  	s29 =	simm.s32 $0x1000;
	s26 =	spop (v2sf)  }
0x32: {  	s30 =	sadd.s32 $0x8, s6;
	[dreg:$0xa] =	wrdreg s16;
	s4 =	spop (v2sf)  }
0x33: {  	s24 =	simm.s32 $0x0;
	[dreg:$0x8] =	wrdreg s6;
	s25 =	spop (v2sf)  }
0x34: {  	s17 =	sadd.s32 $0x40, s26;
	s18 =	sadd.s32 $0xC0, s4;
	s28 =	spop (v2sf)  }
0x35: {  	s5 =	sand.u32 $0xFFFFFFE0, s17;
	s0 =	sand.u32 $0xFFFFFFE0, s18;
	s2 =	spop (v2sf)  }
0x36: {  	s1 =	sshra.s32 s5, $0x2;
	s31 =	spop (v2sf);
	s7 =	sadd.s32 $0xC0, s2  }
0x37: {  	s18 =	sadd.s32 $0x80, s2;
	s12 =	spop (v2sf);
	s19 =	sshra.s32 s31, $0x2  }
0x38: {  	s16 =	sand.u32 $0xFFFFFFE0, s7;
	s7 =	sand.u32 $0xFFFFFFE0, s18;
	s22 =	sadd.s32 $0x80, s12  }
0x39: {  	s8 =	sadd.s32 $0xC0, s12;
	s6 =	sand.u32 $0xFFFFFFF8, s19;
	s10 =	sshra.s32 s12, $0x2  }
0x3a: {  	s19 =	sadd.s32 $0x80, s31;
	s7 =	sshra.s32 s7, $0x2;
	s8 =	sand.u32 $0xFFFFFFE0, s8  }
0x3b: {  	s9 =	sand.u32 $0xFFFFFFE0, s22;
	s10 =	sand.u32 $0xFFFFFFF8, s10;
	s23 =	sshra.s32 s8, $0x2  }
0x3c: {  	s8 =	spop (v2sf);
	s9 =	sshra.s32 s9, $0x2;
	s17 =	sadd.s32 $0x0, s10  }
0x3d: {  	s5 =	sadd.s32 $0x0, s23;
	s11 =	sadd.s32 $0x40, s8;
	s13 =	sadd.s32 $0x80, s8  }
0x3e: {  	s14 =	sadd.s32 $0xC0, s8;
	s23 =	sshra.s32 s16, $0x2;
	s8 =	sshra.s32 s8, $0x2  }
0x3f: {  	v12 =	vld [tilespmem:s17+$0xC880];
	s17 =	sshra.s32 s28, $0x2;
	s11 =	sand.u32 $0xFFFFFFE0, s11;
	s3 =	sand.u32 $0xFFFFFFE0, s14  }
0x40: {  	s14 =	sand.u32 $0xFFFFFFE0, s13;
	s18 =	sadd.s32 $0x0, s23;
	s23 =	sshra.s32 s2, $0x2  }
0x41: {  	s13 =	sand.u32 $0xFFFFFFF8, s8;
	s8 =	sadd.s32 $0x80, s28;
	s11 =	sshra.s32 s11, $0x2  }
0x42: {  	s10 =	sshra.s32 s3, $0x2;
	v2 =	vld [tilespmem:s18+$0xCA00];
	s18 =	sand.u32 $0xFFFFFFF8, s23;
	s15 =	sadd.s32 $0x0, s11  }
0x43: {  	s11 =	sadd.s32 $0x40, s2;
	s22 =	sadd.s32 $0x0, s10;
	s2 =	sshra.s32 s4, $0x2  }
0x44: {  	v10 =	vimm.f32 $0.0e+00;
	v4 =	vimm.f32 $0.0e+00;
	s10 =	sand.u32 $0xFFFFFFE0, s11;
	s11 =	sand.u32 $0xFFFFFFE0, s19;
	s19 =	sadd.s32 $0x40, s31  }
0x45: {  	v8 =	vimm.f32 $0.0e+00;
	v6 =	vimm.f32 $0.0e+00;
	v5 =	vimm.f32 $0.0e+00;
	v7 =	vld [tilespmem:s15+$0xC980];
	s15 =	sadd.s32 $0x80, s4;
	s3 =	sshra.s32 s11, $0x2;
	s11 =	sshra.s32 s10, $0x2  }
0x46: {  	v3 =	vimm.f32 $0.0e+00;
	v1 =	vimm.f32 $0.0e+00;
	v0 =	vimm.f32 $0.0e+00;
	v9 =	vld [tilespmem:s5+$0xC880];
	s5 =	sand.u32 $0xFFFFFFE0, s19;
	s10 =	sadd.s32 $0x80, s25;
	s16 =	sadd.s32 $0x0, s3  }
.LBB2_3:
0x47: {  	s9 =	sadd.s32 s24, s9  }
0x48: {  	v14 =	vld [tilespmem:s22+$0xC980];
	s22 =	sand.u32 $0xFFFFFFF8, s2;
	s4 =	sadd.s32 $0x40, s4;
	s2 =	smov.u32 s29  }
0x49: {  	s6 =	sadd.s32 s24, s6;
	v15 =	vld [tilespmem:s30+$0x0];
	s22 =	sadd.s32 s24, s22;
	s4 =	sand.u32 $0xFFFFFFE0, s4  }
0x4a: {  	s15 =	sand.u32 $0xFFFFFFE0, s15;
	s8 =	sand.u32 $0xFFFFFFE0, s8;
	v11 =	vld [tilespmem:s22+$0xCA80];
	s4 =	sshra.s32 s4, $0x2  }
0x4b: {  	v16 =	vld [tilespmem:s9+$0xC880];
	s4 =	sadd.s32 s24, s4;
	s9 =	sshra.s32 s15, $0x2;
	s15 =	sadd.s32 $0x80, s26  }
0x4c: {  	s8 =	sshra.s32 s8, $0x2;
	v17 =	vld [tilespmem:s4+$0xCA80];
	s4 =	sadd.s32 s24, s9;
	s9 =	sand.u32 $0xFFFFFFE0, s15  }
0x4d: {  	s14 =	sshra.s32 s14, $0x2;
	v18 =	vld [tilespmem:s4+$0xCA80];
	s4 =	sadd.s32 s24, s8;
	s8 =	sshra.s32 s9, $0x2  }
0x4e: {  	s9 =	sadd.s32 s24, s14;
	s14 =	sadd.s32 $0x40, s28;
	v13 =	vld [tilespmem:s4+$0xCB00];
	s8 =	sadd.s32 s24, s8  }
0x4f: {  	s11 =	sadd.s32 s24, s11;
	s15 =	sshra.s32 s0, $0x2;
	v15 =	vshll.u32 v15, $0x2;
	s14 =	sand.u32 $0xFFFFFFE0, s14;
	v19 =	vld [tilespmem:s16+$0xC900]  }
0x50: {  	s0 =	sadd.s32 s24, s18;
	s4 =	sadd.s32 s24, s13;
	(v2sf) =	vpush v15, $0x6;
	v20 =	vld [tilespmem:s9+$0xC980];
	s9 =	sshra.s32 s14, $0x2  }
0x51: {  	s12 =	sadd.s32 $0x40, s12;
	v10 =	vadd.f32 v12, v10;
	s13 =	sadd.s32 s24, s15;
	(v2sf) =	vpush v15, $0x4;
	s9 =	sadd.s32 s24, s9;
	v12 =	vld [tilespmem:s8+$0xCB80]  }
0x52: {  	s7 =	sadd.s32 s24, s7;
	s10 =	sand.u32 $0xFFFFFFE0, s10;
	s8 =	sand.u32 $0xFFFFFFE0, s12;
	(v2sf) =	vpush v15, $0x7;
	v21 =	vld [tilespmem:s11+$0xCA00]  }
0x53: {  	s10 =	sshra.s32 s10, $0x2;
	v4 =	vadd.f32 v16, v4;
	s8 =	sshra.s32 s8, $0x2;
	(v2sf) =	vpush v15, $0x5;
	v16 =	vld [tilespmem:s7+$0xCA00];
	s7 =	sadd.s32 $0xC0, s26  }
0x54: {  	s8 =	sadd.s32 s24, s8;
	(v2sf) =	vpush v15, $0x3;
	v8 =	vadd.f32 v19, v8;
	v19 =	vld [tilespmem:s9+$0xCB00];
	s7 =	sand.u32 $0xFFFFFFE0, s7;
	s9 =	sadd.s32 s24, s10  }
0x55: {  	s11 =	sand.u32 $0xFFFFFFF8, s17;
	s10 =	sadd.s32 $0xC0, s31;
	(v2sf) =	vpush v15, $0x1;
	v4 =	vadd.f32 v20, v4;
	s7 =	sshra.s32 s7, $0x2;
	v20 =	vld [tilespmem:s9+$0xCC00]  }
0x56: {  	v6 =	vadd.f32 v9, v6;
	s9 =	sadd.s32 s24, s11;
	(v2sf) =	vpush v15, $0x0;
	v9 =	vld [tilespmem:s6+$0xC900];
	s6 =	sand.u32 $0xFFFFFFE0, s10;
	s7 =	sadd.s32 s24, s7  }
0x57: {  	s5 =	sshra.s32 s5, $0x2;
	s1 =	sadd.s32 s24, s1;
	v22 =	vld [tilespmem:s8+$0xC880];
	s6 =	sshra.s32 s6, $0x2;
	v4 =	vadd.f32 v18, v4  }
0x58: {  	s5 =	sadd.s32 s24, s5;
	v6 =	vadd.f32 v14, v6;
	s8 =	sadd.s32 $0xC0, s28;
	s6 =	sadd.s32 s24, s6;
	v8 =	vadd.f32 v16, v8;
	v14 =	vld [tilespmem:s9+$0xCB00]  }
0x59: {  	s10 =	sadd.s32 $0x40, s25;
	s8 =	sand.u32 $0xFFFFFFE0, s8;
	s9 =	sshra.s32 s26, $0x2;
	(v2sf) =	vpush v15, $0x2;
	v15 =	vld [tilespmem:s13+$0xCA80]  }
0x5a: {  	s8 =	sshra.s32 s8, $0x2;
	s9 =	sand.u32 $0xFFFFFFF8, s9;
	v4 =	vadd.f32 v12, v4;
	v16 =	vld [tilespmem:s1+$0xCB80];
	s1 =	sand.u32 $0xFFFFFFE0, s10  }
0x5b: {  	s11 =	sadd.s32 s24, s8;
	s8 =	sadd.s32 s24, s9;
	v5 =	vadd.f32 v9, v5;
	v9 =	vld [tilespmem:s7+$0xCB80];
	s1 =	sshra.s32 s1, $0x2  }
0x5c: {  	s7 =	sadd.s32 $0xC0, s25;
	v3 =	vadd.f32 v22, v3;
	v12 =	vld [tilespmem:s4+$0xC980];
	s4 =	sshra.s32 s25, $0x2;
	s1 =	sadd.s32 s24, s1  }
0x5d: {  	p0 =	sne.s32 s29, $0x18000;
	v18 =	vld [tilespmem:s0+$0xCA00];
	s0 =	sand.u32 $0xFFFFFFF8, s4;
	s4 =	sand.u32 $0xFFFFFFE0, s7  }
0x5e: {  	s29 =	sadd.s32 $0x1000, s29;
	v22 =	vld [tilespmem:s5+$0xC900];
	v3 =	vadd.f32 v7, v3;
	v6 =	vadd.f32 v15, v6;
	s0 =	sadd.s32 s24, s0;
	s4 =	sshra.s32 s4, $0x2  }
0x5f: {  	s30 =	sadd.s32 $0x8, s30;
	s26 =	spop (v2sf);
	v7 =	vld [tilespmem:s6+$0xC900];
	s6 =	sadd.s32 s24, s4  }
0x60: {  	s24 =	sshra.s32 s2, $0x2;
	s2 =	sadd.s32 $0x40, s26;
	s4 =	spop (v2sf);
	v3 =	vadd.f32 v17, v3;
	v15 =	vld [tilespmem:s0+$0xCC00]  }
0x61: {  	v6 =	vadd.f32 v9, v6;
	s0 =	sadd.s32 $0xC0, s4;
	s7 =	sand.u32 $0xFFFFFFE0, s2;
	s25 =	spop (v2sf);
	v17 =	vld [tilespmem:s1+$0xCC00]  }
0x62: {  	s0 =	sand.u32 $0xFFFFFFE0, s0;
	s10 =	sadd.s32 $0x80, s25;
	s28 =	spop (v2sf);
	v5 =	vadd.f32 v18, v5;
	v9 =	vld [tilespmem:s8+$0xCB80];
	v3 =	vadd.f32 v16, v3  }
0x63: {  	v8 =	vadd.f32 v13, v8;
	s2 =	sshra.s32 s4, $0x2;
	v10 =	vadd.f32 v12, v10;
	s8 =	sadd.s32 $0x80, s28;
	s13 =	spop (v2sf)  }
0x64: {  	s15 =	sadd.s32 $0x80, s4;
	s31 =	spop (v2sf)  }
0x65: {  	s17 =	sshra.s32 s28, $0x2;
	v1 =	vadd.f32 v22, v1;
	s14 =	sadd.s32 $0xC0, s13;
	v0 =	vadd.f32 v7, v0;
	v7 =	vld [tilespmem:s11+$0xCB00];
	s9 =	sshra.s32 s31, $0x2  }
0x66: {  	v8 =	vadd.f32 v20, v8;
	v5 =	vadd.f32 v14, v5;
	s5 =	sadd.s32 $0x40, s31;
	s12 =	spop (v2sf);
	v12 =	vld [tilespmem:s6+$0xCC00];
	s23 =	sand.u32 $0xFFFFFFE0, s14  }
0x67: {  	v10 =	vadd.f32 v11, v10;
	v1 =	vadd.f32 v21, v1;
	s1 =	sadd.s32 $0x80, s12;
	s6 =	sadd.s32 $0xC0, s12;
	s18 =	sshra.s32 s12, $0x2  }
0x68: {  	v0 =	vadd.f32 v2, v0;
	v5 =	vadd.f32 v15, v5;
	s11 =	sand.u32 $0xFFFFFFE0, s1;
	s6 =	sand.u32 $0xFFFFFFE0, s6;
	s1 =	sshra.s32 s7, $0x2  }
0x69: {  	v1 =	vadd.f32 v19, v1;
	v10 =	vadd.f32 v9, v10;
	s7 =	sshra.s32 s6, $0x2;
	s6 =	sand.u32 $0xFFFFFFF8, s9;
	s16 =	spop (v2sf)  }
0x6a: {  	s18 =	sand.u32 $0xFFFFFFF8, s18;
	s7 =	sadd.s32 s24, s7;
	s22 =	sadd.s32 $0x40, s16;
	v0 =	vadd.f32 v7, v0  }
0x6b: {  	s9 =	sshra.s32 s11, $0x2;
	s11 =	sadd.s32 $0x80, s16;
	v1 =	vadd.f32 v17, v1;
	v9 =	vld [tilespmem:s7+$0xC880];
	s7 =	sand.u32 $0xFFFFFFE0, s22  }
0x6c: {  	s14 =	sadd.s32 s24, s18;
	s22 =	sadd.s32 $0xC0, s16;
	s7 =	sshra.s32 s7, $0x2;
	v0 =	vadd.f32 v12, v0  }
0x6d: {  	s18 =	sadd.s32 $0x40, s13;
	s3 =	sadd.s32 s24, s7;
	s7 =	sand.u32 $0xFFFFFFE0, s22  }
0x6e: {  	s18 =	sand.u32 $0xFFFFFFE0, s18;
	s7 =	sshra.s32 s7, $0x2  }
0x6f: {  	v12 =	vld [tilespmem:s14+$0xC880];
	s14 =	sand.u32 $0xFFFFFFE0, s11;
	s22 =	sadd.s32 s24, s7;
	s7 =	sadd.s32 $0x80, s13  }
.Ltmp0:
0x70: {  	s11 =	sadd.s32 $0x80, s31;
	s7 =	sand.u32 $0xFFFFFFE0, s7;
	(pc) =	sbr.rel @p0 .LBB2_3-.Ltmp0, $4  }
0x71: {  	s23 =	sshra.s32 s23, $0x2;
	s11 =	sand.u32 $0xFFFFFFE0, s11;
	s7 =	sshra.s32 s7, $0x2  }
0x72: {  	s19 =	sshra.s32 s11, $0x2;
	s11 =	sshra.s32 s18, $0x2;
	v7 =	vld [tilespmem:s3+$0xC980];
	s3 =	sadd.s32 s24, s23  }
0x73: {  	s5 =	sand.u32 $0xFFFFFFE0, s5;
	s18 =	sshra.s32 s16, $0x2;
	s23 =	sshra.s32 s13, $0x2;
	v2 =	vld [tilespmem:s3+$0xCA00]  }
0x74: {  	s16 =	sadd.s32 s24, s19;
	s13 =	sand.u32 $0xFFFFFFF8, s18;
	s18 =	sand.u32 $0xFFFFFFF8, s23  }
0x75: {  	v11 =	vld [tilespmem:s22+$0xC980]  }
0x76: {  	s19 =	sadd.s32 s24, s9;
	v18 =	vld [tilespmem:s16+$0xC900]  }
0x77: {  	s2 =	sand.u32 $0xFFFFFFF8, s2;
	s16 =	sadd.s32 s24, s6;
	v14 =	vld [tilespmem:s19+$0xC880]  }
0x78: {  	s3 =	sadd.s32 $0x40, s4;
	s8 =	sand.u32 $0xFFFFFFE0, s8;
	s1 =	sadd.s32 s24, s1;
	v24 =	vld [tilespmem:s16+$0xC900]  }
0x79: {  	s23 =	sand.u32 $0xFFFFFFE0, s15;
	v10 =	vadd.f32 v12, v10;
	s2 =	sadd.s32 s24, s2;
	s9 =	sshra.s32 s8, $0x2;
	v12 =	vld [tilespmem:s1+$0xCB80]  }
0x7a: {  	s15 =	sadd.s32 $0x80, s26;
	s3 =	sand.u32 $0xFFFFFFE0, s3;
	v13 =	vld [tilespmem:s2+$0xCA80];
	s19 =	sadd.s32 s24, s9  }
0x7b: {  	s22 =	sshra.s32 s3, $0x2;
	s3 =	sshra.s32 s23, $0x2;
	s9 =	sadd.s32 s24, s11;
	v17 =	vld [tilespmem:s19+$0xCB00]  }
0x7c: {  	s8 =	sadd.s32 $0x40, s28;
	s23 =	sshra.s32 s14, $0x2;
	s4 =	sadd.s32 s24, s3;
	v21 =	vld [tilespmem:s9+$0xCA00]  }
0x7d: {  	s14 =	sadd.s32 $0x40, s12;
	s2 =	sadd.s32 s24, s22;
	v16 =	vld [tilespmem:s4+$0xCA80];
	s4 =	sadd.s32 s24, s23  }
0x7e: {  	s22 =	sand.u32 $0xFFFFFFE0, s15;
	s15 =	sadd.s32 s24, s7;
	v19 =	vld [tilespmem:s4+$0xC980];
	s4 =	sand.u32 $0xFFFFFFE0, s8  }
0x7f: {  	v15 =	vld [tilespmem:s2+$0xCA80];
	s3 =	sshra.s32 s22, $0x2;
	s11 =	sshra.s32 s4, $0x2;
	s4 =	sand.u32 $0xFFFFFFE0, s14  }
0x80: {  	v22 =	vld [tilespmem:s15+$0xCA00];
	s2 =	sadd.s32 s24, s3;
	s4 =	sshra.s32 s4, $0x2  }
0x81: {  	s0 =	sshra.s32 s0, $0x2;
	v20 =	vld [tilespmem:s2+$0xCB80];
	s19 =	sadd.s32 s24, s4  }
0x82: {  	s0 =	sadd.s32 s24, s0;
	v25 =	vld [tilespmem:s19+$0xC880]  }
0x83: {  	s6 =	sadd.s32 s24, s13;
	s23 =	sadd.s32 $0xC0, s26;
	s8 =	sadd.s32 s24, s18;
	v4 =	vadd.f32 v14, v4;
	v14 =	vld [tilespmem:s0+$0xCA80]  }
0x84: {  	s22 =	sand.u32 $0xFFFFFFF8, s17;
	s3 =	sand.u32 $0xFFFFFFE0, s23;
	v62 =	vld [tilespmem:s8+$0xCA00];
	s2 =	sadd.s32 s24, s11  }
0x85: {  	v6 =	vadd.f32 v9, v6;
	s13 =	sadd.s32 $0x40, s25;
	v23 =	vld [tilespmem:s2+$0xCB00];
	s4 =	sadd.s32 s24, s22;
	s2 =	sshra.s32 s3, $0x2  }
0x86: {  	s7 =	sadd.s32 $0xC0, s31;
	s9 =	sshra.s32 s5, $0x2;
	v8 =	vadd.f32 v18, v8;
	v26 =	vld [tilespmem:s4+$0xCB00];
	s2 =	sadd.s32 s24, s2  }
0x87: {  	s15 =	sadd.s32 $0xC0, s28;
	v6 =	vadd.f32 v11, v6;
	s3 =	sand.u32 $0xFFFFFFE0, s7;
	s4 =	sadd.s32 s24, s9;
	v9 =	vld [tilespmem:s2+$0xCB80];
	v3 =	vadd.f32 v25, v3  }
0x88: {  	s17 =	sshra.s32 s26, $0x2;
	s18 =	sand.u32 $0xFFFFFFE0, s15;
	v5 =	vadd.f32 v24, v5;
	s3 =	sshra.s32 s3, $0x2;
	v4 =	vadd.f32 v19, v4;
	v11 =	vld [tilespmem:s4+$0xC900]  }
0x89: {  	v8 =	vadd.f32 v22, v8;
	s19 =	sand.u32 $0xFFFFFFF8, s17;
	s12 =	sadd.s32 s24, s3;
	s3 =	sand.u32 $0xFFFFFFE0, s13;
	v3 =	vadd.f32 v7, v3;
	v7 =	vld [tilespmem:s6+$0xC980]  }
0x8a: {  	s14 =	sshra.s32 s25, $0x2;
	s23 =	sadd.s32 s24, s19;
	s3 =	sshra.s32 s3, $0x2;
	v6 =	vadd.f32 v14, v6;
	v14 =	vld [tilespmem:s12+$0xC900];
	v4 =	vadd.f32 v16, v4  }
0x8b: {  	s25 =	sadd.s32 $0xC0, s25;
	s16 =	sand.u32 $0xFFFFFFF8, s14;
	v5 =	vadd.f32 v62, v5;
	v63 =	vld [tilespmem:s23+$0xCB80];
	v8 =	vadd.f32 v17, v8;
	s3 =	sadd.s32 s24, s3  }
0x8c: {  	s11 =	sand.u32 $0xFFFFFFE0, s10;
	s0 =	sadd.s32 s24, s16;
	s22 =	sshra.s32 s18, $0x2;
	v4 =	vadd.f32 v20, v4;
	v6 =	vadd.f32 v9, v6;
	v9 =	vld [tilespmem:s3+$0xCC00]  }
0x8d: {  	s26 =	sand.u32 $0xFFFFFFE0, s25;
	s2 =	sshra.s32 s11, $0x2;
	v1 =	vadd.f32 v11, v1;
	v3 =	vadd.f32 v15, v3;
	v15 =	vld [tilespmem:s0+$0xCC00];
	s0 =	sadd.s32 s24, s22  }
0x8e: {  	s4 =	sshra.s32 s26, $0x2;
	s2 =	sadd.s32 s24, s2;
	v5 =	vadd.f32 v26, v5;
	v7 =	vadd.f32 v7, v10;
	v10 =	vld [tilespmem:s0+$0xCB00]  }
0x8f: {  	s5 =	sadd.s32 s24, s4;
	v11 =	vld [tilespmem:s2+$0xCC00];
	v0 =	vadd.f32 v14, v0;
	v1 =	vadd.f32 v21, v1  }
0x90: {  	v3 =	vadd.f32 v12, v3;
	v12 =	vld [tilespmem:s5+$0xCC00];
	v7 =	vadd.f32 v13, v7  }
0x91: {  	v0 =	vadd.f32 v2, v0;
	v1 =	vadd.f32 v23, v1  }
0x92: {  	v2 =	vadd.f32 v15, v5;
	v5 =	vadd.f32 v63, v7  }
0x93: {  	v1 =	vadd.f32 v9, v1;
	v0 =	vadd.f32 v10, v0  }
0x94: {  	v7 =	vadd.f32 v11, v8;
	v2 =	vadd.f32 v2, v5  }
0x95: {  	v1 =	vadd.f32 v1, v3;
	v0 =	vadd.f32 v12, v0  }
0x96: {  	s6 =	sshll.u32 s21, $0x8;
	v3 =	vadd.f32 v7, v4;
	v2 =	vmul.f32 $4.999999890e-03, v2  }
0x97: {  	s0 =	sand.u32 $0x3FFFFF00, s6;
	v1 =	vmul.f32 $4.999999890e-03, v1;
	v0 =	vadd.f32 v0, v6  }
0x98: {  	[tilespmem:s0+$0x19080] =	vst v2;
	v2 =	vmul.f32 $4.999999890e-03, v3  }
0x99: {  	p0 =	seq.s32 s21, $0x3F;
	s1 =	rddreg [dreg:$0xa];
	[tilespmem:s0+$0x19090] =	vst v1;
	v0 =	vmul.f32 $4.999999890e-03, v0  }
0x9a: {  	s1 =	sshra.s32 @!p0 s1, $0x2;
	s7 =	simm.s32 $0x2;
	s4 =	rddreg [dreg:$0x2];
	[tilespmem:s0+$0x190A0] =	vst v2  }
0x9b: {  	s2 =	simm.s32 @!p0 $0x68;
	s3 =	simm.s32 @!p0 $0xC880;
	[tilespmem:s0+$0x190B0] =	vst v0;
	s0 =	sadd.s32 @!p0 $0x190, s1  }
0x9c: {  	[tilespmem:s3], [sflag:$0x1] =	stream.indirect.gather @!p0 [hbm4b:s4+s2], $0x80, s0, s2, $0xb8;
	[tilespmem:$0x1D080] =	vst v63  }
0x9d: {  	s0 =	sadd.s32 @!p0 $0x1F8, s1;
	s1 =	simm.s32 @!p0 $0x60;
	s2 =	simm.s32 @!p0 $0xFC80  }
0x9e: {  	[tilespmem:s2], [sflag:$0x1] =	stream.indirect.gather @!p0 [hbm4b:s4+s1], $0x80, s0, s1, $0xb8;
	[tilespmem:$0x1D080] =	vst v63  }
0x9f: {  	_ =	swait.ge [sflag:s7], $0x3400  }
0xa0: {  	[sflag:s7] =	ssyncset.done $0x0  }
0xa1: {  	[sflag:s7] =	ssyncadd.s32 $0xFFFFCC00  }
0xa2: {  	_ =	swait.ge [sflag:s7], $0x3000  }
0xa3: {  	[sflag:s7] =	ssyncset.done $0x0  }
0xa4: {  	[sflag:s7] =	ssyncadd.s32 $0xFFFFD000  }
0xa5: {  	v0 =	vld [tilespmem:s20+$0x0];
	_ =	sdelay $0x4  }
0xa6: {  	v0 =	vshll.u32 v0, $0x2  }
0xa7: {  	(v2sf) =	vpush v0, $0x6  }
0xa8: {  	(v2sf) =	vpush v0, $0x4  }
0xa9: {  	(v2sf) =	vpush v0, $0x7  }
0xaa: {  	(v2sf) =	vpush v0, $0x5  }
0xab: {  	(v2sf) =	vpush v0, $0x3  }
0xac: {  	(v2sf) =	vpush v0, $0x1  }
0xad: {  	(v2sf) =	vpush v0, $0x0;
	_ =	sdelay $0x1  }
0xae: {  	(v2sf) =	vpush v0, $0x2;
	_ =	sdelay $0x6  }
0xaf: {  	s25 =	spop (v2sf)  }
0xb0: {  	s29 =	sadd.s32 $0x8, s20;
	s4 =	spop (v2sf)  }
0xb1: {  	s28 =	simm.s32 $0x1000;
	s23 =	simm.s32 $0x0;
	s24 =	spop (v2sf)  }
0xb2: {  	s8 =	sadd.s32 $0x40, s25;
	s9 =	sadd.s32 $0xC0, s4;
	s26 =	spop (v2sf)  }
0xb3: {  	s10 =	sand.u32 $0xFFFFFFE0, s8;
	s17 =	sshra.s32 s4, $0x2;
	s3 =	spop (v2sf)  }
0xb4: {  	s0 =	sand.u32 $0xFFFFFFE0, s9;
	s30 =	sadd.s32 $0x80, s24;
	s31 =	spop (v2sf)  }
0xb5: {  	s1 =	sshra.s32 s10, $0x2;
	s5 =	sadd.s32 $0xC0, s3;
	s12 =	spop (v2sf)  }
0xb6: {  	s13 =	sshra.s32 s31, $0x2;
	s5 =	sand.u32 $0xFFFFFFE0, s5;
	s11 =	sadd.s32 $0x80, s12  }
0xb7: {  	s15 =	sadd.s32 $0xC0, s12;
	s14 =	spop (v2sf);
	s6 =	sand.u32 $0xFFFFFFF8, s13  }
0xb8: {  	s22 =	sshra.s32 s12, $0x2;
	s5 =	sshra.s32 s5, $0x2;
	s16 =	sand.u32 $0xFFFFFFE0, s11  }
0xb9: {  	s7 =	sand.u32 $0xFFFFFFE0, s15;
	s19 =	sadd.s32 $0x40, s14;
	s13 =	sadd.s32 $0x80, s14  }
0xba: {  	s18 =	sshra.s32 s7, $0x2;
	s7 =	sand.u32 $0xFFFFFFE0, s19;
	s9 =	sshra.s32 s16, $0x2  }
0xbb: {  	s16 =	sand.u32 $0xFFFFFFF8, s22;
	s22 =	sadd.s32 $0x40, s3;
	s13 =	sand.u32 $0xFFFFFFE0, s13  }
0xbc: {  	s11 =	sadd.s32 $0x0, s18;
	s2 =	sshra.s32 s7, $0x2;
	s18 =	sadd.s32 $0xC0, s14  }
0xbd: {  	s8 =	sadd.s32 $0x0, s16;
	s10 =	sand.u32 $0xFFFFFFE0, s22;
	s7 =	sadd.s32 $0x80, s26  }
0xbe: {  	s14 =	sshra.s32 s14, $0x2;
	s15 =	sadd.s32 $0x0, s2;
	s19 =	sand.u32 $0xFFFFFFE0, s18  }
0xbf: {  	s18 =	sadd.s32 $0x80, s3;
	v9 =	vld [tilespmem:s11+$0x12C80];
	s11 =	sshra.s32 s10, $0x2;
	s10 =	sshra.s32 s26, $0x2  }
0xc0: {  	s3 =	sshra.s32 s3, $0x2;
	s14 =	sand.u32 $0xFFFFFFF8, s14;
	s2 =	sshra.s32 s19, $0x2  }
0xc1: {  	v12 =	vld [tilespmem:s8+$0x12C80];
	s19 =	sadd.s32 $0x80, s31;
	s8 =	sand.u32 $0xFFFFFFF8, s3;
	s16 =	sadd.s32 $0x0, s2  }
0xc2: {  	v8 =	vimm.f32 $0.0e+00;
	v10 =	vimm.f32 $0.0e+00;
	s2 =	sand.u32 $0xFFFFFFE0, s18;
	s22 =	sand.u32 $0xFFFFFFE0, s19;
	s18 =	sadd.s32 $0x40, s31  }
0xc3: {  	v4 =	vimm.f32 $0.0e+00;
	v5 =	vimm.f32 $0.0e+00;
	v6 =	vimm.f32 $0.0e+00;
	v7 =	vld [tilespmem:s15+$0x12D80];
	s2 =	sshra.s32 s2, $0x2;
	s19 =	sshra.s32 s22, $0x2;
	s22 =	sadd.s32 $0x0, s5  }
0xc4: {  	v3 =	vimm.f32 $0.0e+00;
	v2 =	vimm.f32 $0.0e+00;
	v0 =	vimm.f32 $0.0e+00;
	s5 =	sand.u32 $0xFFFFFFE0, s18;
	s18 =	sadd.s32 $0x80, s4;
	v1 =	vld [tilespmem:s22+$0x12E00];
	s15 =	sadd.s32 $0x0, s19  }
.LBB2_5:
0xc5: {  	s3 =	sadd.s32 s23, s9  }
0xc6: {  	v14 =	vld [tilespmem:s16+$0x12D80];
	s16 =	sand.u32 $0xFFFFFFF8, s17;
	s17 =	sadd.s32 $0x40, s4;
	s4 =	smov.u32 s28  }
0xc7: {  	s9 =	sadd.s32 s23, s6;
	v15 =	vld [tilespmem:s29+$0x0];
	s6 =	sadd.s32 s23, s16;
	s16 =	sand.u32 $0xFFFFFFE0, s17  }
0xc8: {  	s7 =	sand.u32 $0xFFFFFFE0, s7;
	v11 =	vld [tilespmem:s6+$0x12E80];
	s6 =	sshra.s32 s16, $0x2;
	s16 =	sand.u32 $0xFFFFFFE0, s18  }
0xc9: {  	v16 =	vld [tilespmem:s3+$0x12C80];
	s3 =	sadd.s32 s23, s6;
	s6 =	sshra.s32 s16, $0x2;
	s16 =	sadd.s32 $0x80, s25  }
0xca: {  	v17 =	vld [tilespmem:s3+$0x12E80];
	s3 =	sadd.s32 s23, s6;
	s6 =	sshra.s32 s7, $0x2;
	s7 =	sand.u32 $0xFFFFFFE0, s16  }
0xcb: {  	s13 =	sshra.s32 s13, $0x2;
	v18 =	vld [tilespmem:s3+$0x12E80];
	s3 =	sadd.s32 s23, s6;
	s6 =	sshra.s32 s7, $0x2  }
0xcc: {  	s7 =	sadd.s32 s23, s13;
	s13 =	sadd.s32 $0x40, s26;
	v13 =	vld [tilespmem:s3+$0x12F00];
	s3 =	sadd.s32 s23, s6  }
0xcd: {  	s11 =	sadd.s32 s23, s11;
	v15 =	vshll.u32 v15, $0x2;
	s13 =	sand.u32 $0xFFFFFFE0, s13;
	v19 =	vld [tilespmem:s15+$0x12D00];
	s15 =	sshra.s32 s0, $0x2  }
0xce: {  	s6 =	sadd.s32 s23, s14;
	s0 =	sadd.s32 s23, s8;
	(v2sf) =	vpush v15, $0x6;
	v20 =	vld [tilespmem:s7+$0x12D80];
	s7 =	sshra.s32 s13, $0x2  }
0xcf: {  	v10 =	vadd.f32 v12, v10;
	s8 =	sadd.s32 $0x40, s12;
	s12 =	sadd.s32 s23, s15;
	(v2sf) =	vpush v15, $0x4;
	s7 =	sadd.s32 s23, s7;
	v12 =	vld [tilespmem:s3+$0x12F80]  }
0xd0: {  	s2 =	sadd.s32 s23, s2;
	s3 =	sand.u32 $0xFFFFFFE0, s8;
	s8 =	sand.u32 $0xFFFFFFE0, s30;
	(v2sf) =	vpush v15, $0x7;
	v21 =	vld [tilespmem:s11+$0x12E00]  }
0xd1: {  	v4 =	vadd.f32 v16, v4;
	s3 =	sshra.s32 s3, $0x2;
	s8 =	sshra.s32 s8, $0x2;
	(v2sf) =	vpush v15, $0x5;
	v16 =	vld [tilespmem:s2+$0x12E00];
	s2 =	sadd.s32 $0xC0, s25  }
0xd2: {  	s3 =	sadd.s32 s23, s3;
	(v2sf) =	vpush v15, $0x3;
	v8 =	vadd.f32 v19, v8;
	v19 =	vld [tilespmem:s7+$0x12F00];
	s2 =	sand.u32 $0xFFFFFFE0, s2;
	s7 =	sadd.s32 s23, s8  }
0xd3: {  	s10 =	sand.u32 $0xFFFFFFF8, s10;
	s8 =	sadd.s32 $0xC0, s31;
	(v2sf) =	vpush v15, $0x1;
	v4 =	vadd.f32 v20, v4;
	s2 =	sshra.s32 s2, $0x2;
	v20 =	vld [tilespmem:s7+$0x13000]  }
0xd4: {  	v6 =	vadd.f32 v9, v6;
	s7 =	sand.u32 $0xFFFFFFE0, s8;
	s8 =	sadd.s32 s23, s10;
	(v2sf) =	vpush v15, $0x0;
	v9 =	vld [tilespmem:s9+$0x12D00];
	s2 =	sadd.s32 s23, s2  }
0xd5: {  	s1 =	sadd.s32 s23, s1;
	v22 =	vld [tilespmem:s3+$0x12C80];
	s3 =	sshra.s32 s5, $0x2;
	s5 =	sshra.s32 s7, $0x2;
	v4 =	vadd.f32 v18, v4  }
0xd6: {  	v6 =	vadd.f32 v14, v6;
	s7 =	sadd.s32 $0xC0, s26;
	s3 =	sadd.s32 s23, s3;
	s5 =	sadd.s32 s23, s5;
	v8 =	vadd.f32 v16, v8;
	v14 =	vld [tilespmem:s8+$0x12F00]  }
0xd7: {  	s9 =	sadd.s32 $0x40, s24;
	s7 =	sand.u32 $0xFFFFFFE0, s7;
	s8 =	sshra.s32 s25, $0x2;
	(v2sf) =	vpush v15, $0x2;
	v15 =	vld [tilespmem:s12+$0x12E80]  }
0xd8: {  	s7 =	sshra.s32 s7, $0x2;
	s8 =	sand.u32 $0xFFFFFFF8, s8;
	v4 =	vadd.f32 v12, v4;
	v16 =	vld [tilespmem:s1+$0x12F80];
	s1 =	sand.u32 $0xFFFFFFE0, s9  }
0xd9: {  	s9 =	sadd.s32 s23, s7;
	s7 =	sadd.s32 s23, s8;
	v5 =	vadd.f32 v9, v5;
	v9 =	vld [tilespmem:s2+$0x12F80];
	s1 =	sshra.s32 s1, $0x2  }
0xda: {  	s2 =	sshra.s32 s24, $0x2;
	v3 =	vadd.f32 v22, v3;
	v12 =	vld [tilespmem:s6+$0x12D80];
	s1 =	sadd.s32 s23, s1;
	s6 =	sadd.s32 $0xC0, s24  }
0xdb: {  	p0 =	sne.s32 s28, $0x18000;
	v18 =	vld [tilespmem:s0+$0x12E00];
	s0 =	sand.u32 $0xFFFFFFF8, s2;
	s2 =	sand.u32 $0xFFFFFFE0, s6  }
0xdc: {  	s28 =	sadd.s32 $0x1000, s28;
	v22 =	vld [tilespmem:s3+$0x12D00];
	v3 =	vadd.f32 v7, v3;
	v6 =	vadd.f32 v15, v6;
	s0 =	sadd.s32 s23, s0;
	s2 =	sshra.s32 s2, $0x2  }
0xdd: {  	s29 =	sadd.s32 $0x8, s29;
	s25 =	spop (v2sf);
	v7 =	vld [tilespmem:s5+$0x12D00];
	s2 =	sadd.s32 s23, s2  }
0xde: {  	s23 =	sshra.s32 s4, $0x2;
	s4 =	spop (v2sf)  }
0xdf: {  	s3 =	sadd.s32 $0x40, s25;
	v3 =	vadd.f32 v17, v3;
	v15 =	vld [tilespmem:s0+$0x13000];
	s0 =	sadd.s32 $0xC0, s4  }
0xe0: {  	v6 =	vadd.f32 v9, v6;
	s3 =	sand.u32 $0xFFFFFFE0, s3;
	s24 =	spop (v2sf);
	v17 =	vld [tilespmem:s1+$0x13000];
	s17 =	sshra.s32 s4, $0x2  }
0xe1: {  	s0 =	sand.u32 $0xFFFFFFE0, s0;
	s30 =	sadd.s32 $0x80, s24;
	s26 =	spop (v2sf);
	v5 =	vadd.f32 v18, v5;
	v9 =	vld [tilespmem:s7+$0x12F80];
	v3 =	vadd.f32 v16, v3  }
0xe2: {  	v8 =	vadd.f32 v13, v8;
	v10 =	vadd.f32 v12, v10;
	s18 =	sadd.s32 $0x80, s4;
	s7 =	sadd.s32 $0x80, s26;
	s8 =	spop (v2sf)  }
0xe3: {  	s10 =	sshra.s32 s26, $0x2;
	v2 =	vadd.f32 v22, v2;
	s11 =	sadd.s32 $0xC0, s8;
	s31 =	spop (v2sf);
	v0 =	vadd.f32 v7, v0;
	v7 =	vld [tilespmem:s9+$0x12F00]  }
0xe4: {  	v8 =	vadd.f32 v20, v8;
	v5 =	vadd.f32 v14, v5;
	s6 =	sshra.s32 s31, $0x2;
	s5 =	sadd.s32 $0x40, s31;
	s12 =	spop (v2sf);
	v12 =	vld [tilespmem:s2+$0x13000]  }
0xe5: {  	v10 =	vadd.f32 v11, v10;
	v2 =	vadd.f32 v21, v2;
	s11 =	sand.u32 $0xFFFFFFE0, s11;
	s1 =	sadd.s32 $0x80, s12;
	s2 =	sadd.s32 $0xC0, s12  }
0xe6: {  	v0 =	vadd.f32 v1, v0;
	v5 =	vadd.f32 v15, v5;
	s9 =	sand.u32 $0xFFFFFFE0, s1;
	s2 =	sand.u32 $0xFFFFFFE0, s2;
	s1 =	sshra.s32 s3, $0x2  }
0xe7: {  	s6 =	sand.u32 $0xFFFFFFF8, s6;
	v1 =	vadd.f32 v19, v2;
	v10 =	vadd.f32 v9, v10;
	s2 =	sshra.s32 s2, $0x2;
	s3 =	spop (v2sf)  }
0xe8: {  	s13 =	sshra.s32 s12, $0x2;
	s2 =	sadd.s32 s23, s2;
	s14 =	sadd.s32 $0x40, s3;
	v0 =	vadd.f32 v7, v0  }
0xe9: {  	s9 =	sshra.s32 s9, $0x2;
	v2 =	vadd.f32 v17, v1;
	v9 =	vld [tilespmem:s2+$0x12C80];
	s2 =	sand.u32 $0xFFFFFFE0, s14;
	s14 =	sadd.s32 $0x80, s3  }
0xea: {  	s13 =	sand.u32 $0xFFFFFFF8, s13;
	s15 =	sadd.s32 $0xC0, s3;
	s2 =	sshra.s32 s2, $0x2;
	v0 =	vadd.f32 v12, v0  }
0xeb: {  	s19 =	sadd.s32 s23, s2;
	s2 =	sand.u32 $0xFFFFFFE0, s15;
	s15 =	sadd.s32 $0x40, s8  }
0xec: {  	s13 =	sadd.s32 s23, s13;
	s2 =	sshra.s32 s2, $0x2;
	s15 =	sand.u32 $0xFFFFFFE0, s15  }
0xed: {  	v12 =	vld [tilespmem:s13+$0x12C80];
	s13 =	sand.u32 $0xFFFFFFE0, s14;
	s16 =	sadd.s32 s23, s2;
	s2 =	sadd.s32 $0x80, s8  }
.Ltmp1:
0xee: {  	s14 =	sadd.s32 $0x80, s31;
	s2 =	sand.u32 $0xFFFFFFE0, s2;
	(pc) =	sbr.rel @p0 .LBB2_5-.Ltmp1, $4  }
0xef: {  	s22 =	sshra.s32 s11, $0x2;
	s14 =	sand.u32 $0xFFFFFFE0, s14;
	s2 =	sshra.s32 s2, $0x2  }
0xf0: {  	s11 =	sshra.s32 s15, $0x2;
	s15 =	sadd.s32 s23, s22;
	s14 =	sshra.s32 s14, $0x2;
	v7 =	vld [tilespmem:s19+$0x12D80]  }
0xf1: {  	s5 =	sand.u32 $0xFFFFFFE0, s5;
	s3 =	sshra.s32 s3, $0x2;
	s8 =	sshra.s32 s8, $0x2;
	v1 =	vld [tilespmem:s15+$0x12E00]  }
0xf2: {  	s8 =	sand.u32 $0xFFFFFFF8, s8;
	s15 =	sadd.s32 s23, s14;
	s14 =	sand.u32 $0xFFFFFFF8, s3  }
0xf3: {  	v11 =	vld [tilespmem:s16+$0x12D80]  }
0xf4: {  	s3 =	sand.u32 $0xFFFFFFF8, s17;
	s17 =	sadd.s32 s23, s9;
	v18 =	vld [tilespmem:s15+$0x12D00]  }
0xf5: {  	s19 =	sand.u32 $0xFFFFFFE0, s18;
	s18 =	sadd.s32 s23, s11;
	v14 =	vld [tilespmem:s17+$0x12C80]  }
0xf6: {  	s2 =	sadd.s32 s23, s2;
	v21 =	vld [tilespmem:s18+$0x12E00]  }
0xf7: {  	s1 =	sadd.s32 s23, s1;
	v22 =	vld [tilespmem:s2+$0x12E00]  }
0xf8: {  	s16 =	sshra.s32 s13, $0x2;
	s13 =	sadd.s32 s23, s8;
	v47 =	vld [tilespmem:s1+$0x12F80]  }
0xf9: {  	s4 =	sadd.s32 $0x40, s4;
	s11 =	sadd.s32 s23, s14;
	v49 =	vld [tilespmem:s13+$0x12E00]  }
0xfa: {  	s22 =	sand.u32 $0xFFFFFFE0, s7;
	s0 =	sshra.s32 s0, $0x2;
	s3 =	sadd.s32 s23, s3;
	v51 =	vld [tilespmem:s11+$0x12D80]  }
0xfb: {  	s4 =	sand.u32 $0xFFFFFFE0, s4;
	s28 =	sshra.s32 s19, $0x2;
	s0 =	sadd.s32 s23, s0;
	v13 =	vld [tilespmem:s3+$0x12E80]  }
0xfc: {  	s7 =	sadd.s32 $0x80, s25;
	s4 =	sshra.s32 s4, $0x2;
	s29 =	sadd.s32 s23, s28;
	v27 =	vld [tilespmem:s0+$0x12E80]  }
0xfd: {  	s14 =	sshra.s32 s5, $0x2;
	s3 =	sshra.s32 s22, $0x2;
	s4 =	sadd.s32 s23, s4;
	v16 =	vld [tilespmem:s29+$0x12E80]  }
0xfe: {  	s15 =	sand.u32 $0xFFFFFFE0, s30;
	s9 =	sand.u32 $0xFFFFFFE0, s7;
	s3 =	sadd.s32 s23, s3;
	v15 =	vld [tilespmem:s4+$0x12E80]  }
0xff: {  	s17 =	sadd.s32 $0x40, s26;
	v17 =	vld [tilespmem:s3+$0x12F00];
	s3 =	sshra.s32 s9, $0x2;
	s4 =	sadd.s32 s23, s16  }
0x100: {  	s22 =	sadd.s32 $0x40, s12;
	v19 =	vld [tilespmem:s4+$0x12D80];
	s3 =	sadd.s32 s23, s3;
	s4 =	sand.u32 $0xFFFFFFE0, s17  }
0x101: {  	s29 =	sand.u32 $0xFFFFFFE0, s22;
	v20 =	vld [tilespmem:s3+$0x12F80];
	s19 =	sshra.s32 s4, $0x2;
	s4 =	sadd.s32 s23, s6  }
0x102: {  	s9 =	sadd.s32 $0xC0, s25;
	s3 =	sshra.s32 s29, $0x2;
	s28 =	sadd.s32 s23, s19;
	v24 =	vld [tilespmem:s4+$0x12D00]  }
0x103: {  	s7 =	sand.u32 $0xFFFFFFF8, s10;
	s2 =	sand.u32 $0xFFFFFFE0, s9;
	s6 =	sadd.s32 s23, s3;
	v23 =	vld [tilespmem:s28+$0x12F00]  }
0x104: {  	v10 =	vadd.f32 v12, v10;
	v6 =	vadd.f32 v9, v6;
	s12 =	sadd.s32 $0xC0, s31;
	s10 =	sshra.s32 s2, $0x2;
	s3 =	sadd.s32 s23, s7;
	v25 =	vld [tilespmem:s6+$0x12C80]  }
0x105: {  	s18 =	sshra.s32 s24, $0x2;
	v8 =	vadd.f32 v18, v8;
	v4 =	vadd.f32 v14, v4;
	s2 =	sand.u32 $0xFFFFFFE0, s12;
	s0 =	sadd.s32 s23, s10;
	v26 =	vld [tilespmem:s3+$0x12F00]  }
0x106: {  	s22 =	sshra.s32 s25, $0x2;
	v6 =	vadd.f32 v11, v6;
	v10 =	vadd.f32 v51, v10;
	s2 =	sshra.s32 s2, $0x2;
	v48 =	vld [tilespmem:s0+$0x12F80];
	s3 =	sadd.s32 s23, s14  }
0x107: {  	s17 =	sadd.s32 $0x40, s24;
	v8 =	vadd.f32 v22, v8;
	s16 =	sadd.s32 s23, s2;
	s0 =	sand.u32 $0xFFFFFFF8, s22;
	v50 =	vld [tilespmem:s3+$0x12D00];
	v4 =	vadd.f32 v19, v4  }
0x108: {  	s19 =	sadd.s32 $0xC0, s26;
	v6 =	vadd.f32 v27, v6;
	v10 =	vadd.f32 v13, v10;
	s3 =	sand.u32 $0xFFFFFFF8, s18;
	v52 =	vld [tilespmem:s16+$0x12D00];
	s0 =	sadd.s32 s23, s0  }
0x109: {  	s26 =	sshra.s32 s15, $0x2;
	s2 =	sand.u32 $0xFFFFFFE0, s17;
	v8 =	vadd.f32 v17, v8;
	s3 =	sadd.s32 s23, s3;
	v55 =	vld [tilespmem:s0+$0x12F80];
	v4 =	vadd.f32 v16, v4  }
0x10a: {  	s1 =	sand.u32 $0xFFFFFFE0, s19;
	s2 =	sshra.s32 s2, $0x2;
	s0 =	sadd.s32 s23, s26;
	v53 =	vld [tilespmem:s3+$0x13000];
	v5 =	vadd.f32 v24, v5;
	v3 =	vadd.f32 v25, v3  }
0x10b: {  	s25 =	sadd.s32 $0xC0, s24;
	s1 =	sshra.s32 s1, $0x2;
	s2 =	sadd.s32 s23, s2;
	v57 =	vld [tilespmem:s0+$0x13000];
	v6 =	vadd.f32 v48, v6;
	v4 =	vadd.f32 v20, v4  }
0x10c: {  	s1 =	sadd.s32 s23, s1;
	v54 =	vld [tilespmem:s2+$0x13000];
	s2 =	sand.u32 $0xFFFFFFE0, s25;
	v5 =	vadd.f32 v49, v5;
	v2 =	vadd.f32 v50, v2  }
0x10d: {  	v56 =	vld [tilespmem:s1+$0x12F00];
	s28 =	sshra.s32 s2, $0x2;
	v0 =	vadd.f32 v52, v0;
	v3 =	vadd.f32 v7, v3  }
0x10e: {  	s29 =	sadd.s32 s23, s28;
	v61 =	vadd.f32 v55, v10;
	v2 =	vadd.f32 v21, v2  }
0x10f: {  	v58 =	vld [tilespmem:s29+$0x13000];
	v5 =	vadd.f32 v26, v5;
	v0 =	vadd.f32 v1, v0  }
0x110: {  	v8 =	vadd.f32 v57, v8;
	v3 =	vadd.f32 v15, v3  }
0x111: {  	v59 =	vadd.f32 v23, v2;
	v60 =	vadd.f32 v53, v5  }
0x112: {  	v0 =	vadd.f32 v56, v0;
	v62 =	vadd.f32 v8, v4  }
0x113: {  	v3 =	vadd.f32 v47, v3;
	v1 =	vadd.f32 v54, v59  }
0x114: {  	s30 =	rddreg [dreg:$0x9];
	s21 =	sadd.s32 $0x1, s21;
	v2 =	vadd.f32 v60, v61;
	v0 =	vadd.f32 v58, v0  }
0x115: {  	p0 =	sne.s32 s21, $0x40;
	s0 =	sshll.u32 s30, $0x7;
	v63 =	vmul.f32 $4.999999890e-03, v62;
	v1 =	vadd.f32 v1, v3  }
.Ltmp2:
0x116: {  	s0 =	sand.u32 $0x3FFFFF80, s0;
	v2 =	vmul.f32 $4.999999890e-03, v2;
	v0 =	vadd.f32 v0, v6;
	(pc) =	sbr.rel @p0 .LBB2_2-.Ltmp2, $4  }
0x117: {  	[tilespmem:s0+$0x190A0] =	vst v63;
	v1 =	vmul.f32 $4.999999890e-03, v1  }
0x118: {  	[tilespmem:s0+$0x19080] =	vst v2;
	v0 =	vmul.f32 $4.999999890e-03, v0  }
0x119: {  	s31 =	rddreg [dreg:$0x8];
	[tilespmem:s0+$0x19090] =	vst v1  }
0x11a: {  	s20 =	sadd.s32 $0x190, s20;
	s6 =	sadd.s32 $0x190, s31;
	[tilespmem:s0+$0x190B0] =	vst v0  }
0x11b: {  	s5 =	simm.s32 $0x0;
	s0 =	rddreg [dreg:$0x5];
	s1 =	simm.s32 $0x19080  }
0x11c: {  	[hbm4b:s0+s5] =	stream.linear.scatter [tilespmem:s1], [sflag:$0x3], $0x4000, $0x38;
	[tilespmem:$0x1D080] =	vst v63  }
0x11d: {  	s1 =	simm.s32 $0x3  }
0x11e: {  	_ =	swait.ge [sflag:s1], $0x4000  }
0x11f: {  	s2 =	rddreg [dreg:$0x7]  }
0x120: {  	s31 =	rddreg [dreg:$0x6];
	s2 =	sadd.s32 $0x1, s2  }
0x121: {  	p0 =	sne.s32 s2, s31  }
.Ltmp3:
0x122: {  	_ = 	snop;
	(pc) =	sbr.rel @p0 .LBB2_1-.Ltmp3, $3  }
0x123: {  	_ =	sdelay $0x1  }
0x124: {  	[sflag:s1] =	ssyncset.done $0x0  }
0x125: {  	[sflag:s1] =	ssyncadd.s32 $0xFFFFC000  }
0x126: {  	_ =	sfence.sel $0x180000  }
0x127: {  	[bflag:$0x0] =	sbarrier.arrive $0xFFFF  }
0x128: {  	_ =	strace $0x9000004A  }
0x129: {  	s0 =	stileid.u32;
	[bflag:$0x2] =	sbarrier.arrive $0xFFFF  }
0x12a: {  	p0 =	sne.s32 s0, $0x0;
	s0 =	rddreg [dreg:$0x1]  }
0x12b: {  	s0 =	sadd.s32 @!p0 $0x100000, s0  }
0x12c: {  	[sflag:s0] =	ssyncadd.tile.s32 @!p0 $0x1;
	_ =	shalt  }
.Lfunc_end2:
_tile_overlayer_lowered:
.L_overlay_start_2:
0x12d: {  	(tag) =	ssettag $0x2  }
0x12e: {  	s0 =	rddreg [dreg:$0x0];
	s2 =	stileid.u32  }
0x12f: {  	s1 =	rddreg [dreg:$0x1];
	p0 =	sne.s32 s2, $0x0  }
0x130: {  	s3 =	rddreg [dreg:$0x2];
	[bflag:$0x3] =	sbarrier.arrive $0xFFFF;
	s2 =	simm.s32 @!p0 $0x1C03  }
0x131: {  	[timem:s3], [sflag:s2] =	dma.local @!p0 [hbm:s0], s1  }
0x132: {  	s0 =	simm.s32 @!p0 $0x3  }
0x133: {  	_ =	swait.ge @!p0 [sflag:s0], s1  }
0x134: {  	s1 =	ssub.s32 @!p0 $0x0, s1;
	[sflag:s0] =	ssyncset.done @!p0 $0x0  }
0x135: {  	[sflag:s0] =	ssyncadd.s32 @!p0 s1  }
0x136: {  	[bflag:$0x3] =	sbarrier.arrive $0xFFFF  }
0x137: {  	_ =	shalt  }

</sc_bundles>
